<compile_context>
chip_gen: v7x
topology: tpu7x:2x2x1
jax: 0.10.2.dev20260603
libtpu: 0.0.44.dev20260713+nightly
codegen_flags: <defaults>
</compile_context>

<pallas_src>
import functools

import jax
import jax.numpy as jnp
from jax import lax
from jax.experimental import pallas as pl
from jax.experimental.pallas import tpu as pltpu
from jax.experimental.pallas import tpu_sc as plsc

VOCAB = 100000
EMBED_DIM = 32
BATCH = 16384
H1, H2, H3 = 128, 64, 32
TPAD_ROWS = 100352
QUADS = TPAD_ROWS // 4


_PADBLK = 16384


def _padt_body(xt_ref, e_ref, o_ref):
    e = e_ref[...]
    for t in range(_PADBLK // 128):
        tile = xt_ref[:, pl.ds(t * 128, 128)]
        tt = lax.dot_general(
            e, tile, (((1,), (1,)), ((), ())),
            preferred_element_type=jnp.float32,
        )
        o_ref[pl.ds((t // 4) * 128, 128), pl.ds((t % 4) * 32, 32)] = tt


def _tc_pad(tT):
    nblk = (TPAD_ROWS + _PADBLK - 1) // _PADBLK
    eye = jnp.eye(128, dtype=jnp.float32)
    return pl.pallas_call(
        _padt_body,
        grid=(nblk,),
        in_specs=[
            pl.BlockSpec((EMBED_DIM, _PADBLK), lambda i: (0, i)),
            pl.BlockSpec((128, 128), lambda i: (0, 0)),
        ],
        out_specs=pl.BlockSpec((_PADBLK // 4, 128), lambda i: (i, 0)),
        out_shape=jax.ShapeDtypeStruct((QUADS, 128), jnp.float32),
    )(tT, eye)


@functools.lru_cache(maxsize=None)
def _make_sc_gather(B, D):
    info = plsc.get_sparse_core_info()
    NC, NS = info.num_cores, info.num_subcores
    NW = NC * NS
    bw = B // NW
    mesh = plsc.VectorSubcoreMesh(core_axis_name="c", subcore_axis_name="s")

    @functools.partial(
        pl.kernel,
        mesh=mesh,
        out_type=jax.ShapeDtypeStruct((B, D), jnp.float32),
        scratch_types=[
            pltpu.VMEM((bw,), jnp.int32),
            pltpu.VMEM((bw, D), jnp.float32),
            pltpu.SemaphoreType.DMA,
        ],
        compiler_params=pltpu.CompilerParams(use_tc_tiling_on_sc=False),
    )
    def gather_kernel(view_hbm, idx_hbm, out_hbm, q_v, rows_v, sem):
        wid = lax.axis_index("s") * NC + lax.axis_index("c")
        base = wid * bw
        pltpu.sync_copy(idx_hbm.at[pl.ds(base, bw)], q_v)
        L = 16
        for k in range(bw // L):
            sl = pl.ds(k * L, L)
            r = q_v[sl]
            q_v[sl] = (
                lax.shift_left(lax.shift_right_logical(r, 9), 9)
                | lax.shift_left(jnp.bitwise_and(r, 127), 2)
                | jnp.bitwise_and(lax.shift_right_logical(r, 7), 3)
            )
        pltpu.async_copy(view_hbm.at[q_v], rows_v, sem).wait()
        pltpu.sync_copy(rows_v, out_hbm.at[pl.ds(base, bw)])

    return gather_kernel


def _mlp_body(x_ref, w1_ref, b1_ref, w2_ref, b2_ref, w3_ref, b3_ref, o_ref):
    x = x_ref[...]
    h = jnp.dot(x, w1_ref[...], preferred_element_type=jnp.float32)
    h = jnp.maximum(h + b1_ref[...], 0.0)
    h = jnp.dot(h, w2_ref[...], preferred_element_type=jnp.float32)
    h = jnp.maximum(h + b2_ref[...], 0.0)
    o = jnp.dot(h, w3_ref[...], preferred_element_type=jnp.float32)
    o_ref[...] = o + b3_ref[...]


def _tc_mlp_quad(x4, W1, b1, W2, b2, W3, b3):
    eye4 = jnp.eye(4, dtype=jnp.float32)
    w1q = jnp.kron(eye4, W1)
    w2q = jnp.kron(eye4, W2)
    w3q = jnp.kron(eye4, W3)
    b1q = jnp.tile(b1, 4).reshape(1, 4 * H1)
    b2q = jnp.tile(b2, 4).reshape(1, 4 * H2)
    b3q = jnp.tile(b3, 4).reshape(1, 4 * H3)
    BQ = BATCH // 4
    BB = 1024
    grid = (BQ // BB,)
    full = lambda i: (0, 0)
    return pl.pallas_call(
        _mlp_body,
        grid=grid,
        in_specs=[
            pl.BlockSpec((BB, 128), lambda i: (i, 0)),
            pl.BlockSpec((128, 4 * H1), full),
            pl.BlockSpec((1, 4 * H1), full),
            pl.BlockSpec((4 * H1, 4 * H2), full),
            pl.BlockSpec((1, 4 * H2), full),
            pl.BlockSpec((4 * H2, 4 * H3), full),
            pl.BlockSpec((1, 4 * H3), full),
        ],
        out_specs=pl.BlockSpec((BB, 128), lambda i: (i, 0)),
        out_shape=jax.ShapeDtypeStruct((BQ, 128), jnp.float32),
    )(x4, w1q, b1q, w2q, b2q, w3q, b3q)


def kernel(ids, table, W1, b1, W2, b2, W3, b3):
    t4 = _tc_pad(table.T)
    view = t4.reshape(TPAD_ROWS, EMBED_DIM)
    x = _make_sc_gather(BATCH, EMBED_DIM)(view, ids.astype(jnp.int32))
    x4 = x.reshape(BATCH // 4, 128)
    o4 = _tc_mlp_quad(x4, W1, b1, W2, b2, W3, b3)
    return o4.reshape(BATCH, H3)

# --- scband reference (transcript-rebuilt; emitter-appended) ---
"""Pipeline reference for scband-query-model-55336358642934 (READ-ONLY COPY).

The authoritative reference and input builder live on the scoring server;
editing this copy changes nothing except your own understanding.
"""

import jax, jax.numpy as jnp
import numpy as np

VOCAB = 100000
EMBED_DIM = 32
BATCH = 16384
LAYER_SIZES = [128, 64, 32]


def setup_inputs(seed: int = 0) -> dict:
    key = jax.random.key(seed)
    k_ids, k_tab, k1, k2, k3 = jax.random.split(key, 5)
    ids = jax.random.randint(k_ids, (BATCH,), 0, VOCAB, dtype=jnp.int64 if jax.config.jax_enable_x64 else jnp.int32)
    # Embedding table: vocab + 1 rows (StringLookup OOV slot) x embed_dim
    table = jax.random.normal(k_tab, (VOCAB + 1, EMBED_DIM), dtype=jnp.float32) * 0.05
    # Dense tower weights: 32 -> 128 -> 64 -> 32
    W1 = jax.random.normal(k1, (EMBED_DIM, LAYER_SIZES[0]), dtype=jnp.float32) * (1.0 / np.sqrt(EMBED_DIM))
    b1 = jnp.zeros((LAYER_SIZES[0],), dtype=jnp.float32)
    W2 = jax.random.normal(k2, (LAYER_SIZES[0], LAYER_SIZES[1]), dtype=jnp.float32) * (1.0 / np.sqrt(LAYER_SIZES[0]))
    b2 = jnp.zeros((LAYER_SIZES[1],), dtype=jnp.float32)
    W3 = jax.random.normal(k3, (LAYER_SIZES[1], LAYER_SIZES[2]), dtype=jnp.float32) * (1.0 / np.sqrt(LAYER_SIZES[1]))
    b3 = jnp.zeros((LAYER_SIZES[2],), dtype=jnp.float32)
    return {"ids": ids, "table": table, "W1": W1, "b1": b1, "W2": W2, "b2": b2, "W3": W3, "b3": b3}


def reference(ids, table, W1, b1, W2, b2, W3, b3):
    # UserModel: embedding lookup (StringLookup already maps to int indices)
    feature_embedding = jnp.take(table, ids, axis=0)  # [B, 32]
    # Dense tower: relu for all but last layer
    h = jax.nn.relu(feature_embedding @ W1 + b1)
    h = jax.nn.relu(h @ W2 + b2)
    out = h @ W3 + b3
    return out

if __name__ == "__main__":
    import jax
    _d = setup_inputs()
    print(jax.jit(kernel)(*tuple(_d.values())))

</pallas_src>

<mosaic_0001>
#map = affine_map<(d0, d1) -> (0, 0)>
#map1 = affine_map<(d0, d1) -> (0)>
module attributes {stable_mosaic.version = 14 : i64} {
  func.func @gather_kernel(%arg0: i32, %arg1: i32, %arg2: memref<100352x32xf32, #tpu.memory_space<hbm>>, %arg3: memref<16384xi32, #tpu.memory_space<hbm>>, %arg4: memref<16384x32xf32, #tpu.memory_space<hbm>>, %arg5: memref<512xi32, #tpu.memory_space<vmem>>, %arg6: memref<512x32xf32, #tpu.memory_space<vmem>>, %arg7: memref<!tpu.dma_semaphore, #tpu.memory_space<semaphore_mem>>) attributes {dimension_semantics = [#tpu.dimension_semantics<core_parallel>, #tpu.dimension_semantics<subcore_parallel>], iteration_bounds = array<i64: 2, 16>, scalar_prefetch = 0 : i64, scratch_operands = 3 : i64, tpu.core_type = #tpu.core_type<sc_vector_subcore>, window_params = [{transform_indices = #map}, {transform_indices = #map1}, {transform_indices = #map}]} {
    %mul3A = arith.constant 2 : i32
    %mul3A_0 = arith.muli %arg1, %mul3A : i32
    %add3A = arith.addi %mul3A_0, %arg0 : i32
    %mul3A_1 = arith.constant 512 : i32
    %mul3A_2 = arith.muli %add3A, %mul3A_1 : i32
    "tpu.region"() ({
      %run_scoped3A = tpu.sem_alloc : memref<!tpu.dma_semaphore, #tpu.memory_space<semaphore_mem>>
      %dma_start3A_865 = tpu.memref_slice %arg3[%mul3A_2] : memref<16384xi32, #tpu.memory_space<hbm>> -> memref<512xi32, #tpu.memory_space<hbm>>
      %dma_start3A_866 = tpu.memref_slice %arg3[%mul3A_2] : memref<16384xi32, #tpu.memory_space<hbm>> -> memref<512xi32, #tpu.memory_space<hbm>>
      tpu.enqueue_dma source(%dma_start3A_866 : memref<512xi32, #tpu.memory_space<hbm>>) target(%arg5 : memref<512xi32, #tpu.memory_space<vmem>>) target_semaphore(%run_scoped3A : memref<!tpu.dma_semaphore, #tpu.memory_space<semaphore_mem>>)
      %dma_wait3A_867 = tpu.memref_slice %arg3[%mul3A_2] : memref<16384xi32, #tpu.memory_space<hbm>> -> memref<512xi32, #tpu.memory_space<hbm>>
      %dma_wait3A_868 = tpu.memref_slice %arg3[%mul3A_2] : memref<16384xi32, #tpu.memory_space<hbm>> -> memref<512xi32, #tpu.memory_space<hbm>>
      tpu.wait_dma2 semaphore(%run_scoped3A : memref<!tpu.dma_semaphore, #tpu.memory_space<semaphore_mem>>) src(%dma_wait3A_868 : memref<512xi32, #tpu.memory_space<hbm>>) dst(%arg5 : memref<512xi32, #tpu.memory_space<vmem>>)
      tpu.yield
    }) : () -> ()
    %get3A = arith.constant 0 : index
    %get3A_3 = tpu.vector_load %arg5[%get3A] {strides = array<i32>} : memref<512xi32, #tpu.memory_space<vmem>>, vector<16xi32>,
    %get3A_4 = vector.shape_cast %get3A_3 : vector<16xi32> to vector<16xi32>
    %shift_right_logical3A = arith.constant 9 : i32
    %shift_right_logical3A_5 = vector.broadcast %shift_right_logical3A : i32 to vector<16xi32>
    %shift_right_logical3A_6 = arith.shrui %get3A_4, %shift_right_logical3A_5 : vector<16xi32>
    %shift_left3A = arith.constant 9 : i32
    %shift_left3A_7 = vector.broadcast %shift_left3A : i32 to vector<16xi32>
    %shift_left3A_8 = arith.shli %shift_right_logical3A_6, %shift_left3A_7 : vector<16xi32>
    %and3A = arith.constant 127 : i32
    %and3A_9 = vector.broadcast %and3A : i32 to vector<16xi32>
    %and3A_10 = arith.andi %get3A_4, %and3A_9 : vector<16xi32>
    %shift_left3A_11 = arith.constant 2 : i32
    %shift_left3A_12 = vector.broadcast %shift_left3A_11 : i32 to vector<16xi32>
    %shift_left3A_13 = arith.shli %and3A_10, %shift_left3A_12 : vector<16xi32>
    %or3A = arith.ori %shift_left3A_8, %shift_left3A_13 : vector<16xi32>
    %shift_right_logical3A_14 = arith.constant 7 : i32
    %shift_right_logical3A_15 = vector.broadcast %shift_right_logical3A_14 : i32 to vector<16xi32>
    %shift_right_logical3A_16 = arith.shrui %get3A_4, %shift_right_logical3A_15 : vector<16xi32>
    %and3A_17 = arith.constant 3 : i32
    %and3A_18 = vector.broadcast %and3A_17 : i32 to vector<16xi32>
    %and3A_19 = arith.andi %shift_right_logical3A_16, %and3A_18 : vector<16xi32>
    %or3A_20 = arith.ori %or3A, %and3A_19 : vector<16xi32>
    %swap3A = arith.constant 0 : index
    %swap3A_21 = tpu.vector_load %arg5[%swap3A] {strides = array<i32>} : memref<512xi32, #tpu.memory_space<vmem>>, vector<16xi32>,
    %swap3A_22 = vector.shape_cast %swap3A_21 : vector<16xi32> to vector<16xi32>
    %swap3A_23 = vector.shape_cast %or3A_20 : vector<16xi32> to vector<16xi32>
    tpu.vector_store %arg5[%swap3A], %swap3A_23 {strides = array<i32>} : memref<512xi32, #tpu.memory_space<vmem>>, vector<16xi32>,
    %get3A_24 = arith.constant 16 : index
    %get3A_25 = tpu.vector_load %arg5[%get3A_24] {strides = array<i32>} : memref<512xi32, #tpu.memory_space<vmem>>, vector<16xi32>,
    %get3A_26 = vector.shape_cast %get3A_25 : vector<16xi32> to vector<16xi32>
    %shift_right_logical3A_27 = arith.constant 9 : i32
    %shift_right_logical3A_28 = vector.broadcast %shift_right_logical3A_27 : i32 to vector<16xi32>
    %shift_right_logical3A_29 = arith.shrui %get3A_26, %shift_right_logical3A_28 : vector<16xi32>
    %shift_left3A_30 = arith.constant 9 : i32
    %shift_left3A_31 = vector.broadcast %shift_left3A_30 : i32 to vector<16xi32>
    %shift_left3A_32 = arith.shli %shift_right_logical3A_29, %shift_left3A_31 : vector<16xi32>
    %and3A_33 = arith.constant 127 : i32
    %and3A_34 = vector.broadcast %and3A_33 : i32 to vector<16xi32>
    %and3A_35 = arith.andi %get3A_26, %and3A_34 : vector<16xi32>
    %shift_left3A_36 = arith.constant 2 : i32
    %shift_left3A_37 = vector.broadcast %shift_left3A_36 : i32 to vector<16xi32>
    %shift_left3A_38 = arith.shli %and3A_35, %shift_left3A_37 : vector<16xi32>
    %or3A_39 = arith.ori %shift_left3A_32, %shift_left3A_38 : vector<16xi32>
    %shift_right_logical3A_40 = arith.constant 7 : i32
    %shift_right_logical3A_41 = vector.broadcast %shift_right_logical3A_40 : i32 to vector<16xi32>
    %shift_right_logical3A_42 = arith.shrui %get3A_26, %shift_right_logical3A_41 : vector<16xi32>
    %and3A_43 = arith.constant 3 : i32
    %and3A_44 = vector.broadcast %and3A_43 : i32 to vector<16xi32>
    %and3A_45 = arith.andi %shift_right_logical3A_42, %and3A_44 : vector<16xi32>
    %or3A_46 = arith.ori %or3A_39, %and3A_45 : vector<16xi32>
    %swap3A_47 = arith.constant 16 : index
    %swap3A_48 = tpu.vector_load %arg5[%swap3A_47] {strides = array<i32>} : memref<512xi32, #tpu.memory_space<vmem>>, vector<16xi32>,
    %swap3A_49 = vector.shape_cast %swap3A_48 : vector<16xi32> to vector<16xi32>
    %swap3A_50 = vector.shape_cast %or3A_46 : vector<16xi32> to vector<16xi32>
    tpu.vector_store %arg5[%swap3A_47], %swap3A_50 {strides = array<i32>} : memref<512xi32, #tpu.memory_space<vmem>>, vector<16xi32>,
    %get3A_51 = arith.constant 32 : index
    %get3A_52 = tpu.vector_load %arg5[%get3A_51] {strides = array<i32>} : memref<512xi32, #tpu.memory_space<vmem>>, vector<16xi32>,
    %get3A_53 = vector.shape_cast %get3A_52 : vector<16xi32> to vector<16xi32>
    %shift_right_logical3A_54 = arith.constant 9 : i32
    %shift_right_logical3A_55 = vector.broadcast %shift_right_logical3A_54 : i32 to vector<16xi32>
    %shift_right_logical3A_56 = arith.shrui %get3A_53, %shift_right_logical3A_55 : vector<16xi32>
    %shift_left3A_57 = arith.constant 9 : i32
    %shift_left3A_58 = vector.broadcast %shift_left3A_57 : i32 to vector<16xi32>
    %shift_left3A_59 = arith.shli %shift_right_logical3A_56, %shift_left3A_58 : vector<16xi32>
    %and3A_60 = arith.constant 127 : i32
    %and3A_61 = vector.broadcast %and3A_60 : i32 to vector<16xi32>
    %and3A_62 = arith.andi %get3A_53, %and3A_61 : vector<16xi32>
    %shift_left3A_63 = arith.constant 2 : i32
    %shift_left3A_64 = vector.broadcast %shift_left3A_63 : i32 to vector<16xi32>
    %shift_left3A_65 = arith.shli %and3A_62, %shift_left3A_64 : vector<16xi32>
    %or3A_66 = arith.ori %shift_left3A_59, %shift_left3A_65 : vector<16xi32>
    %shift_right_logical3A_67 = arith.constant 7 : i32
    %shift_right_logical3A_68 = vector.broadcast %shift_right_logical3A_67 : i32 to vector<16xi32>
    %shift_right_logical3A_69 = arith.shrui %get3A_53, %shift_right_logical3A_68 : vector<16xi32>
    %and3A_70 = arith.constant 3 : i32
    %and3A_71 = vector.broadcast %and3A_70 : i32 to vector<16xi32>
    %and3A_72 = arith.andi %shift_right_logical3A_69, %and3A_71 : vector<16xi32>
    %or3A_73 = arith.ori %or3A_66, %and3A_72 : vector<16xi32>
    %swap3A_74 = arith.constant 32 : index
    %swap3A_75 = tpu.vector_load %arg5[%swap3A_74] {strides = array<i32>} : memref<512xi32, #tpu.memory_space<vmem>>, vector<16xi32>,
    %swap3A_76 = vector.shape_cast %swap3A_75 : vector<16xi32> to vector<16xi32>
    %swap3A_77 = vector.shape_cast %or3A_73 : vector<16xi32> to vector<16xi32>
    tpu.vector_store %arg5[%swap3A_74], %swap3A_77 {strides = array<i32>} : memref<512xi32, #tpu.memory_space<vmem>>, vector<16xi32>,
    %get3A_78 = arith.constant 48 : index
    %get3A_79 = tpu.vector_load %arg5[%get3A_78] {strides = array<i32>} : memref<512xi32, #tpu.memory_space<vmem>>, vector<16xi32>,
    %get3A_80 = vector.shape_cast %get3A_79 : vector<16xi32> to vector<16xi32>
    %shift_right_logical3A_81 = arith.constant 9 : i32
    %shift_right_logical3A_82 = vector.broadcast %shift_right_logical3A_81 : i32 to vector<16xi32>
    %shift_right_logical3A_83 = arith.shrui %get3A_80, %shift_right_logical3A_82 : vector<16xi32>
    %shift_left3A_84 = arith.constant 9 : i32
    %shift_left3A_85 = vector.broadcast %shift_left3A_84 : i32 to vector<16xi32>
    %shift_left3A_86 = arith.shli %shift_right_logical3A_83, %shift_left3A_85 : vector<16xi32>
    %and3A_87 = arith.constant 127 : i32
    %and3A_88 = vector.broadcast %and3A_87 : i32 to vector<16xi32>
    %and3A_89 = arith.andi %get3A_80, %and3A_88 : vector<16xi32>
    %shift_left3A_90 = arith.constant 2 : i32
    %shift_left3A_91 = vector.broadcast %shift_left3A_90 : i32 to vector<16xi32>
    %shift_left3A_92 = arith.shli %and3A_89, %shift_left3A_91 : vector<16xi32>
    %or3A_93 = arith.ori %shift_left3A_86, %shift_left3A_92 : vector<16xi32>
    %shift_right_logical3A_94 = arith.constant 7 : i32
    %shift_right_logical3A_95 = vector.broadcast %shift_right_logical3A_94 : i32 to vector<16xi32>
    %shift_right_logical3A_96 = arith.shrui %get3A_80, %shift_right_logical3A_95 : vector<16xi32>
    %and3A_97 = arith.constant 3 : i32
    %and3A_98 = vector.broadcast %and3A_97 : i32 to vector<16xi32>
    %and3A_99 = arith.andi %shift_right_logical3A_96, %and3A_98 : vector<16xi32>
    %or3A_100 = arith.ori %or3A_93, %and3A_99 : vector<16xi32>
    %swap3A_101 = arith.constant 48 : index
    %swap3A_102 = tpu.vector_load %arg5[%swap3A_101] {strides = array<i32>} : memref<512xi32, #tpu.memory_space<vmem>>, vector<16xi32>,
    %swap3A_103 = vector.shape_cast %swap3A_102 : vector<16xi32> to vector<16xi32>
    %swap3A_104 = vector.shape_cast %or3A_100 : vector<16xi32> to vector<16xi32>
    tpu.vector_store %arg5[%swap3A_101], %swap3A_104 {strides = array<i32>} : memref<512xi32, #tpu.memory_space<vmem>>, vector<16xi32>,
    %get3A_105 = arith.constant 64 : index
    %get3A_106 = tpu.vector_load %arg5[%get3A_105] {strides = array<i32>} : memref<512xi32, #tpu.memory_space<vmem>>, vector<16xi32>,
    %get3A_107 = vector.shape_cast %get3A_106 : vector<16xi32> to vector<16xi32>
    %shift_right_logical3A_108 = arith.constant 9 : i32
    %shift_right_logical3A_109 = vector.broadcast %shift_right_logical3A_108 : i32 to vector<16xi32>
    %shift_right_logical3A_110 = arith.shrui %get3A_107, %shift_right_logical3A_109 : vector<16xi32>
    %shift_left3A_111 = arith.constant 9 : i32
    %shift_left3A_112 = vector.broadcast %shift_left3A_111 : i32 to vector<16xi32>
    %shift_left3A_113 = arith.shli %shift_right_logical3A_110, %shift_left3A_112 : vector<16xi32>
    %and3A_114 = arith.constant 127 : i32
    %and3A_115 = vector.broadcast %and3A_114 : i32 to vector<16xi32>
    %and3A_116 = arith.andi %get3A_107, %and3A_115 : vector<16xi32>
    %shift_left3A_117 = arith.constant 2 : i32
    %shift_left3A_118 = vector.broadcast %shift_left3A_117 : i32 to vector<16xi32>
    %shift_left3A_119 = arith.shli %and3A_116, %shift_left3A_118 : vector<16xi32>
    %or3A_120 = arith.ori %shift_left3A_113, %shift_left3A_119 : vector<16xi32>
    %shift_right_logical3A_121 = arith.constant 7 : i32
    %shift_right_logical3A_122 = vector.broadcast %shift_right_logical3A_121 : i32 to vector<16xi32>
    %shift_right_logical3A_123 = arith.shrui %get3A_107, %shift_right_logical3A_122 : vector<16xi32>
    %and3A_124 = arith.constant 3 : i32
    %and3A_125 = vector.broadcast %and3A_124 : i32 to vector<16xi32>
    %and3A_126 = arith.andi %shift_right_logical3A_123, %and3A_125 : vector<16xi32>
    %or3A_127 = arith.ori %or3A_120, %and3A_126 : vector<16xi32>
    %swap3A_128 = arith.constant 64 : index
    %swap3A_129 = tpu.vector_load %arg5[%swap3A_128] {strides = array<i32>} : memref<512xi32, #tpu.memory_space<vmem>>, vector<16xi32>,
    %swap3A_130 = vector.shape_cast %swap3A_129 : vector<16xi32> to vector<16xi32>
    %swap3A_131 = vector.shape_cast %or3A_127 : vector<16xi32> to vector<16xi32>
    tpu.vector_store %arg5[%swap3A_128], %swap3A_131 {strides = array<i32>} : memref<512xi32, #tpu.memory_space<vmem>>, vector<16xi32>,
    %get3A_132 = arith.constant 80 : index
    %get3A_133 = tpu.vector_load %arg5[%get3A_132] {strides = array<i32>} : memref<512xi32, #tpu.memory_space<vmem>>, vector<16xi32>,
    %get3A_134 = vector.shape_cast %get3A_133 : vector<16xi32> to vector<16xi32>
    %shift_right_logical3A_135 = arith.constant 9 : i32
    %shift_right_logical3A_136 = vector.broadcast %shift_right_logical3A_135 : i32 to vector<16xi32>
    %shift_right_logical3A_137 = arith.shrui %get3A_134, %shift_right_logical3A_136 : vector<16xi32>
    %shift_left3A_138 = arith.constant 9 : i32
    %shift_left3A_139 = vector.broadcast %shift_left3A_138 : i32 to vector<16xi32>
    %shift_left3A_140 = arith.shli %shift_right_logical3A_137, %shift_left3A_139 : vector<16xi32>
    %and3A_141 = arith.constant 127 : i32
    %and3A_142 = vector.broadcast %and3A_141 : i32 to vector<16xi32>
    %and3A_143 = arith.andi %get3A_134, %and3A_142 : vector<16xi32>
    %shift_left3A_144 = arith.constant 2 : i32
    %shift_left3A_145 = vector.broadcast %shift_left3A_144 : i32 to vector<16xi32>
    %shift_left3A_146 = arith.shli %and3A_143, %shift_left3A_145 : vector<16xi32>
    %or3A_147 = arith.ori %shift_left3A_140, %shift_left3A_146 : vector<16xi32>
    %shift_right_logical3A_148 = arith.constant 7 : i32
    %shift_right_logical3A_149 = vector.broadcast %shift_right_logical3A_148 : i32 to vector<16xi32>
    %shift_right_logical3A_150 = arith.shrui %get3A_134, %shift_right_logical3A_149 : vector<16xi32>
    %and3A_151 = arith.constant 3 : i32
    %and3A_152 = vector.broadcast %and3A_151 : i32 to vector<16xi32>
    %and3A_153 = arith.andi %shift_right_logical3A_150, %and3A_152 : vector<16xi32>
    %or3A_154 = arith.ori %or3A_147, %and3A_153 : vector<16xi32>
    %swap3A_155 = arith.constant 80 : index
    %swap3A_156 = tpu.vector_load %arg5[%swap3A_155] {strides = array<i32>} : memref<512xi32, #tpu.memory_space<vmem>>, vector<16xi32>,
    %swap3A_157 = vector.shape_cast %swap3A_156 : vector<16xi32> to vector<16xi32>
    %swap3A_158 = vector.shape_cast %or3A_154 : vector<16xi32> to vector<16xi32>
    tpu.vector_store %arg5[%swap3A_155], %swap3A_158 {strides = array<i32>} : memref<512xi32, #tpu.memory_space<vmem>>, vector<16xi32>,
    %get3A_159 = arith.constant 96 : index
    %get3A_160 = tpu.vector_load %arg5[%get3A_159] {strides = array<i32>} : memref<512xi32, #tpu.memory_space<vmem>>, vector<16xi32>,
    %get3A_161 = vector.shape_cast %get3A_160 : vector<16xi32> to vector<16xi32>
    %shift_right_logical3A_162 = arith.constant 9 : i32
    %shift_right_logical3A_163 = vector.broadcast %shift_right_logical3A_162 : i32 to vector<16xi32>
    %shift_right_logical3A_164 = arith.shrui %get3A_161, %shift_right_logical3A_163 : vector<16xi32>
    %shift_left3A_165 = arith.constant 9 : i32
    %shift_left3A_166 = vector.broadcast %shift_left3A_165 : i32 to vector<16xi32>
    %shift_left3A_167 = arith.shli %shift_right_logical3A_164, %shift_left3A_166 : vector<16xi32>
    %and3A_168 = arith.constant 127 : i32
    %and3A_169 = vector.broadcast %and3A_168 : i32 to vector<16xi32>
    %and3A_170 = arith.andi %get3A_161, %and3A_169 : vector<16xi32>
    %shift_left3A_171 = arith.constant 2 : i32
    %shift_left3A_172 = vector.broadcast %shift_left3A_171 : i32 to vector<16xi32>
    %shift_left3A_173 = arith.shli %and3A_170, %shift_left3A_172 : vector<16xi32>
    %or3A_174 = arith.ori %shift_left3A_167, %shift_left3A_173 : vector<16xi32>
    %shift_right_logical3A_175 = arith.constant 7 : i32
    %shift_right_logical3A_176 = vector.broadcast %shift_right_logical3A_175 : i32 to vector<16xi32>
    %shift_right_logical3A_177 = arith.shrui %get3A_161, %shift_right_logical3A_176 : vector<16xi32>
    %and3A_178 = arith.constant 3 : i32
    %and3A_179 = vector.broadcast %and3A_178 : i32 to vector<16xi32>
    %and3A_180 = arith.andi %shift_right_logical3A_177, %and3A_179 : vector<16xi32>
    %or3A_181 = arith.ori %or3A_174, %and3A_180 : vector<16xi32>
    %swap3A_182 = arith.constant 96 : index
    %swap3A_183 = tpu.vector_load %arg5[%swap3A_182] {strides = array<i32>} : memref<512xi32, #tpu.memory_space<vmem>>, vector<16xi32>,
    %swap3A_184 = vector.shape_cast %swap3A_183 : vector<16xi32> to vector<16xi32>
    %swap3A_185 = vector.shape_cast %or3A_181 : vector<16xi32> to vector<16xi32>
    tpu.vector_store %arg5[%swap3A_182], %swap3A_185 {strides = array<i32>} : memref<512xi32, #tpu.memory_space<vmem>>, vector<16xi32>,
    %get3A_186 = arith.constant 112 : index
    %get3A_187 = tpu.vector_load %arg5[%get3A_186] {strides = array<i32>} : memref<512xi32, #tpu.memory_space<vmem>>, vector<16xi32>,
    %get3A_188 = vector.shape_cast %get3A_187 : vector<16xi32> to vector<16xi32>
    %shift_right_logical3A_189 = arith.constant 9 : i32
    %shift_right_logical3A_190 = vector.broadcast %shift_right_logical3A_189 : i32 to vector<16xi32>
    %shift_right_logical3A_191 = arith.shrui %get3A_188, %shift_right_logical3A_190 : vector<16xi32>
    %shift_left3A_192 = arith.constant 9 : i32
    %shift_left3A_193 = vector.broadcast %shift_left3A_192 : i32 to vector<16xi32>
    %shift_left3A_194 = arith.shli %shift_right_logical3A_191, %shift_left3A_193 : vector<16xi32>
    %and3A_195 = arith.constant 127 : i32
    %and3A_196 = vector.broadcast %and3A_195 : i32 to vector<16xi32>
    %and3A_197 = arith.andi %get3A_188, %and3A_196 : vector<16xi32>
    %shift_left3A_198 = arith.constant 2 : i32
    %shift_left3A_199 = vector.broadcast %shift_left3A_198 : i32 to vector<16xi32>
    %shift_left3A_200 = arith.shli %and3A_197, %shift_left3A_199 : vector<16xi32>
    %or3A_201 = arith.ori %shift_left3A_194, %shift_left3A_200 : vector<16xi32>
    %shift_right_logical3A_202 = arith.constant 7 : i32
    %shift_right_logical3A_203 = vector.broadcast %shift_right_logical3A_202 : i32 to vector<16xi32>
    %shift_right_logical3A_204 = arith.shrui %get3A_188, %shift_right_logical3A_203 : vector<16xi32>
    %and3A_205 = arith.constant 3 : i32
    %and3A_206 = vector.broadcast %and3A_205 : i32 to vector<16xi32>
    %and3A_207 = arith.andi %shift_right_logical3A_204, %and3A_206 : vector<16xi32>
    %or3A_208 = arith.ori %or3A_201, %and3A_207 : vector<16xi32>
    %swap3A_209 = arith.constant 112 : index
    %swap3A_210 = tpu.vector_load %arg5[%swap3A_209] {strides = array<i32>} : memref<512xi32, #tpu.memory_space<vmem>>, vector<16xi32>,
    %swap3A_211 = vector.shape_cast %swap3A_210 : vector<16xi32> to vector<16xi32>
    %swap3A_212 = vector.shape_cast %or3A_208 : vector<16xi32> to vector<16xi32>
    tpu.vector_store %arg5[%swap3A_209], %swap3A_212 {strides = array<i32>} : memref<512xi32, #tpu.memory_space<vmem>>, vector<16xi32>,
    %get3A_213 = arith.constant 128 : index
    %get3A_214 = tpu.vector_load %arg5[%get3A_213] {strides = array<i32>} : memref<512xi32, #tpu.memory_space<vmem>>, vector<16xi32>,
    %get3A_215 = vector.shape_cast %get3A_214 : vector<16xi32> to vector<16xi32>
    %shift_right_logical3A_216 = arith.constant 9 : i32
    %shift_right_logical3A_217 = vector.broadcast %shift_right_logical3A_216 : i32 to vector<16xi32>
    %shift_right_logical3A_218 = arith.shrui %get3A_215, %shift_right_logical3A_217 : vector<16xi32>
    %shift_left3A_219 = arith.constant 9 : i32
    %shift_left3A_220 = vector.broadcast %shift_left3A_219 : i32 to vector<16xi32>
    %shift_left3A_221 = arith.shli %shift_right_logical3A_218, %shift_left3A_220 : vector<16xi32>
    %and3A_222 = arith.constant 127 : i32
    %and3A_223 = vector.broadcast %and3A_222 : i32 to vector<16xi32>
    %and3A_224 = arith.andi %get3A_215, %and3A_223 : vector<16xi32>
    %shift_left3A_225 = arith.constant 2 : i32
    %shift_left3A_226 = vector.broadcast %shift_left3A_225 : i32 to vector<16xi32>
    %shift_left3A_227 = arith.shli %and3A_224, %shift_left3A_226 : vector<16xi32>
    %or3A_228 = arith.ori %shift_left3A_221, %shift_left3A_227 : vector<16xi32>
    %shift_right_logical3A_229 = arith.constant 7 : i32
    %shift_right_logical3A_230 = vector.broadcast %shift_right_logical3A_229 : i32 to vector<16xi32>
    %shift_right_logical3A_231 = arith.shrui %get3A_215, %shift_right_logical3A_230 : vector<16xi32>
    %and3A_232 = arith.constant 3 : i32
    %and3A_233 = vector.broadcast %and3A_232 : i32 to vector<16xi32>
    %and3A_234 = arith.andi %shift_right_logical3A_231, %and3A_233 : vector<16xi32>
    %or3A_235 = arith.ori %or3A_228, %and3A_234 : vector<16xi32>
    %swap3A_236 = arith.constant 128 : index
    %swap3A_237 = tpu.vector_load %arg5[%swap3A_236] {strides = array<i32>} : memref<512xi32, #tpu.memory_space<vmem>>, vector<16xi32>,
    %swap3A_238 = vector.shape_cast %swap3A_237 : vector<16xi32> to vector<16xi32>
    %swap3A_239 = vector.shape_cast %or3A_235 : vector<16xi32> to vector<16xi32>
    tpu.vector_store %arg5[%swap3A_236], %swap3A_239 {strides = array<i32>} : memref<512xi32, #tpu.memory_space<vmem>>, vector<16xi32>,
    %get3A_240 = arith.constant 144 : index
    %get3A_241 = tpu.vector_load %arg5[%get3A_240] {strides = array<i32>} : memref<512xi32, #tpu.memory_space<vmem>>, vector<16xi32>,
    %get3A_242 = vector.shape_cast %get3A_241 : vector<16xi32> to vector<16xi32>
    %shift_right_logical3A_243 = arith.constant 9 : i32
    %shift_right_logical3A_244 = vector.broadcast %shift_right_logical3A_243 : i32 to vector<16xi32>
    %shift_right_logical3A_245 = arith.shrui %get3A_242, %shift_right_logical3A_244 : vector<16xi32>
    %shift_left3A_246 = arith.constant 9 : i32
    %shift_left3A_247 = vector.broadcast %shift_left3A_246 : i32 to vector<16xi32>
    %shift_left3A_248 = arith.shli %shift_right_logical3A_245, %shift_left3A_247 : vector<16xi32>
    %and3A_249 = arith.constant 127 : i32
    %and3A_250 = vector.broadcast %and3A_249 : i32 to vector<16xi32>
    %and3A_251 = arith.andi %get3A_242, %and3A_250 : vector<16xi32>
    %shift_left3A_252 = arith.constant 2 : i32
    %shift_left3A_253 = vector.broadcast %shift_left3A_252 : i32 to vector<16xi32>
    %shift_left3A_254 = arith.shli %and3A_251, %shift_left3A_253 : vector<16xi32>
    %or3A_255 = arith.ori %shift_left3A_248, %shift_left3A_254 : vector<16xi32>
    %shift_right_logical3A_256 = arith.constant 7 : i32
    %shift_right_logical3A_257 = vector.broadcast %shift_right_logical3A_256 : i32 to vector<16xi32>
    %shift_right_logical3A_258 = arith.shrui %get3A_242, %shift_right_logical3A_257 : vector<16xi32>
    %and3A_259 = arith.constant 3 : i32
    %and3A_260 = vector.broadcast %and3A_259 : i32 to vector<16xi32>
    %and3A_261 = arith.andi %shift_right_logical3A_258, %and3A_260 : vector<16xi32>
    %or3A_262 = arith.ori %or3A_255, %and3A_261 : vector<16xi32>
    %swap3A_263 = arith.constant 144 : index
    %swap3A_264 = tpu.vector_load %arg5[%swap3A_263] {strides = array<i32>} : memref<512xi32, #tpu.memory_space<vmem>>, vector<16xi32>,
    %swap3A_265 = vector.shape_cast %swap3A_264 : vector<16xi32> to vector<16xi32>
    %swap3A_266 = vector.shape_cast %or3A_262 : vector<16xi32> to vector<16xi32>
    tpu.vector_store %arg5[%swap3A_263], %swap3A_266 {strides = array<i32>} : memref<512xi32, #tpu.memory_space<vmem>>, vector<16xi32>,
    %get3A_267 = arith.constant 160 : index
    %get3A_268 = tpu.vector_load %arg5[%get3A_267] {strides = array<i32>} : memref<512xi32, #tpu.memory_space<vmem>>, vector<16xi32>,
    %get3A_269 = vector.shape_cast %get3A_268 : vector<16xi32> to vector<16xi32>
    %shift_right_logical3A_270 = arith.constant 9 : i32
    %shift_right_logical3A_271 = vector.broadcast %shift_right_logical3A_270 : i32 to vector<16xi32>
    %shift_right_logical3A_272 = arith.shrui %get3A_269, %shift_right_logical3A_271 : vector<16xi32>
    %shift_left3A_273 = arith.constant 9 : i32
    %shift_left3A_274 = vector.broadcast %shift_left3A_273 : i32 to vector<16xi32>
    %shift_left3A_275 = arith.shli %shift_right_logical3A_272, %shift_left3A_274 : vector<16xi32>
    %and3A_276 = arith.constant 127 : i32
    %and3A_277 = vector.broadcast %and3A_276 : i32 to vector<16xi32>
    %and3A_278 = arith.andi %get3A_269, %and3A_277 : vector<16xi32>
    %shift_left3A_279 = arith.constant 2 : i32
    %shift_left3A_280 = vector.broadcast %shift_left3A_279 : i32 to vector<16xi32>
    %shift_left3A_281 = arith.shli %and3A_278, %shift_left3A_280 : vector<16xi32>
    %or3A_282 = arith.ori %shift_left3A_275, %shift_left3A_281 : vector<16xi32>
    %shift_right_logical3A_283 = arith.constant 7 : i32
    %shift_right_logical3A_284 = vector.broadcast %shift_right_logical3A_283 : i32 to vector<16xi32>
    %shift_right_logical3A_285 = arith.shrui %get3A_269, %shift_right_logical3A_284 : vector<16xi32>
    %and3A_286 = arith.constant 3 : i32
    %and3A_287 = vector.broadcast %and3A_286 : i32 to vector<16xi32>
    %and3A_288 = arith.andi %shift_right_logical3A_285, %and3A_287 : vector<16xi32>
    %or3A_289 = arith.ori %or3A_282, %and3A_288 : vector<16xi32>
    %swap3A_290 = arith.constant 160 : index
    %swap3A_291 = tpu.vector_load %arg5[%swap3A_290] {strides = array<i32>} : memref<512xi32, #tpu.memory_space<vmem>>, vector<16xi32>,
    %swap3A_292 = vector.shape_cast %swap3A_291 : vector<16xi32> to vector<16xi32>
    %swap3A_293 = vector.shape_cast %or3A_289 : vector<16xi32> to vector<16xi32>
    tpu.vector_store %arg5[%swap3A_290], %swap3A_293 {strides = array<i32>} : memref<512xi32, #tpu.memory_space<vmem>>, vector<16xi32>,
    %get3A_294 = arith.constant 176 : index
    %get3A_295 = tpu.vector_load %arg5[%get3A_294] {strides = array<i32>} : memref<512xi32, #tpu.memory_space<vmem>>, vector<16xi32>,
    %get3A_296 = vector.shape_cast %get3A_295 : vector<16xi32> to vector<16xi32>
    %shift_right_logical3A_297 = arith.constant 9 : i32
    %shift_right_logical3A_298 = vector.broadcast %shift_right_logical3A_297 : i32 to vector<16xi32>
    %shift_right_logical3A_299 = arith.shrui %get3A_296, %shift_right_logical3A_298 : vector<16xi32>
    %shift_left3A_300 = arith.constant 9 : i32
    %shift_left3A_301 = vector.broadcast %shift_left3A_300 : i32 to vector<16xi32>
    %shift_left3A_302 = arith.shli %shift_right_logical3A_299, %shift_left3A_301 : vector<16xi32>
    %and3A_303 = arith.constant 127 : i32
    %and3A_304 = vector.broadcast %and3A_303 : i32 to vector<16xi32>
    %and3A_305 = arith.andi %get3A_296, %and3A_304 : vector<16xi32>
    %shift_left3A_306 = arith.constant 2 : i32
    %shift_left3A_307 = vector.broadcast %shift_left3A_306 : i32 to vector<16xi32>
    %shift_left3A_308 = arith.shli %and3A_305, %shift_left3A_307 : vector<16xi32>
    %or3A_309 = arith.ori %shift_left3A_302, %shift_left3A_308 : vector<16xi32>
    %shift_right_logical3A_310 = arith.constant 7 : i32
    %shift_right_logical3A_311 = vector.broadcast %shift_right_logical3A_310 : i32 to vector<16xi32>
    %shift_right_logical3A_312 = arith.shrui %get3A_296, %shift_right_logical3A_311 : vector<16xi32>
    %and3A_313 = arith.constant 3 : i32
    %and3A_314 = vector.broadcast %and3A_313 : i32 to vector<16xi32>
    %and3A_315 = arith.andi %shift_right_logical3A_312, %and3A_314 : vector<16xi32>
    %or3A_316 = arith.ori %or3A_309, %and3A_315 : vector<16xi32>
    %swap3A_317 = arith.constant 176 : index
    %swap3A_318 = tpu.vector_load %arg5[%swap3A_317] {strides = array<i32>} : memref<512xi32, #tpu.memory_space<vmem>>, vector<16xi32>,
    %swap3A_319 = vector.shape_cast %swap3A_318 : vector<16xi32> to vector<16xi32>
    %swap3A_320 = vector.shape_cast %or3A_316 : vector<16xi32> to vector<16xi32>
    tpu.vector_store %arg5[%swap3A_317], %swap3A_320 {strides = array<i32>} : memref<512xi32, #tpu.memory_space<vmem>>, vector<16xi32>,
    %get3A_321 = arith.constant 192 : index
    %get3A_322 = tpu.vector_load %arg5[%get3A_321] {strides = array<i32>} : memref<512xi32, #tpu.memory_space<vmem>>, vector<16xi32>,
    %get3A_323 = vector.shape_cast %get3A_322 : vector<16xi32> to vector<16xi32>
    %shift_right_logical3A_324 = arith.constant 9 : i32
    %shift_right_logical3A_325 = vector.broadcast %shift_right_logical3A_324 : i32 to vector<16xi32>
    %shift_right_logical3A_326 = arith.shrui %get3A_323, %shift_right_logical3A_325 : vector<16xi32>
    %shift_left3A_327 = arith.constant 9 : i32
    %shift_left3A_328 = vector.broadcast %shift_left3A_327 : i32 to vector<16xi32>
    %shift_left3A_329 = arith.shli %shift_right_logical3A_326, %shift_left3A_328 : vector<16xi32>
    %and3A_330 = arith.constant 127 : i32
    %and3A_331 = vector.broadcast %and3A_330 : i32 to vector<16xi32>
    %and3A_332 = arith.andi %get3A_323, %and3A_331 : vector<16xi32>
    %shift_left3A_333 = arith.constant 2 : i32
    %shift_left3A_334 = vector.broadcast %shift_left3A_333 : i32 to vector<16xi32>
    %shift_left3A_335 = arith.shli %and3A_332, %shift_left3A_334 : vector<16xi32>
    %or3A_336 = arith.ori %shift_left3A_329, %shift_left3A_335 : vector<16xi32>
    %shift_right_logical3A_337 = arith.constant 7 : i32
    %shift_right_logical3A_338 = vector.broadcast %shift_right_logical3A_337 : i32 to vector<16xi32>
    %shift_right_logical3A_339 = arith.shrui %get3A_323, %shift_right_logical3A_338 : vector<16xi32>
    %and3A_340 = arith.constant 3 : i32
    %and3A_341 = vector.broadcast %and3A_340 : i32 to vector<16xi32>
    %and3A_342 = arith.andi %shift_right_logical3A_339, %and3A_341 : vector<16xi32>
    %or3A_343 = arith.ori %or3A_336, %and3A_342 : vector<16xi32>
    %swap3A_344 = arith.constant 192 : index
    %swap3A_345 = tpu.vector_load %arg5[%swap3A_344] {strides = array<i32>} : memref<512xi32, #tpu.memory_space<vmem>>, vector<16xi32>,
    %swap3A_346 = vector.shape_cast %swap3A_345 : vector<16xi32> to vector<16xi32>
    %swap3A_347 = vector.shape_cast %or3A_343 : vector<16xi32> to vector<16xi32>
    tpu.vector_store %arg5[%swap3A_344], %swap3A_347 {strides = array<i32>} : memref<512xi32, #tpu.memory_space<vmem>>, vector<16xi32>,
    %get3A_348 = arith.constant 208 : index
    %get3A_349 = tpu.vector_load %arg5[%get3A_348] {strides = array<i32>} : memref<512xi32, #tpu.memory_space<vmem>>, vector<16xi32>,
    %get3A_350 = vector.shape_cast %get3A_349 : vector<16xi32> to vector<16xi32>
    %shift_right_logical3A_351 = arith.constant 9 : i32
    %shift_right_logical3A_352 = vector.broadcast %shift_right_logical3A_351 : i32 to vector<16xi32>
    %shift_right_logical3A_353 = arith.shrui %get3A_350, %shift_right_logical3A_352 : vector<16xi32>
    %shift_left3A_354 = arith.constant 9 : i32
    %shift_left3A_355 = vector.broadcast %shift_left3A_354 : i32 to vector<16xi32>
    %shift_left3A_356 = arith.shli %shift_right_logical3A_353, %shift_left3A_355 : vector<16xi32>
    %and3A_357 = arith.constant 127 : i32
    %and3A_358 = vector.broadcast %and3A_357 : i32 to vector<16xi32>
    %and3A_359 = arith.andi %get3A_350, %and3A_358 : vector<16xi32>
    %shift_left3A_360 = arith.constant 2 : i32
    %shift_left3A_361 = vector.broadcast %shift_left3A_360 : i32 to vector<16xi32>
    %shift_left3A_362 = arith.shli %and3A_359, %shift_left3A_361 : vector<16xi32>
    %or3A_363 = arith.ori %shift_left3A_356, %shift_left3A_362 : vector<16xi32>
    %shift_right_logical3A_364 = arith.constant 7 : i32
    %shift_right_logical3A_365 = vector.broadcast %shift_right_logical3A_364 : i32 to vector<16xi32>
    %shift_right_logical3A_366 = arith.shrui %get3A_350, %shift_right_logical3A_365 : vector<16xi32>
    %and3A_367 = arith.constant 3 : i32
    %and3A_368 = vector.broadcast %and3A_367 : i32 to vector<16xi32>
    %and3A_369 = arith.andi %shift_right_logical3A_366, %and3A_368 : vector<16xi32>
    %or3A_370 = arith.ori %or3A_363, %and3A_369 : vector<16xi32>
    %swap3A_371 = arith.constant 208 : index
    %swap3A_372 = tpu.vector_load %arg5[%swap3A_371] {strides = array<i32>} : memref<512xi32, #tpu.memory_space<vmem>>, vector<16xi32>,
    %swap3A_373 = vector.shape_cast %swap3A_372 : vector<16xi32> to vector<16xi32>
    %swap3A_374 = vector.shape_cast %or3A_370 : vector<16xi32> to vector<16xi32>
    tpu.vector_store %arg5[%swap3A_371], %swap3A_374 {strides = array<i32>} : memref<512xi32, #tpu.memory_space<vmem>>, vector<16xi32>,
    %get3A_375 = arith.constant 224 : index
    %get3A_376 = tpu.vector_load %arg5[%get3A_375] {strides = array<i32>} : memref<512xi32, #tpu.memory_space<vmem>>, vector<16xi32>,
    %get3A_377 = vector.shape_cast %get3A_376 : vector<16xi32> to vector<16xi32>
    %shift_right_logical3A_378 = arith.constant 9 : i32
    %shift_right_logical3A_379 = vector.broadcast %shift_right_logical3A_378 : i32 to vector<16xi32>
    %shift_right_logical3A_380 = arith.shrui %get3A_377, %shift_right_logical3A_379 : vector<16xi32>
    %shift_left3A_381 = arith.constant 9 : i32
    %shift_left3A_382 = vector.broadcast %shift_left3A_381 : i32 to vector<16xi32>
    %shift_left3A_383 = arith.shli %shift_right_logical3A_380, %shift_left3A_382 : vector<16xi32>
    %and3A_384 = arith.constant 127 : i32
    %and3A_385 = vector.broadcast %and3A_384 : i32 to vector<16xi32>
    %and3A_386 = arith.andi %get3A_377, %and3A_385 : vector<16xi32>
    %shift_left3A_387 = arith.constant 2 : i32
    %shift_left3A_388 = vector.broadcast %shift_left3A_387 : i32 to vector<16xi32>
    %shift_left3A_389 = arith.shli %and3A_386, %shift_left3A_388 : vector<16xi32>
    %or3A_390 = arith.ori %shift_left3A_383, %shift_left3A_389 : vector<16xi32>
    %shift_right_logical3A_391 = arith.constant 7 : i32
    %shift_right_logical3A_392 = vector.broadcast %shift_right_logical3A_391 : i32 to vector<16xi32>
    %shift_right_logical3A_393 = arith.shrui %get3A_377, %shift_right_logical3A_392 : vector<16xi32>
    %and3A_394 = arith.constant 3 : i32
    %and3A_395 = vector.broadcast %and3A_394 : i32 to vector<16xi32>
    %and3A_396 = arith.andi %shift_right_logical3A_393, %and3A_395 : vector<16xi32>
    %or3A_397 = arith.ori %or3A_390, %and3A_396 : vector<16xi32>
    %swap3A_398 = arith.constant 224 : index
    %swap3A_399 = tpu.vector_load %arg5[%swap3A_398] {strides = array<i32>} : memref<512xi32, #tpu.memory_space<vmem>>, vector<16xi32>,
    %swap3A_400 = vector.shape_cast %swap3A_399 : vector<16xi32> to vector<16xi32>
    %swap3A_401 = vector.shape_cast %or3A_397 : vector<16xi32> to vector<16xi32>
    tpu.vector_store %arg5[%swap3A_398], %swap3A_401 {strides = array<i32>} : memref<512xi32, #tpu.memory_space<vmem>>, vector<16xi32>,
    %get3A_402 = arith.constant 240 : index
    %get3A_403 = tpu.vector_load %arg5[%get3A_402] {strides = array<i32>} : memref<512xi32, #tpu.memory_space<vmem>>, vector<16xi32>,
    %get3A_404 = vector.shape_cast %get3A_403 : vector<16xi32> to vector<16xi32>
    %shift_right_logical3A_405 = arith.constant 9 : i32
    %shift_right_logical3A_406 = vector.broadcast %shift_right_logical3A_405 : i32 to vector<16xi32>
    %shift_right_logical3A_407 = arith.shrui %get3A_404, %shift_right_logical3A_406 : vector<16xi32>
    %shift_left3A_408 = arith.constant 9 : i32
    %shift_left3A_409 = vector.broadcast %shift_left3A_408 : i32 to vector<16xi32>
    %shift_left3A_410 = arith.shli %shift_right_logical3A_407, %shift_left3A_409 : vector<16xi32>
    %and3A_411 = arith.constant 127 : i32
    %and3A_412 = vector.broadcast %and3A_411 : i32 to vector<16xi32>
    %and3A_413 = arith.andi %get3A_404, %and3A_412 : vector<16xi32>
    %shift_left3A_414 = arith.constant 2 : i32
    %shift_left3A_415 = vector.broadcast %shift_left3A_414 : i32 to vector<16xi32>
    %shift_left3A_416 = arith.shli %and3A_413, %shift_left3A_415 : vector<16xi32>
    %or3A_417 = arith.ori %shift_left3A_410, %shift_left3A_416 : vector<16xi32>
    %shift_right_logical3A_418 = arith.constant 7 : i32
    %shift_right_logical3A_419 = vector.broadcast %shift_right_logical3A_418 : i32 to vector<16xi32>
    %shift_right_logical3A_420 = arith.shrui %get3A_404, %shift_right_logical3A_419 : vector<16xi32>
    %and3A_421 = arith.constant 3 : i32
    %and3A_422 = vector.broadcast %and3A_421 : i32 to vector<16xi32>
    %and3A_423 = arith.andi %shift_right_logical3A_420, %and3A_422 : vector<16xi32>
    %or3A_424 = arith.ori %or3A_417, %and3A_423 : vector<16xi32>
    %swap3A_425 = arith.constant 240 : index
    %swap3A_426 = tpu.vector_load %arg5[%swap3A_425] {strides = array<i32>} : memref<512xi32, #tpu.memory_space<vmem>>, vector<16xi32>,
    %swap3A_427 = vector.shape_cast %swap3A_426 : vector<16xi32> to vector<16xi32>
    %swap3A_428 = vector.shape_cast %or3A_424 : vector<16xi32> to vector<16xi32>
    tpu.vector_store %arg5[%swap3A_425], %swap3A_428 {strides = array<i32>} : memref<512xi32, #tpu.memory_space<vmem>>, vector<16xi32>,
    %get3A_429 = arith.constant 256 : index
    %get3A_430 = tpu.vector_load %arg5[%get3A_429] {strides = array<i32>} : memref<512xi32, #tpu.memory_space<vmem>>, vector<16xi32>,
    %get3A_431 = vector.shape_cast %get3A_430 : vector<16xi32> to vector<16xi32>
    %shift_right_logical3A_432 = arith.constant 9 : i32
    %shift_right_logical3A_433 = vector.broadcast %shift_right_logical3A_432 : i32 to vector<16xi32>
    %shift_right_logical3A_434 = arith.shrui %get3A_431, %shift_right_logical3A_433 : vector<16xi32>
    %shift_left3A_435 = arith.constant 9 : i32
    %shift_left3A_436 = vector.broadcast %shift_left3A_435 : i32 to vector<16xi32>
    %shift_left3A_437 = arith.shli %shift_right_logical3A_434, %shift_left3A_436 : vector<16xi32>
    %and3A_438 = arith.constant 127 : i32
    %and3A_439 = vector.broadcast %and3A_438 : i32 to vector<16xi32>
    %and3A_440 = arith.andi %get3A_431, %and3A_439 : vector<16xi32>
    %shift_left3A_441 = arith.constant 2 : i32
    %shift_left3A_442 = vector.broadcast %shift_left3A_441 : i32 to vector<16xi32>
    %shift_left3A_443 = arith.shli %and3A_440, %shift_left3A_442 : vector<16xi32>
    %or3A_444 = arith.ori %shift_left3A_437, %shift_left3A_443 : vector<16xi32>
    %shift_right_logical3A_445 = arith.constant 7 : i32
    %shift_right_logical3A_446 = vector.broadcast %shift_right_logical3A_445 : i32 to vector<16xi32>
    %shift_right_logical3A_447 = arith.shrui %get3A_431, %shift_right_logical3A_446 : vector<16xi32>
    %and3A_448 = arith.constant 3 : i32
    %and3A_449 = vector.broadcast %and3A_448 : i32 to vector<16xi32>
    %and3A_450 = arith.andi %shift_right_logical3A_447, %and3A_449 : vector<16xi32>
    %or3A_451 = arith.ori %or3A_444, %and3A_450 : vector<16xi32>
    %swap3A_452 = arith.constant 256 : index
    %swap3A_453 = tpu.vector_load %arg5[%swap3A_452] {strides = array<i32>} : memref<512xi32, #tpu.memory_space<vmem>>, vector<16xi32>,
    %swap3A_454 = vector.shape_cast %swap3A_453 : vector<16xi32> to vector<16xi32>
    %swap3A_455 = vector.shape_cast %or3A_451 : vector<16xi32> to vector<16xi32>
    tpu.vector_store %arg5[%swap3A_452], %swap3A_455 {strides = array<i32>} : memref<512xi32, #tpu.memory_space<vmem>>, vector<16xi32>,
    %get3A_456 = arith.constant 272 : index
    %get3A_457 = tpu.vector_load %arg5[%get3A_456] {strides = array<i32>} : memref<512xi32, #tpu.memory_space<vmem>>, vector<16xi32>,
    %get3A_458 = vector.shape_cast %get3A_457 : vector<16xi32> to vector<16xi32>
    %shift_right_logical3A_459 = arith.constant 9 : i32
    %shift_right_logical3A_460 = vector.broadcast %shift_right_logical3A_459 : i32 to vector<16xi32>
    %shift_right_logical3A_461 = arith.shrui %get3A_458, %shift_right_logical3A_460 : vector<16xi32>
    %shift_left3A_462 = arith.constant 9 : i32
    %shift_left3A_463 = vector.broadcast %shift_left3A_462 : i32 to vector<16xi32>
    %shift_left3A_464 = arith.shli %shift_right_logical3A_461, %shift_left3A_463 : vector<16xi32>
    %and3A_465 = arith.constant 127 : i32
    %and3A_466 = vector.broadcast %and3A_465 : i32 to vector<16xi32>
    %and3A_467 = arith.andi %get3A_458, %and3A_466 : vector<16xi32>
    %shift_left3A_468 = arith.constant 2 : i32
    %shift_left3A_469 = vector.broadcast %shift_left3A_468 : i32 to vector<16xi32>
    %shift_left3A_470 = arith.shli %and3A_467, %shift_left3A_469 : vector<16xi32>
    %or3A_471 = arith.ori %shift_left3A_464, %shift_left3A_470 : vector<16xi32>
    %shift_right_logical3A_472 = arith.constant 7 : i32
    %shift_right_logical3A_473 = vector.broadcast %shift_right_logical3A_472 : i32 to vector<16xi32>
    %shift_right_logical3A_474 = arith.shrui %get3A_458, %shift_right_logical3A_473 : vector<16xi32>
    %and3A_475 = arith.constant 3 : i32
    %and3A_476 = vector.broadcast %and3A_475 : i32 to vector<16xi32>
    %and3A_477 = arith.andi %shift_right_logical3A_474, %and3A_476 : vector<16xi32>
    %or3A_478 = arith.ori %or3A_471, %and3A_477 : vector<16xi32>
    %swap3A_479 = arith.constant 272 : index
    %swap3A_480 = tpu.vector_load %arg5[%swap3A_479] {strides = array<i32>} : memref<512xi32, #tpu.memory_space<vmem>>, vector<16xi32>,
    %swap3A_481 = vector.shape_cast %swap3A_480 : vector<16xi32> to vector<16xi32>
    %swap3A_482 = vector.shape_cast %or3A_478 : vector<16xi32> to vector<16xi32>
    tpu.vector_store %arg5[%swap3A_479], %swap3A_482 {strides = array<i32>} : memref<512xi32, #tpu.memory_space<vmem>>, vector<16xi32>,
    %get3A_483 = arith.constant 288 : index
    %get3A_484 = tpu.vector_load %arg5[%get3A_483] {strides = array<i32>} : memref<512xi32, #tpu.memory_space<vmem>>, vector<16xi32>,
    %get3A_485 = vector.shape_cast %get3A_484 : vector<16xi32> to vector<16xi32>
    %shift_right_logical3A_486 = arith.constant 9 : i32
    %shift_right_logical3A_487 = vector.broadcast %shift_right_logical3A_486 : i32 to vector<16xi32>
    %shift_right_logical3A_488 = arith.shrui %get3A_485, %shift_right_logical3A_487 : vector<16xi32>
    %shift_left3A_489 = arith.constant 9 : i32
    %shift_left3A_490 = vector.broadcast %shift_left3A_489 : i32 to vector<16xi32>
    %shift_left3A_491 = arith.shli %shift_right_logical3A_488, %shift_left3A_490 : vector<16xi32>
    %and3A_492 = arith.constant 127 : i32
    %and3A_493 = vector.broadcast %and3A_492 : i32 to vector<16xi32>
    %and3A_494 = arith.andi %get3A_485, %and3A_493 : vector<16xi32>
    %shift_left3A_495 = arith.constant 2 : i32
    %shift_left3A_496 = vector.broadcast %shift_left3A_495 : i32 to vector<16xi32>
    %shift_left3A_497 = arith.shli %and3A_494, %shift_left3A_496 : vector<16xi32>
    %or3A_498 = arith.ori %shift_left3A_491, %shift_left3A_497 : vector<16xi32>
    %shift_right_logical3A_499 = arith.constant 7 : i32
    %shift_right_logical3A_500 = vector.broadcast %shift_right_logical3A_499 : i32 to vector<16xi32>
    %shift_right_logical3A_501 = arith.shrui %get3A_485, %shift_right_logical3A_500 : vector<16xi32>
    %and3A_502 = arith.constant 3 : i32
    %and3A_503 = vector.broadcast %and3A_502 : i32 to vector<16xi32>
    %and3A_504 = arith.andi %shift_right_logical3A_501, %and3A_503 : vector<16xi32>
    %or3A_505 = arith.ori %or3A_498, %and3A_504 : vector<16xi32>
    %swap3A_506 = arith.constant 288 : index
    %swap3A_507 = tpu.vector_load %arg5[%swap3A_506] {strides = array<i32>} : memref<512xi32, #tpu.memory_space<vmem>>, vector<16xi32>,
    %swap3A_508 = vector.shape_cast %swap3A_507 : vector<16xi32> to vector<16xi32>
    %swap3A_509 = vector.shape_cast %or3A_505 : vector<16xi32> to vector<16xi32>
    tpu.vector_store %arg5[%swap3A_506], %swap3A_509 {strides = array<i32>} : memref<512xi32, #tpu.memory_space<vmem>>, vector<16xi32>,
    %get3A_510 = arith.constant 304 : index
    %get3A_511 = tpu.vector_load %arg5[%get3A_510] {strides = array<i32>} : memref<512xi32, #tpu.memory_space<vmem>>, vector<16xi32>,
    %get3A_512 = vector.shape_cast %get3A_511 : vector<16xi32> to vector<16xi32>
    %shift_right_logical3A_513 = arith.constant 9 : i32
    %shift_right_logical3A_514 = vector.broadcast %shift_right_logical3A_513 : i32 to vector<16xi32>
    %shift_right_logical3A_515 = arith.shrui %get3A_512, %shift_right_logical3A_514 : vector<16xi32>
    %shift_left3A_516 = arith.constant 9 : i32
    %shift_left3A_517 = vector.broadcast %shift_left3A_516 : i32 to vector<16xi32>
    %shift_left3A_518 = arith.shli %shift_right_logical3A_515, %shift_left3A_517 : vector<16xi32>
    %and3A_519 = arith.constant 127 : i32
    %and3A_520 = vector.broadcast %and3A_519 : i32 to vector<16xi32>
    %and3A_521 = arith.andi %get3A_512, %and3A_520 : vector<16xi32>
    %shift_left3A_522 = arith.constant 2 : i32
    %shift_left3A_523 = vector.broadcast %shift_left3A_522 : i32 to vector<16xi32>
    %shift_left3A_524 = arith.shli %and3A_521, %shift_left3A_523 : vector<16xi32>
    %or3A_525 = arith.ori %shift_left3A_518, %shift_left3A_524 : vector<16xi32>
    %shift_right_logical3A_526 = arith.constant 7 : i32
    %shift_right_logical3A_527 = vector.broadcast %shift_right_logical3A_526 : i32 to vector<16xi32>
    %shift_right_logical3A_528 = arith.shrui %get3A_512, %shift_right_logical3A_527 : vector<16xi32>
    %and3A_529 = arith.constant 3 : i32
    %and3A_530 = vector.broadcast %and3A_529 : i32 to vector<16xi32>
    %and3A_531 = arith.andi %shift_right_logical3A_528, %and3A_530 : vector<16xi32>
    %or3A_532 = arith.ori %or3A_525, %and3A_531 : vector<16xi32>
    %swap3A_533 = arith.constant 304 : index
    %swap3A_534 = tpu.vector_load %arg5[%swap3A_533] {strides = array<i32>} : memref<512xi32, #tpu.memory_space<vmem>>, vector<16xi32>,
    %swap3A_535 = vector.shape_cast %swap3A_534 : vector<16xi32> to vector<16xi32>
    %swap3A_536 = vector.shape_cast %or3A_532 : vector<16xi32> to vector<16xi32>
    tpu.vector_store %arg5[%swap3A_533], %swap3A_536 {strides = array<i32>} : memref<512xi32, #tpu.memory_space<vmem>>, vector<16xi32>,
    %get3A_537 = arith.constant 320 : index
    %get3A_538 = tpu.vector_load %arg5[%get3A_537] {strides = array<i32>} : memref<512xi32, #tpu.memory_space<vmem>>, vector<16xi32>,
    %get3A_539 = vector.shape_cast %get3A_538 : vector<16xi32> to vector<16xi32>
    %shift_right_logical3A_540 = arith.constant 9 : i32
    %shift_right_logical3A_541 = vector.broadcast %shift_right_logical3A_540 : i32 to vector<16xi32>
    %shift_right_logical3A_542 = arith.shrui %get3A_539, %shift_right_logical3A_541 : vector<16xi32>
    %shift_left3A_543 = arith.constant 9 : i32
    %shift_left3A_544 = vector.broadcast %shift_left3A_543 : i32 to vector<16xi32>
    %shift_left3A_545 = arith.shli %shift_right_logical3A_542, %shift_left3A_544 : vector<16xi32>
    %and3A_546 = arith.constant 127 : i32
    %and3A_547 = vector.broadcast %and3A_546 : i32 to vector<16xi32>
    %and3A_548 = arith.andi %get3A_539, %and3A_547 : vector<16xi32>
    %shift_left3A_549 = arith.constant 2 : i32
    %shift_left3A_550 = vector.broadcast %shift_left3A_549 : i32 to vector<16xi32>
    %shift_left3A_551 = arith.shli %and3A_548, %shift_left3A_550 : vector<16xi32>
    %or3A_552 = arith.ori %shift_left3A_545, %shift_left3A_551 : vector<16xi32>
    %shift_right_logical3A_553 = arith.constant 7 : i32
    %shift_right_logical3A_554 = vector.broadcast %shift_right_logical3A_553 : i32 to vector<16xi32>
    %shift_right_logical3A_555 = arith.shrui %get3A_539, %shift_right_logical3A_554 : vector<16xi32>
    %and3A_556 = arith.constant 3 : i32
    %and3A_557 = vector.broadcast %and3A_556 : i32 to vector<16xi32>
    %and3A_558 = arith.andi %shift_right_logical3A_555, %and3A_557 : vector<16xi32>
    %or3A_559 = arith.ori %or3A_552, %and3A_558 : vector<16xi32>
    %swap3A_560 = arith.constant 320 : index
    %swap3A_561 = tpu.vector_load %arg5[%swap3A_560] {strides = array<i32>} : memref<512xi32, #tpu.memory_space<vmem>>, vector<16xi32>,
    %swap3A_562 = vector.shape_cast %swap3A_561 : vector<16xi32> to vector<16xi32>
    %swap3A_563 = vector.shape_cast %or3A_559 : vector<16xi32> to vector<16xi32>
    tpu.vector_store %arg5[%swap3A_560], %swap3A_563 {strides = array<i32>} : memref<512xi32, #tpu.memory_space<vmem>>, vector<16xi32>,
    %get3A_564 = arith.constant 336 : index
    %get3A_565 = tpu.vector_load %arg5[%get3A_564] {strides = array<i32>} : memref<512xi32, #tpu.memory_space<vmem>>, vector<16xi32>,
    %get3A_566 = vector.shape_cast %get3A_565 : vector<16xi32> to vector<16xi32>
    %shift_right_logical3A_567 = arith.constant 9 : i32
    %shift_right_logical3A_568 = vector.broadcast %shift_right_logical3A_567 : i32 to vector<16xi32>
    %shift_right_logical3A_569 = arith.shrui %get3A_566, %shift_right_logical3A_568 : vector<16xi32>
    %shift_left3A_570 = arith.constant 9 : i32
    %shift_left3A_571 = vector.broadcast %shift_left3A_570 : i32 to vector<16xi32>
    %shift_left3A_572 = arith.shli %shift_right_logical3A_569, %shift_left3A_571 : vector<16xi32>
    %and3A_573 = arith.constant 127 : i32
    %and3A_574 = vector.broadcast %and3A_573 : i32 to vector<16xi32>
    %and3A_575 = arith.andi %get3A_566, %and3A_574 : vector<16xi32>
    %shift_left3A_576 = arith.constant 2 : i32
    %shift_left3A_577 = vector.broadcast %shift_left3A_576 : i32 to vector<16xi32>
    %shift_left3A_578 = arith.shli %and3A_575, %shift_left3A_577 : vector<16xi32>
    %or3A_579 = arith.ori %shift_left3A_572, %shift_left3A_578 : vector<16xi32>
    %shift_right_logical3A_580 = arith.constant 7 : i32
    %shift_right_logical3A_581 = vector.broadcast %shift_right_logical3A_580 : i32 to vector<16xi32>
    %shift_right_logical3A_582 = arith.shrui %get3A_566, %shift_right_logical3A_581 : vector<16xi32>
    %and3A_583 = arith.constant 3 : i32
    %and3A_584 = vector.broadcast %and3A_583 : i32 to vector<16xi32>
    %and3A_585 = arith.andi %shift_right_logical3A_582, %and3A_584 : vector<16xi32>
    %or3A_586 = arith.ori %or3A_579, %and3A_585 : vector<16xi32>
    %swap3A_587 = arith.constant 336 : index
    %swap3A_588 = tpu.vector_load %arg5[%swap3A_587] {strides = array<i32>} : memref<512xi32, #tpu.memory_space<vmem>>, vector<16xi32>,
    %swap3A_589 = vector.shape_cast %swap3A_588 : vector<16xi32> to vector<16xi32>
    %swap3A_590 = vector.shape_cast %or3A_586 : vector<16xi32> to vector<16xi32>
    tpu.vector_store %arg5[%swap3A_587], %swap3A_590 {strides = array<i32>} : memref<512xi32, #tpu.memory_space<vmem>>, vector<16xi32>,
    %get3A_591 = arith.constant 352 : index
    %get3A_592 = tpu.vector_load %arg5[%get3A_591] {strides = array<i32>} : memref<512xi32, #tpu.memory_space<vmem>>, vector<16xi32>,
    %get3A_593 = vector.shape_cast %get3A_592 : vector<16xi32> to vector<16xi32>
    %shift_right_logical3A_594 = arith.constant 9 : i32
    %shift_right_logical3A_595 = vector.broadcast %shift_right_logical3A_594 : i32 to vector<16xi32>
    %shift_right_logical3A_596 = arith.shrui %get3A_593, %shift_right_logical3A_595 : vector<16xi32>
    %shift_left3A_597 = arith.constant 9 : i32
    %shift_left3A_598 = vector.broadcast %shift_left3A_597 : i32 to vector<16xi32>
    %shift_left3A_599 = arith.shli %shift_right_logical3A_596, %shift_left3A_598 : vector<16xi32>
    %and3A_600 = arith.constant 127 : i32
    %and3A_601 = vector.broadcast %and3A_600 : i32 to vector<16xi32>
    %and3A_602 = arith.andi %get3A_593, %and3A_601 : vector<16xi32>
    %shift_left3A_603 = arith.constant 2 : i32
    %shift_left3A_604 = vector.broadcast %shift_left3A_603 : i32 to vector<16xi32>
    %shift_left3A_605 = arith.shli %and3A_602, %shift_left3A_604 : vector<16xi32>
    %or3A_606 = arith.ori %shift_left3A_599, %shift_left3A_605 : vector<16xi32>
    %shift_right_logical3A_607 = arith.constant 7 : i32
    %shift_right_logical3A_608 = vector.broadcast %shift_right_logical3A_607 : i32 to vector<16xi32>
    %shift_right_logical3A_609 = arith.shrui %get3A_593, %shift_right_logical3A_608 : vector<16xi32>
    %and3A_610 = arith.constant 3 : i32
    %and3A_611 = vector.broadcast %and3A_610 : i32 to vector<16xi32>
    %and3A_612 = arith.andi %shift_right_logical3A_609, %and3A_611 : vector<16xi32>
    %or3A_613 = arith.ori %or3A_606, %and3A_612 : vector<16xi32>
    %swap3A_614 = arith.constant 352 : index
    %swap3A_615 = tpu.vector_load %arg5[%swap3A_614] {strides = array<i32>} : memref<512xi32, #tpu.memory_space<vmem>>, vector<16xi32>,
    %swap3A_616 = vector.shape_cast %swap3A_615 : vector<16xi32> to vector<16xi32>
    %swap3A_617 = vector.shape_cast %or3A_613 : vector<16xi32> to vector<16xi32>
    tpu.vector_store %arg5[%swap3A_614], %swap3A_617 {strides = array<i32>} : memref<512xi32, #tpu.memory_space<vmem>>, vector<16xi32>,
    %get3A_618 = arith.constant 368 : index
    %get3A_619 = tpu.vector_load %arg5[%get3A_618] {strides = array<i32>} : memref<512xi32, #tpu.memory_space<vmem>>, vector<16xi32>,
    %get3A_620 = vector.shape_cast %get3A_619 : vector<16xi32> to vector<16xi32>
    %shift_right_logical3A_621 = arith.constant 9 : i32
    %shift_right_logical3A_622 = vector.broadcast %shift_right_logical3A_621 : i32 to vector<16xi32>
    %shift_right_logical3A_623 = arith.shrui %get3A_620, %shift_right_logical3A_622 : vector<16xi32>
    %shift_left3A_624 = arith.constant 9 : i32
    %shift_left3A_625 = vector.broadcast %shift_left3A_624 : i32 to vector<16xi32>
    %shift_left3A_626 = arith.shli %shift_right_logical3A_623, %shift_left3A_625 : vector<16xi32>
    %and3A_627 = arith.constant 127 : i32
    %and3A_628 = vector.broadcast %and3A_627 : i32 to vector<16xi32>
    %and3A_629 = arith.andi %get3A_620, %and3A_628 : vector<16xi32>
    %shift_left3A_630 = arith.constant 2 : i32
    %shift_left3A_631 = vector.broadcast %shift_left3A_630 : i32 to vector<16xi32>
    %shift_left3A_632 = arith.shli %and3A_629, %shift_left3A_631 : vector<16xi32>
    %or3A_633 = arith.ori %shift_left3A_626, %shift_left3A_632 : vector<16xi32>
    %shift_right_logical3A_634 = arith.constant 7 : i32
    %shift_right_logical3A_635 = vector.broadcast %shift_right_logical3A_634 : i32 to vector<16xi32>
    %shift_right_logical3A_636 = arith.shrui %get3A_620, %shift_right_logical3A_635 : vector<16xi32>
    %and3A_637 = arith.constant 3 : i32
    %and3A_638 = vector.broadcast %and3A_637 : i32 to vector<16xi32>
    %and3A_639 = arith.andi %shift_right_logical3A_636, %and3A_638 : vector<16xi32>
    %or3A_640 = arith.ori %or3A_633, %and3A_639 : vector<16xi32>
    %swap3A_641 = arith.constant 368 : index
    %swap3A_642 = tpu.vector_load %arg5[%swap3A_641] {strides = array<i32>} : memref<512xi32, #tpu.memory_space<vmem>>, vector<16xi32>,
    %swap3A_643 = vector.shape_cast %swap3A_642 : vector<16xi32> to vector<16xi32>
    %swap3A_644 = vector.shape_cast %or3A_640 : vector<16xi32> to vector<16xi32>
    tpu.vector_store %arg5[%swap3A_641], %swap3A_644 {strides = array<i32>} : memref<512xi32, #tpu.memory_space<vmem>>, vector<16xi32>,
    %get3A_645 = arith.constant 384 : index
    %get3A_646 = tpu.vector_load %arg5[%get3A_645] {strides = array<i32>} : memref<512xi32, #tpu.memory_space<vmem>>, vector<16xi32>,
    %get3A_647 = vector.shape_cast %get3A_646 : vector<16xi32> to vector<16xi32>
    %shift_right_logical3A_648 = arith.constant 9 : i32
    %shift_right_logical3A_649 = vector.broadcast %shift_right_logical3A_648 : i32 to vector<16xi32>
    %shift_right_logical3A_650 = arith.shrui %get3A_647, %shift_right_logical3A_649 : vector<16xi32>
    %shift_left3A_651 = arith.constant 9 : i32
    %shift_left3A_652 = vector.broadcast %shift_left3A_651 : i32 to vector<16xi32>
    %shift_left3A_653 = arith.shli %shift_right_logical3A_650, %shift_left3A_652 : vector<16xi32>
    %and3A_654 = arith.constant 127 : i32
    %and3A_655 = vector.broadcast %and3A_654 : i32 to vector<16xi32>
    %and3A_656 = arith.andi %get3A_647, %and3A_655 : vector<16xi32>
    %shift_left3A_657 = arith.constant 2 : i32
    %shift_left3A_658 = vector.broadcast %shift_left3A_657 : i32 to vector<16xi32>
    %shift_left3A_659 = arith.shli %and3A_656, %shift_left3A_658 : vector<16xi32>
    %or3A_660 = arith.ori %shift_left3A_653, %shift_left3A_659 : vector<16xi32>
    %shift_right_logical3A_661 = arith.constant 7 : i32
    %shift_right_logical3A_662 = vector.broadcast %shift_right_logical3A_661 : i32 to vector<16xi32>
    %shift_right_logical3A_663 = arith.shrui %get3A_647, %shift_right_logical3A_662 : vector<16xi32>
    %and3A_664 = arith.constant 3 : i32
    %and3A_665 = vector.broadcast %and3A_664 : i32 to vector<16xi32>
    %and3A_666 = arith.andi %shift_right_logical3A_663, %and3A_665 : vector<16xi32>
    %or3A_667 = arith.ori %or3A_660, %and3A_666 : vector<16xi32>
    %swap3A_668 = arith.constant 384 : index
    %swap3A_669 = tpu.vector_load %arg5[%swap3A_668] {strides = array<i32>} : memref<512xi32, #tpu.memory_space<vmem>>, vector<16xi32>,
    %swap3A_670 = vector.shape_cast %swap3A_669 : vector<16xi32> to vector<16xi32>
    %swap3A_671 = vector.shape_cast %or3A_667 : vector<16xi32> to vector<16xi32>
    tpu.vector_store %arg5[%swap3A_668], %swap3A_671 {strides = array<i32>} : memref<512xi32, #tpu.memory_space<vmem>>, vector<16xi32>,
    %get3A_672 = arith.constant 400 : index
    %get3A_673 = tpu.vector_load %arg5[%get3A_672] {strides = array<i32>} : memref<512xi32, #tpu.memory_space<vmem>>, vector<16xi32>,
    %get3A_674 = vector.shape_cast %get3A_673 : vector<16xi32> to vector<16xi32>
    %shift_right_logical3A_675 = arith.constant 9 : i32
    %shift_right_logical3A_676 = vector.broadcast %shift_right_logical3A_675 : i32 to vector<16xi32>
    %shift_right_logical3A_677 = arith.shrui %get3A_674, %shift_right_logical3A_676 : vector<16xi32>
    %shift_left3A_678 = arith.constant 9 : i32
    %shift_left3A_679 = vector.broadcast %shift_left3A_678 : i32 to vector<16xi32>
    %shift_left3A_680 = arith.shli %shift_right_logical3A_677, %shift_left3A_679 : vector<16xi32>
    %and3A_681 = arith.constant 127 : i32
    %and3A_682 = vector.broadcast %and3A_681 : i32 to vector<16xi32>
    %and3A_683 = arith.andi %get3A_674, %and3A_682 : vector<16xi32>
    %shift_left3A_684 = arith.constant 2 : i32
    %shift_left3A_685 = vector.broadcast %shift_left3A_684 : i32 to vector<16xi32>
    %shift_left3A_686 = arith.shli %and3A_683, %shift_left3A_685 : vector<16xi32>
    %or3A_687 = arith.ori %shift_left3A_680, %shift_left3A_686 : vector<16xi32>
    %shift_right_logical3A_688 = arith.constant 7 : i32
    %shift_right_logical3A_689 = vector.broadcast %shift_right_logical3A_688 : i32 to vector<16xi32>
    %shift_right_logical3A_690 = arith.shrui %get3A_674, %shift_right_logical3A_689 : vector<16xi32>
    %and3A_691 = arith.constant 3 : i32
    %and3A_692 = vector.broadcast %and3A_691 : i32 to vector<16xi32>
    %and3A_693 = arith.andi %shift_right_logical3A_690, %and3A_692 : vector<16xi32>
    %or3A_694 = arith.ori %or3A_687, %and3A_693 : vector<16xi32>
    %swap3A_695 = arith.constant 400 : index
    %swap3A_696 = tpu.vector_load %arg5[%swap3A_695] {strides = array<i32>} : memref<512xi32, #tpu.memory_space<vmem>>, vector<16xi32>,
    %swap3A_697 = vector.shape_cast %swap3A_696 : vector<16xi32> to vector<16xi32>
    %swap3A_698 = vector.shape_cast %or3A_694 : vector<16xi32> to vector<16xi32>
    tpu.vector_store %arg5[%swap3A_695], %swap3A_698 {strides = array<i32>} : memref<512xi32, #tpu.memory_space<vmem>>, vector<16xi32>,
    %get3A_699 = arith.constant 416 : index
    %get3A_700 = tpu.vector_load %arg5[%get3A_699] {strides = array<i32>} : memref<512xi32, #tpu.memory_space<vmem>>, vector<16xi32>,
    %get3A_701 = vector.shape_cast %get3A_700 : vector<16xi32> to vector<16xi32>
    %shift_right_logical3A_702 = arith.constant 9 : i32
    %shift_right_logical3A_703 = vector.broadcast %shift_right_logical3A_702 : i32 to vector<16xi32>
    %shift_right_logical3A_704 = arith.shrui %get3A_701, %shift_right_logical3A_703 : vector<16xi32>
    %shift_left3A_705 = arith.constant 9 : i32
    %shift_left3A_706 = vector.broadcast %shift_left3A_705 : i32 to vector<16xi32>
    %shift_left3A_707 = arith.shli %shift_right_logical3A_704, %shift_left3A_706 : vector<16xi32>
    %and3A_708 = arith.constant 127 : i32
    %and3A_709 = vector.broadcast %and3A_708 : i32 to vector<16xi32>
    %and3A_710 = arith.andi %get3A_701, %and3A_709 : vector<16xi32>
    %shift_left3A_711 = arith.constant 2 : i32
    %shift_left3A_712 = vector.broadcast %shift_left3A_711 : i32 to vector<16xi32>
    %shift_left3A_713 = arith.shli %and3A_710, %shift_left3A_712 : vector<16xi32>
    %or3A_714 = arith.ori %shift_left3A_707, %shift_left3A_713 : vector<16xi32>
    %shift_right_logical3A_715 = arith.constant 7 : i32
    %shift_right_logical3A_716 = vector.broadcast %shift_right_logical3A_715 : i32 to vector<16xi32>
    %shift_right_logical3A_717 = arith.shrui %get3A_701, %shift_right_logical3A_716 : vector<16xi32>
    %and3A_718 = arith.constant 3 : i32
    %and3A_719 = vector.broadcast %and3A_718 : i32 to vector<16xi32>
    %and3A_720 = arith.andi %shift_right_logical3A_717, %and3A_719 : vector<16xi32>
    %or3A_721 = arith.ori %or3A_714, %and3A_720 : vector<16xi32>
    %swap3A_722 = arith.constant 416 : index
    %swap3A_723 = tpu.vector_load %arg5[%swap3A_722] {strides = array<i32>} : memref<512xi32, #tpu.memory_space<vmem>>, vector<16xi32>,
    %swap3A_724 = vector.shape_cast %swap3A_723 : vector<16xi32> to vector<16xi32>
    %swap3A_725 = vector.shape_cast %or3A_721 : vector<16xi32> to vector<16xi32>
    tpu.vector_store %arg5[%swap3A_722], %swap3A_725 {strides = array<i32>} : memref<512xi32, #tpu.memory_space<vmem>>, vector<16xi32>,
    %get3A_726 = arith.constant 432 : index
    %get3A_727 = tpu.vector_load %arg5[%get3A_726] {strides = array<i32>} : memref<512xi32, #tpu.memory_space<vmem>>, vector<16xi32>,
    %get3A_728 = vector.shape_cast %get3A_727 : vector<16xi32> to vector<16xi32>
    %shift_right_logical3A_729 = arith.constant 9 : i32
    %shift_right_logical3A_730 = vector.broadcast %shift_right_logical3A_729 : i32 to vector<16xi32>
    %shift_right_logical3A_731 = arith.shrui %get3A_728, %shift_right_logical3A_730 : vector<16xi32>
    %shift_left3A_732 = arith.constant 9 : i32
    %shift_left3A_733 = vector.broadcast %shift_left3A_732 : i32 to vector<16xi32>
    %shift_left3A_734 = arith.shli %shift_right_logical3A_731, %shift_left3A_733 : vector<16xi32>
    %and3A_735 = arith.constant 127 : i32
    %and3A_736 = vector.broadcast %and3A_735 : i32 to vector<16xi32>
    %and3A_737 = arith.andi %get3A_728, %and3A_736 : vector<16xi32>
    %shift_left3A_738 = arith.constant 2 : i32
    %shift_left3A_739 = vector.broadcast %shift_left3A_738 : i32 to vector<16xi32>
    %shift_left3A_740 = arith.shli %and3A_737, %shift_left3A_739 : vector<16xi32>
    %or3A_741 = arith.ori %shift_left3A_734, %shift_left3A_740 : vector<16xi32>
    %shift_right_logical3A_742 = arith.constant 7 : i32
    %shift_right_logical3A_743 = vector.broadcast %shift_right_logical3A_742 : i32 to vector<16xi32>
    %shift_right_logical3A_744 = arith.shrui %get3A_728, %shift_right_logical3A_743 : vector<16xi32>
    %and3A_745 = arith.constant 3 : i32
    %and3A_746 = vector.broadcast %and3A_745 : i32 to vector<16xi32>
    %and3A_747 = arith.andi %shift_right_logical3A_744, %and3A_746 : vector<16xi32>
    %or3A_748 = arith.ori %or3A_741, %and3A_747 : vector<16xi32>
    %swap3A_749 = arith.constant 432 : index
    %swap3A_750 = tpu.vector_load %arg5[%swap3A_749] {strides = array<i32>} : memref<512xi32, #tpu.memory_space<vmem>>, vector<16xi32>,
    %swap3A_751 = vector.shape_cast %swap3A_750 : vector<16xi32> to vector<16xi32>
    %swap3A_752 = vector.shape_cast %or3A_748 : vector<16xi32> to vector<16xi32>
    tpu.vector_store %arg5[%swap3A_749], %swap3A_752 {strides = array<i32>} : memref<512xi32, #tpu.memory_space<vmem>>, vector<16xi32>,
    %get3A_753 = arith.constant 448 : index
    %get3A_754 = tpu.vector_load %arg5[%get3A_753] {strides = array<i32>} : memref<512xi32, #tpu.memory_space<vmem>>, vector<16xi32>,
    %get3A_755 = vector.shape_cast %get3A_754 : vector<16xi32> to vector<16xi32>
    %shift_right_logical3A_756 = arith.constant 9 : i32
    %shift_right_logical3A_757 = vector.broadcast %shift_right_logical3A_756 : i32 to vector<16xi32>
    %shift_right_logical3A_758 = arith.shrui %get3A_755, %shift_right_logical3A_757 : vector<16xi32>
    %shift_left3A_759 = arith.constant 9 : i32
    %shift_left3A_760 = vector.broadcast %shift_left3A_759 : i32 to vector<16xi32>
    %shift_left3A_761 = arith.shli %shift_right_logical3A_758, %shift_left3A_760 : vector<16xi32>
    %and3A_762 = arith.constant 127 : i32
    %and3A_763 = vector.broadcast %and3A_762 : i32 to vector<16xi32>
    %and3A_764 = arith.andi %get3A_755, %and3A_763 : vector<16xi32>
    %shift_left3A_765 = arith.constant 2 : i32
    %shift_left3A_766 = vector.broadcast %shift_left3A_765 : i32 to vector<16xi32>
    %shift_left3A_767 = arith.shli %and3A_764, %shift_left3A_766 : vector<16xi32>
    %or3A_768 = arith.ori %shift_left3A_761, %shift_left3A_767 : vector<16xi32>
    %shift_right_logical3A_769 = arith.constant 7 : i32
    %shift_right_logical3A_770 = vector.broadcast %shift_right_logical3A_769 : i32 to vector<16xi32>
    %shift_right_logical3A_771 = arith.shrui %get3A_755, %shift_right_logical3A_770 : vector<16xi32>
    %and3A_772 = arith.constant 3 : i32
    %and3A_773 = vector.broadcast %and3A_772 : i32 to vector<16xi32>
    %and3A_774 = arith.andi %shift_right_logical3A_771, %and3A_773 : vector<16xi32>
    %or3A_775 = arith.ori %or3A_768, %and3A_774 : vector<16xi32>
    %swap3A_776 = arith.constant 448 : index
    %swap3A_777 = tpu.vector_load %arg5[%swap3A_776] {strides = array<i32>} : memref<512xi32, #tpu.memory_space<vmem>>, vector<16xi32>,
    %swap3A_778 = vector.shape_cast %swap3A_777 : vector<16xi32> to vector<16xi32>
    %swap3A_779 = vector.shape_cast %or3A_775 : vector<16xi32> to vector<16xi32>
    tpu.vector_store %arg5[%swap3A_776], %swap3A_779 {strides = array<i32>} : memref<512xi32, #tpu.memory_space<vmem>>, vector<16xi32>,
    %get3A_780 = arith.constant 464 : index
    %get3A_781 = tpu.vector_load %arg5[%get3A_780] {strides = array<i32>} : memref<512xi32, #tpu.memory_space<vmem>>, vector<16xi32>,
    %get3A_782 = vector.shape_cast %get3A_781 : vector<16xi32> to vector<16xi32>
    %shift_right_logical3A_783 = arith.constant 9 : i32
    %shift_right_logical3A_784 = vector.broadcast %shift_right_logical3A_783 : i32 to vector<16xi32>
    %shift_right_logical3A_785 = arith.shrui %get3A_782, %shift_right_logical3A_784 : vector<16xi32>
    %shift_left3A_786 = arith.constant 9 : i32
    %shift_left3A_787 = vector.broadcast %shift_left3A_786 : i32 to vector<16xi32>
    %shift_left3A_788 = arith.shli %shift_right_logical3A_785, %shift_left3A_787 : vector<16xi32>
    %and3A_789 = arith.constant 127 : i32
    %and3A_790 = vector.broadcast %and3A_789 : i32 to vector<16xi32>
    %and3A_791 = arith.andi %get3A_782, %and3A_790 : vector<16xi32>
    %shift_left3A_792 = arith.constant 2 : i32
    %shift_left3A_793 = vector.broadcast %shift_left3A_792 : i32 to vector<16xi32>
    %shift_left3A_794 = arith.shli %and3A_791, %shift_left3A_793 : vector<16xi32>
    %or3A_795 = arith.ori %shift_left3A_788, %shift_left3A_794 : vector<16xi32>
    %shift_right_logical3A_796 = arith.constant 7 : i32
    %shift_right_logical3A_797 = vector.broadcast %shift_right_logical3A_796 : i32 to vector<16xi32>
    %shift_right_logical3A_798 = arith.shrui %get3A_782, %shift_right_logical3A_797 : vector<16xi32>
    %and3A_799 = arith.constant 3 : i32
    %and3A_800 = vector.broadcast %and3A_799 : i32 to vector<16xi32>
    %and3A_801 = arith.andi %shift_right_logical3A_798, %and3A_800 : vector<16xi32>
    %or3A_802 = arith.ori %or3A_795, %and3A_801 : vector<16xi32>
    %swap3A_803 = arith.constant 464 : index
    %swap3A_804 = tpu.vector_load %arg5[%swap3A_803] {strides = array<i32>} : memref<512xi32, #tpu.memory_space<vmem>>, vector<16xi32>,
    %swap3A_805 = vector.shape_cast %swap3A_804 : vector<16xi32> to vector<16xi32>
    %swap3A_806 = vector.shape_cast %or3A_802 : vector<16xi32> to vector<16xi32>
    tpu.vector_store %arg5[%swap3A_803], %swap3A_806 {strides = array<i32>} : memref<512xi32, #tpu.memory_space<vmem>>, vector<16xi32>,
    %get3A_807 = arith.constant 480 : index
    %get3A_808 = tpu.vector_load %arg5[%get3A_807] {strides = array<i32>} : memref<512xi32, #tpu.memory_space<vmem>>, vector<16xi32>,
    %get3A_809 = vector.shape_cast %get3A_808 : vector<16xi32> to vector<16xi32>
    %shift_right_logical3A_810 = arith.constant 9 : i32
    %shift_right_logical3A_811 = vector.broadcast %shift_right_logical3A_810 : i32 to vector<16xi32>
    %shift_right_logical3A_812 = arith.shrui %get3A_809, %shift_right_logical3A_811 : vector<16xi32>
    %shift_left3A_813 = arith.constant 9 : i32
    %shift_left3A_814 = vector.broadcast %shift_left3A_813 : i32 to vector<16xi32>
    %shift_left3A_815 = arith.shli %shift_right_logical3A_812, %shift_left3A_814 : vector<16xi32>
    %and3A_816 = arith.constant 127 : i32
    %and3A_817 = vector.broadcast %and3A_816 : i32 to vector<16xi32>
    %and3A_818 = arith.andi %get3A_809, %and3A_817 : vector<16xi32>
    %shift_left3A_819 = arith.constant 2 : i32
    %shift_left3A_820 = vector.broadcast %shift_left3A_819 : i32 to vector<16xi32>
    %shift_left3A_821 = arith.shli %and3A_818, %shift_left3A_820 : vector<16xi32>
    %or3A_822 = arith.ori %shift_left3A_815, %shift_left3A_821 : vector<16xi32>
    %shift_right_logical3A_823 = arith.constant 7 : i32
    %shift_right_logical3A_824 = vector.broadcast %shift_right_logical3A_823 : i32 to vector<16xi32>
    %shift_right_logical3A_825 = arith.shrui %get3A_809, %shift_right_logical3A_824 : vector<16xi32>
    %and3A_826 = arith.constant 3 : i32
    %and3A_827 = vector.broadcast %and3A_826 : i32 to vector<16xi32>
    %and3A_828 = arith.andi %shift_right_logical3A_825, %and3A_827 : vector<16xi32>
    %or3A_829 = arith.ori %or3A_822, %and3A_828 : vector<16xi32>
    %swap3A_830 = arith.constant 480 : index
    %swap3A_831 = tpu.vector_load %arg5[%swap3A_830] {strides = array<i32>} : memref<512xi32, #tpu.memory_space<vmem>>, vector<16xi32>,
    %swap3A_832 = vector.shape_cast %swap3A_831 : vector<16xi32> to vector<16xi32>
    %swap3A_833 = vector.shape_cast %or3A_829 : vector<16xi32> to vector<16xi32>
    tpu.vector_store %arg5[%swap3A_830], %swap3A_833 {strides = array<i32>} : memref<512xi32, #tpu.memory_space<vmem>>, vector<16xi32>,
    %get3A_834 = arith.constant 496 : index
    %get3A_835 = tpu.vector_load %arg5[%get3A_834] {strides = array<i32>} : memref<512xi32, #tpu.memory_space<vmem>>, vector<16xi32>,
    %get3A_836 = vector.shape_cast %get3A_835 : vector<16xi32> to vector<16xi32>
    %shift_right_logical3A_837 = arith.constant 9 : i32
    %shift_right_logical3A_838 = vector.broadcast %shift_right_logical3A_837 : i32 to vector<16xi32>
    %shift_right_logical3A_839 = arith.shrui %get3A_836, %shift_right_logical3A_838 : vector<16xi32>
    %shift_left3A_840 = arith.constant 9 : i32
    %shift_left3A_841 = vector.broadcast %shift_left3A_840 : i32 to vector<16xi32>
    %shift_left3A_842 = arith.shli %shift_right_logical3A_839, %shift_left3A_841 : vector<16xi32>
    %and3A_843 = arith.constant 127 : i32
    %and3A_844 = vector.broadcast %and3A_843 : i32 to vector<16xi32>
    %and3A_845 = arith.andi %get3A_836, %and3A_844 : vector<16xi32>
    %shift_left3A_846 = arith.constant 2 : i32
    %shift_left3A_847 = vector.broadcast %shift_left3A_846 : i32 to vector<16xi32>
    %shift_left3A_848 = arith.shli %and3A_845, %shift_left3A_847 : vector<16xi32>
    %or3A_849 = arith.ori %shift_left3A_842, %shift_left3A_848 : vector<16xi32>
    %shift_right_logical3A_850 = arith.constant 7 : i32
    %shift_right_logical3A_851 = vector.broadcast %shift_right_logical3A_850 : i32 to vector<16xi32>
    %shift_right_logical3A_852 = arith.shrui %get3A_836, %shift_right_logical3A_851 : vector<16xi32>
    %and3A_853 = arith.constant 3 : i32
    %and3A_854 = vector.broadcast %and3A_853 : i32 to vector<16xi32>
    %and3A_855 = arith.andi %shift_right_logical3A_852, %and3A_854 : vector<16xi32>
    %or3A_856 = arith.ori %or3A_849, %and3A_855 : vector<16xi32>
    %swap3A_857 = arith.constant 496 : index
    %swap3A_858 = tpu.vector_load %arg5[%swap3A_857] {strides = array<i32>} : memref<512xi32, #tpu.memory_space<vmem>>, vector<16xi32>,
    %swap3A_859 = vector.shape_cast %swap3A_858 : vector<16xi32> to vector<16xi32>
    %swap3A_860 = vector.shape_cast %or3A_856 : vector<16xi32> to vector<16xi32>
    tpu.vector_store %arg5[%swap3A_857], %swap3A_860 {strides = array<i32>} : memref<512xi32, #tpu.memory_space<vmem>>, vector<16xi32>,
    %dma_start3A = arith.constant 0 : i32
    %dma_start3A_861 = arith.constant 0 : i32
    %dma_start3A_862 = tpu.memref_slice %arg2[%dma_start3A, %dma_start3A_861] : memref<100352x32xf32, #tpu.memory_space<hbm>> -> memref<100352x32xf32, #tpu.memory_space<hbm>>
    tpu.enqueue_indirect_dma source(%dma_start3A_862 : memref<100352x32xf32, #tpu.memory_space<hbm>>) target(%arg6 : memref<512x32xf32, #tpu.memory_space<vmem>>) offsets(%arg5 : memref<512xi32, #tpu.memory_space<vmem>>) semaphore(%arg7 : memref<!tpu.dma_semaphore, #tpu.memory_space<semaphore_mem>>)
    %dma_wait3A = arith.constant 0 : i32
    %dma_wait3A_863 = arith.constant 0 : i32
    %dma_wait3A_864 = tpu.memref_slice %arg2[%dma_wait3A, %dma_wait3A_863] : memref<100352x32xf32, #tpu.memory_space<hbm>> -> memref<100352x32xf32, #tpu.memory_space<hbm>>
    tpu.wait_indirect_dma semaphore(%arg7 : memref<!tpu.dma_semaphore, #tpu.memory_space<semaphore_mem>>) src(%dma_wait3A_864 : memref<100352x32xf32, #tpu.memory_space<hbm>>) dst(%arg6 : memref<512x32xf32, #tpu.memory_space<vmem>>)
    "tpu.region"() ({
      %run_scoped3A = tpu.sem_alloc : memref<!tpu.dma_semaphore, #tpu.memory_space<semaphore_mem>>
      %dma_start3A_865 = arith.constant 0 : i32
      %dma_start3A_866 = tpu.memref_slice %arg4[%mul3A_2, %dma_start3A_865] : memref<16384x32xf32, #tpu.memory_space<hbm>> -> memref<512x32xf32, #tpu.memory_space<hbm>>
      %dma_start3A_867 = arith.constant 0 : i32
      %dma_start3A_868 = tpu.memref_slice %arg4[%mul3A_2, %dma_start3A_867] : memref<16384x32xf32, #tpu.memory_space<hbm>> -> memref<512x32xf32, #tpu.memory_space<hbm>>
      tpu.enqueue_dma source(%arg6 : memref<512x32xf32, #tpu.memory_space<vmem>>) target(%dma_start3A_868 : memref<512x32xf32, #tpu.memory_space<hbm>>) target_semaphore(%run_scoped3A : memref<!tpu.dma_semaphore, #tpu.memory_space<semaphore_mem>>)
      %dma_wait3A_869 = arith.constant 0 : i32
      %dma_wait3A_870 = tpu.memref_slice %arg4[%mul3A_2, %dma_wait3A_869] : memref<16384x32xf32, #tpu.memory_space<hbm>> -> memref<512x32xf32, #tpu.memory_space<hbm>>
      %dma_wait3A_871 = arith.constant 0 : i32
      %dma_wait3A_872 = tpu.memref_slice %arg4[%mul3A_2, %dma_wait3A_871] : memref<16384x32xf32, #tpu.memory_space<hbm>> -> memref<512x32xf32, #tpu.memory_space<hbm>>
      tpu.wait_dma2 semaphore(%run_scoped3A : memref<!tpu.dma_semaphore, #tpu.memory_space<semaphore_mem>>) src(%arg6 : memref<512x32xf32, #tpu.memory_space<vmem>>) dst(%dma_wait3A_872 : memref<512x32xf32, #tpu.memory_space<hbm>>)
      tpu.yield
    }) : () -> ()
    return
  }
}

module attributes {stable_mosaic.version = 14 : i64} {
  func.func @_padt_body(%arg0: i32, %arg1: memref<32x16384xf32, #tpu.memory_space<vmem>>, %arg2: memref<128x128xf32, #tpu.memory_space<vmem>>, %arg3: memref<4096x128xf32, #tpu.memory_space<vmem>>) attributes {dimension_semantics = [#tpu.dimension_semantics<arbitrary>], iteration_bounds = array<i64: 7>, scalar_prefetch = 0 : i64, scratch_operands = 0 : i64, tpu.core_type = #tpu.core_type<tc>, window_params = [{transform_indices = @transform_0, window_bounds = array<i64: 32, 16384>}, {pipeline_mode = #tpu.pipeline_mode<synchronous>, transform_indices = @transform_1, window_bounds = array<i64: 128, 128>}, {transform_indices = @transform_2, window_bounds = array<i64: 4096, 128>}]} {
    %get3A = arith.constant 0 : index
    %get3A_0 = arith.constant 0 : index
    %get3A_1 = vector.load %arg2[%get3A, %get3A_0] : memref<128x128xf32, #tpu.memory_space<vmem>>, vector<128x128xf32>
    %get3A_2 = arith.constant 0 : index
    %get3A_3 = arith.constant 0 : index
    %get3A_4 = vector.load %arg1[%get3A_2, %get3A_3] : memref<32x16384xf32, #tpu.memory_space<vmem>>, vector<32x128xf32>
    %dot_general3A = arith.constant dense<0.000000e+00> : vector<128x32xf32>
    %dot_general3A_5 = tpu.matmul %get3A_1, %get3A_4, %dot_general3A {dimension_numbers = #tpu.dot_dimension_numbers<[1], [1], [0], [0], [0, 0, 1, 0], [], []>, transpose_lhs_hint = false} : vector<128x128xf32>, vector<32x128xf32>, vector<128x32xf32> -> vector<128x32xf32>
    %swap3A = arith.constant 0 : index
    %swap3A_6 = arith.constant 0 : index
    %swap3A_7 = vector.load %arg3[%swap3A, %swap3A_6] : memref<4096x128xf32, #tpu.memory_space<vmem>>, vector<128x32xf32>
    tpu.vector_store %arg3[%swap3A, %swap3A_6], %dot_general3A_5 {strides = array<i32>} : memref<4096x128xf32, #tpu.memory_space<vmem>>, vector<128x32xf32>,
    %get3A_8 = arith.constant 0 : index
    %get3A_9 = arith.constant 128 : index
    %get3A_10 = vector.load %arg1[%get3A_8, %get3A_9] : memref<32x16384xf32, #tpu.memory_space<vmem>>, vector<32x128xf32>
    %dot_general3A_11 = arith.constant dense<0.000000e+00> : vector<128x32xf32>
    %dot_general3A_12 = tpu.matmul %get3A_1, %get3A_10, %dot_general3A_11 {dimension_numbers = #tpu.dot_dimension_numbers<[1], [1], [0], [0], [0, 0, 1, 0], [], []>, transpose_lhs_hint = false} : vector<128x128xf32>, vector<32x128xf32>, vector<128x32xf32> -> vector<128x32xf32>
    %swap3A_13 = arith.constant 0 : index
    %swap3A_14 = arith.constant 32 : index
    %swap3A_15 = vector.load %arg3[%swap3A_13, %swap3A_14] : memref<4096x128xf32, #tpu.memory_space<vmem>>, vector<128x32xf32>
    tpu.vector_store %arg3[%swap3A_13, %swap3A_14], %dot_general3A_12 {strides = array<i32>} : memref<4096x128xf32, #tpu.memory_space<vmem>>, vector<128x32xf32>,
    %get3A_16 = arith.constant 0 : index
    %get3A_17 = arith.constant 256 : index
    %get3A_18 = vector.load %arg1[%get3A_16, %get3A_17] : memref<32x16384xf32, #tpu.memory_space<vmem>>, vector<32x128xf32>
    %dot_general3A_19 = arith.constant dense<0.000000e+00> : vector<128x32xf32>
    %dot_general3A_20 = tpu.matmul %get3A_1, %get3A_18, %dot_general3A_19 {dimension_numbers = #tpu.dot_dimension_numbers<[1], [1], [0], [0], [0, 0, 1, 0], [], []>, transpose_lhs_hint = false} : vector<128x128xf32>, vector<32x128xf32>, vector<128x32xf32> -> vector<128x32xf32>
    %swap3A_21 = arith.constant 0 : index
    %swap3A_22 = arith.constant 64 : index
    %swap3A_23 = vector.load %arg3[%swap3A_21, %swap3A_22] : memref<4096x128xf32, #tpu.memory_space<vmem>>, vector<128x32xf32>
    tpu.vector_store %arg3[%swap3A_21, %swap3A_22], %dot_general3A_20 {strides = array<i32>} : memref<4096x128xf32, #tpu.memory_space<vmem>>, vector<128x32xf32>,
    %get3A_24 = arith.constant 0 : index
    %get3A_25 = arith.constant 384 : index
    %get3A_26 = vector.load %arg1[%get3A_24, %get3A_25] : memref<32x16384xf32, #tpu.memory_space<vmem>>, vector<32x128xf32>
    %dot_general3A_27 = arith.constant dense<0.000000e+00> : vector<128x32xf32>
    %dot_general3A_28 = tpu.matmul %get3A_1, %get3A_26, %dot_general3A_27 {dimension_numbers = #tpu.dot_dimension_numbers<[1], [1], [0], [0], [0, 0, 1, 0], [], []>, transpose_lhs_hint = false} : vector<128x128xf32>, vector<32x128xf32>, vector<128x32xf32> -> vector<128x32xf32>
    %swap3A_29 = arith.constant 0 : index
    %swap3A_30 = arith.constant 96 : index
    %swap3A_31 = vector.load %arg3[%swap3A_29, %swap3A_30] : memref<4096x128xf32, #tpu.memory_space<vmem>>, vector<128x32xf32>
    tpu.vector_store %arg3[%swap3A_29, %swap3A_30], %dot_general3A_28 {strides = array<i32>} : memref<4096x128xf32, #tpu.memory_space<vmem>>, vector<128x32xf32>,
    %get3A_32 = arith.constant 0 : index
    %get3A_33 = arith.constant 512 : index
    %get3A_34 = vector.load %arg1[%get3A_32, %get3A_33] : memref<32x16384xf32, #tpu.memory_space<vmem>>, vector<32x128xf32>
    %dot_general3A_35 = arith.constant dense<0.000000e+00> : vector<128x32xf32>
    %dot_general3A_36 = tpu.matmul %get3A_1, %get3A_34, %dot_general3A_35 {dimension_numbers = #tpu.dot_dimension_numbers<[1], [1], [0], [0], [0, 0, 1, 0], [], []>, transpose_lhs_hint = false} : vector<128x128xf32>, vector<32x128xf32>, vector<128x32xf32> -> vector<128x32xf32>
    %swap3A_37 = arith.constant 128 : index
    %swap3A_38 = arith.constant 0 : index
    %swap3A_39 = vector.load %arg3[%swap3A_37, %swap3A_38] : memref<4096x128xf32, #tpu.memory_space<vmem>>, vector<128x32xf32>
    tpu.vector_store %arg3[%swap3A_37, %swap3A_38], %dot_general3A_36 {strides = array<i32>} : memref<4096x128xf32, #tpu.memory_space<vmem>>, vector<128x32xf32>,
    %get3A_40 = arith.constant 0 : index
    %get3A_41 = arith.constant 640 : index
    %get3A_42 = vector.load %arg1[%get3A_40, %get3A_41] : memref<32x16384xf32, #tpu.memory_space<vmem>>, vector<32x128xf32>
    %dot_general3A_43 = arith.constant dense<0.000000e+00> : vector<128x32xf32>
    %dot_general3A_44 = tpu.matmul %get3A_1, %get3A_42, %dot_general3A_43 {dimension_numbers = #tpu.dot_dimension_numbers<[1], [1], [0], [0], [0, 0, 1, 0], [], []>, transpose_lhs_hint = false} : vector<128x128xf32>, vector<32x128xf32>, vector<128x32xf32> -> vector<128x32xf32>
    %swap3A_45 = arith.constant 128 : index
    %swap3A_46 = arith.constant 32 : index
    %swap3A_47 = vector.load %arg3[%swap3A_45, %swap3A_46] : memref<4096x128xf32, #tpu.memory_space<vmem>>, vector<128x32xf32>
    tpu.vector_store %arg3[%swap3A_45, %swap3A_46], %dot_general3A_44 {strides = array<i32>} : memref<4096x128xf32, #tpu.memory_space<vmem>>, vector<128x32xf32>,
    %get3A_48 = arith.constant 0 : index
    %get3A_49 = arith.constant 768 : index
    %get3A_50 = vector.load %arg1[%get3A_48, %get3A_49] : memref<32x16384xf32, #tpu.memory_space<vmem>>, vector<32x128xf32>
    %dot_general3A_51 = arith.constant dense<0.000000e+00> : vector<128x32xf32>
    %dot_general3A_52 = tpu.matmul %get3A_1, %get3A_50, %dot_general3A_51 {dimension_numbers = #tpu.dot_dimension_numbers<[1], [1], [0], [0], [0, 0, 1, 0], [], []>, transpose_lhs_hint = false} : vector<128x128xf32>, vector<32x128xf32>, vector<128x32xf32> -> vector<128x32xf32>
    %swap3A_53 = arith.constant 128 : index
    %swap3A_54 = arith.constant 64 : index
    %swap3A_55 = vector.load %arg3[%swap3A_53, %swap3A_54] : memref<4096x128xf32, #tpu.memory_space<vmem>>, vector<128x32xf32>
    tpu.vector_store %arg3[%swap3A_53, %swap3A_54], %dot_general3A_52 {strides = array<i32>} : memref<4096x128xf32, #tpu.memory_space<vmem>>, vector<128x32xf32>,
    %get3A_56 = arith.constant 0 : index
    %get3A_57 = arith.constant 896 : index
    %get3A_58 = vector.load %arg1[%get3A_56, %get3A_57] : memref<32x16384xf32, #tpu.memory_space<vmem>>, vector<32x128xf32>
    %dot_general3A_59 = arith.constant dense<0.000000e+00> : vector<128x32xf32>
    %dot_general3A_60 = tpu.matmul %get3A_1, %get3A_58, %dot_general3A_59 {dimension_numbers = #tpu.dot_dimension_numbers<[1], [1], [0], [0], [0, 0, 1, 0], [], []>, transpose_lhs_hint = false} : vector<128x128xf32>, vector<32x128xf32>, vector<128x32xf32> -> vector<128x32xf32>
    %swap3A_61 = arith.constant 128 : index
    %swap3A_62 = arith.constant 96 : index
    %swap3A_63 = vector.load %arg3[%swap3A_61, %swap3A_62] : memref<4096x128xf32, #tpu.memory_space<vmem>>, vector<128x32xf32>
    tpu.vector_store %arg3[%swap3A_61, %swap3A_62], %dot_general3A_60 {strides = array<i32>} : memref<4096x128xf32, #tpu.memory_space<vmem>>, vector<128x32xf32>,
    %get3A_64 = arith.constant 0 : index
    %get3A_65 = arith.constant 1024 : index
    %get3A_66 = vector.load %arg1[%get3A_64, %get3A_65] : memref<32x16384xf32, #tpu.memory_space<vmem>>, vector<32x128xf32>
    %dot_general3A_67 = arith.constant dense<0.000000e+00> : vector<128x32xf32>
    %dot_general3A_68 = tpu.matmul %get3A_1, %get3A_66, %dot_general3A_67 {dimension_numbers = #tpu.dot_dimension_numbers<[1], [1], [0], [0], [0, 0, 1, 0], [], []>, transpose_lhs_hint = false} : vector<128x128xf32>, vector<32x128xf32>, vector<128x32xf32> -> vector<128x32xf32>
    %swap3A_69 = arith.constant 256 : index
    %swap3A_70 = arith.constant 0 : index
    %swap3A_71 = vector.load %arg3[%swap3A_69, %swap3A_70] : memref<4096x128xf32, #tpu.memory_space<vmem>>, vector<128x32xf32>
    tpu.vector_store %arg3[%swap3A_69, %swap3A_70], %dot_general3A_68 {strides = array<i32>} : memref<4096x128xf32, #tpu.memory_space<vmem>>, vector<128x32xf32>,
    %get3A_72 = arith.constant 0 : index
    %get3A_73 = arith.constant 1152 : index
    %get3A_74 = vector.load %arg1[%get3A_72, %get3A_73] : memref<32x16384xf32, #tpu.memory_space<vmem>>, vector<32x128xf32>
    %dot_general3A_75 = arith.constant dense<0.000000e+00> : vector<128x32xf32>
    %dot_general3A_76 = tpu.matmul %get3A_1, %get3A_74, %dot_general3A_75 {dimension_numbers = #tpu.dot_dimension_numbers<[1], [1], [0], [0], [0, 0, 1, 0], [], []>, transpose_lhs_hint = false} : vector<128x128xf32>, vector<32x128xf32>, vector<128x32xf32> -> vector<128x32xf32>
    %swap3A_77 = arith.constant 256 : index
    %swap3A_78 = arith.constant 32 : index
    %swap3A_79 = vector.load %arg3[%swap3A_77, %swap3A_78] : memref<4096x128xf32, #tpu.memory_space<vmem>>, vector<128x32xf32>
    tpu.vector_store %arg3[%swap3A_77, %swap3A_78], %dot_general3A_76 {strides = array<i32>} : memref<4096x128xf32, #tpu.memory_space<vmem>>, vector<128x32xf32>,
    %get3A_80 = arith.constant 0 : index
    %get3A_81 = arith.constant 1280 : index
    %get3A_82 = vector.load %arg1[%get3A_80, %get3A_81] : memref<32x16384xf32, #tpu.memory_space<vmem>>, vector<32x128xf32>
    %dot_general3A_83 = arith.constant dense<0.000000e+00> : vector<128x32xf32>
    %dot_general3A_84 = tpu.matmul %get3A_1, %get3A_82, %dot_general3A_83 {dimension_numbers = #tpu.dot_dimension_numbers<[1], [1], [0], [0], [0, 0, 1, 0], [], []>, transpose_lhs_hint = false} : vector<128x128xf32>, vector<32x128xf32>, vector<128x32xf32> -> vector<128x32xf32>
    %swap3A_85 = arith.constant 256 : index
    %swap3A_86 = arith.constant 64 : index
    %swap3A_87 = vector.load %arg3[%swap3A_85, %swap3A_86] : memref<4096x128xf32, #tpu.memory_space<vmem>>, vector<128x32xf32>
    tpu.vector_store %arg3[%swap3A_85, %swap3A_86], %dot_general3A_84 {strides = array<i32>} : memref<4096x128xf32, #tpu.memory_space<vmem>>, vector<128x32xf32>,
    %get3A_88 = arith.constant 0 : index
    %get3A_89 = arith.constant 1408 : index
    %get3A_90 = vector.load %arg1[%get3A_88, %get3A_89] : memref<32x16384xf32, #tpu.memory_space<vmem>>, vector<32x128xf32>
    %dot_general3A_91 = arith.constant dense<0.000000e+00> : vector<128x32xf32>
    %dot_general3A_92 = tpu.matmul %get3A_1, %get3A_90, %dot_general3A_91 {dimension_numbers = #tpu.dot_dimension_numbers<[1], [1], [0], [0], [0, 0, 1, 0], [], []>, transpose_lhs_hint = false} : vector<128x128xf32>, vector<32x128xf32>, vector<128x32xf32> -> vector<128x32xf32>
    %swap3A_93 = arith.constant 256 : index
    %swap3A_94 = arith.constant 96 : index
    %swap3A_95 = vector.load %arg3[%swap3A_93, %swap3A_94] : memref<4096x128xf32, #tpu.memory_space<vmem>>, vector<128x32xf32>
    tpu.vector_store %arg3[%swap3A_93, %swap3A_94], %dot_general3A_92 {strides = array<i32>} : memref<4096x128xf32, #tpu.memory_space<vmem>>, vector<128x32xf32>,
    %get3A_96 = arith.constant 0 : index
    %get3A_97 = arith.constant 1536 : index
    %get3A_98 = vector.load %arg1[%get3A_96, %get3A_97] : memref<32x16384xf32, #tpu.memory_space<vmem>>, vector<32x128xf32>
    %dot_general3A_99 = arith.constant dense<0.000000e+00> : vector<128x32xf32>
    %dot_general3A_100 = tpu.matmul %get3A_1, %get3A_98, %dot_general3A_99 {dimension_numbers = #tpu.dot_dimension_numbers<[1], [1], [0], [0], [0, 0, 1, 0], [], []>, transpose_lhs_hint = false} : vector<128x128xf32>, vector<32x128xf32>, vector<128x32xf32> -> vector<128x32xf32>
    %swap3A_101 = arith.constant 384 : index
    %swap3A_102 = arith.constant 0 : index
    %swap3A_103 = vector.load %arg3[%swap3A_101, %swap3A_102] : memref<4096x128xf32, #tpu.memory_space<vmem>>, vector<128x32xf32>
    tpu.vector_store %arg3[%swap3A_101, %swap3A_102], %dot_general3A_100 {strides = array<i32>} : memref<4096x128xf32, #tpu.memory_space<vmem>>, vector<128x32xf32>,
    %get3A_104 = arith.constant 0 : index
    %get3A_105 = arith.constant 1664 : index
    %get3A_106 = vector.load %arg1[%get3A_104, %get3A_105] : memref<32x16384xf32, #tpu.memory_space<vmem>>, vector<32x128xf32>
    %dot_general3A_107 = arith.constant dense<0.000000e+00> : vector<128x32xf32>
    %dot_general3A_108 = tpu.matmul %get3A_1, %get3A_106, %dot_general3A_107 {dimension_numbers = #tpu.dot_dimension_numbers<[1], [1], [0], [0], [0, 0, 1, 0], [], []>, transpose_lhs_hint = false} : vector<128x128xf32>, vector<32x128xf32>, vector<128x32xf32> -> vector<128x32xf32>
    %swap3A_109 = arith.constant 384 : index
    %swap3A_110 = arith.constant 32 : index
    %swap3A_111 = vector.load %arg3[%swap3A_109, %swap3A_110] : memref<4096x128xf32, #tpu.memory_space<vmem>>, vector<128x32xf32>
    tpu.vector_store %arg3[%swap3A_109, %swap3A_110], %dot_general3A_108 {strides = array<i32>} : memref<4096x128xf32, #tpu.memory_space<vmem>>, vector<128x32xf32>,
    %get3A_112 = arith.constant 0 : index
    %get3A_113 = arith.constant 1792 : index
    %get3A_114 = vector.load %arg1[%get3A_112, %get3A_113] : memref<32x16384xf32, #tpu.memory_space<vmem>>, vector<32x128xf32>
    %dot_general3A_115 = arith.constant dense<0.000000e+00> : vector<128x32xf32>
    %dot_general3A_116 = tpu.matmul %get3A_1, %get3A_114, %dot_general3A_115 {dimension_numbers = #tpu.dot_dimension_numbers<[1], [1], [0], [0], [0, 0, 1, 0], [], []>, transpose_lhs_hint = false} : vector<128x128xf32>, vector<32x128xf32>, vector<128x32xf32> -> vector<128x32xf32>
    %swap3A_117 = arith.constant 384 : index
    %swap3A_118 = arith.constant 64 : index
    %swap3A_119 = vector.load %arg3[%swap3A_117, %swap3A_118] : memref<4096x128xf32, #tpu.memory_space<vmem>>, vector<128x32xf32>
    tpu.vector_store %arg3[%swap3A_117, %swap3A_118], %dot_general3A_116 {strides = array<i32>} : memref<4096x128xf32, #tpu.memory_space<vmem>>, vector<128x32xf32>,
    %get3A_120 = arith.constant 0 : index
    %get3A_121 = arith.constant 1920 : index
    %get3A_122 = vector.load %arg1[%get3A_120, %get3A_121] : memref<32x16384xf32, #tpu.memory_space<vmem>>, vector<32x128xf32>
    %dot_general3A_123 = arith.constant dense<0.000000e+00> : vector<128x32xf32>
    %dot_general3A_124 = tpu.matmul %get3A_1, %get3A_122, %dot_general3A_123 {dimension_numbers = #tpu.dot_dimension_numbers<[1], [1], [0], [0], [0, 0, 1, 0], [], []>, transpose_lhs_hint = false} : vector<128x128xf32>, vector<32x128xf32>, vector<128x32xf32> -> vector<128x32xf32>
    %swap3A_125 = arith.constant 384 : index
    %swap3A_126 = arith.constant 96 : index
    %swap3A_127 = vector.load %arg3[%swap3A_125, %swap3A_126] : memref<4096x128xf32, #tpu.memory_space<vmem>>, vector<128x32xf32>
    tpu.vector_store %arg3[%swap3A_125, %swap3A_126], %dot_general3A_124 {strides = array<i32>} : memref<4096x128xf32, #tpu.memory_space<vmem>>, vector<128x32xf32>,
    %get3A_128 = arith.constant 0 : index
    %get3A_129 = arith.constant 2048 : index
    %get3A_130 = vector.load %arg1[%get3A_128, %get3A_129] : memref<32x16384xf32, #tpu.memory_space<vmem>>, vector<32x128xf32>
    %dot_general3A_131 = arith.constant dense<0.000000e+00> : vector<128x32xf32>
    %dot_general3A_132 = tpu.matmul %get3A_1, %get3A_130, %dot_general3A_131 {dimension_numbers = #tpu.dot_dimension_numbers<[1], [1], [0], [0], [0, 0, 1, 0], [], []>, transpose_lhs_hint = false} : vector<128x128xf32>, vector<32x128xf32>, vector<128x32xf32> -> vector<128x32xf32>
    %swap3A_133 = arith.constant 512 : index
    %swap3A_134 = arith.constant 0 : index
    %swap3A_135 = vector.load %arg3[%swap3A_133, %swap3A_134] : memref<4096x128xf32, #tpu.memory_space<vmem>>, vector<128x32xf32>
    tpu.vector_store %arg3[%swap3A_133, %swap3A_134], %dot_general3A_132 {strides = array<i32>} : memref<4096x128xf32, #tpu.memory_space<vmem>>, vector<128x32xf32>,
    %get3A_136 = arith.constant 0 : index
    %get3A_137 = arith.constant 2176 : index
    %get3A_138 = vector.load %arg1[%get3A_136, %get3A_137] : memref<32x16384xf32, #tpu.memory_space<vmem>>, vector<32x128xf32>
    %dot_general3A_139 = arith.constant dense<0.000000e+00> : vector<128x32xf32>
    %dot_general3A_140 = tpu.matmul %get3A_1, %get3A_138, %dot_general3A_139 {dimension_numbers = #tpu.dot_dimension_numbers<[1], [1], [0], [0], [0, 0, 1, 0], [], []>, transpose_lhs_hint = false} : vector<128x128xf32>, vector<32x128xf32>, vector<128x32xf32> -> vector<128x32xf32>
    %swap3A_141 = arith.constant 512 : index
    %swap3A_142 = arith.constant 32 : index
    %swap3A_143 = vector.load %arg3[%swap3A_141, %swap3A_142] : memref<4096x128xf32, #tpu.memory_space<vmem>>, vector<128x32xf32>
    tpu.vector_store %arg3[%swap3A_141, %swap3A_142], %dot_general3A_140 {strides = array<i32>} : memref<4096x128xf32, #tpu.memory_space<vmem>>, vector<128x32xf32>,
    %get3A_144 = arith.constant 0 : index
    %get3A_145 = arith.constant 2304 : index
    %get3A_146 = vector.load %arg1[%get3A_144, %get3A_145] : memref<32x16384xf32, #tpu.memory_space<vmem>>, vector<32x128xf32>
    %dot_general3A_147 = arith.constant dense<0.000000e+00> : vector<128x32xf32>
    %dot_general3A_148 = tpu.matmul %get3A_1, %get3A_146, %dot_general3A_147 {dimension_numbers = #tpu.dot_dimension_numbers<[1], [1], [0], [0], [0, 0, 1, 0], [], []>, transpose_lhs_hint = false} : vector<128x128xf32>, vector<32x128xf32>, vector<128x32xf32> -> vector<128x32xf32>
    %swap3A_149 = arith.constant 512 : index
    %swap3A_150 = arith.constant 64 : index
    %swap3A_151 = vector.load %arg3[%swap3A_149, %swap3A_150] : memref<4096x128xf32, #tpu.memory_space<vmem>>, vector<128x32xf32>
    tpu.vector_store %arg3[%swap3A_149, %swap3A_150], %dot_general3A_148 {strides = array<i32>} : memref<4096x128xf32, #tpu.memory_space<vmem>>, vector<128x32xf32>,
    %get3A_152 = arith.constant 0 : index
    %get3A_153 = arith.constant 2432 : index
    %get3A_154 = vector.load %arg1[%get3A_152, %get3A_153] : memref<32x16384xf32, #tpu.memory_space<vmem>>, vector<32x128xf32>
    %dot_general3A_155 = arith.constant dense<0.000000e+00> : vector<128x32xf32>
    %dot_general3A_156 = tpu.matmul %get3A_1, %get3A_154, %dot_general3A_155 {dimension_numbers = #tpu.dot_dimension_numbers<[1], [1], [0], [0], [0, 0, 1, 0], [], []>, transpose_lhs_hint = false} : vector<128x128xf32>, vector<32x128xf32>, vector<128x32xf32> -> vector<128x32xf32>
    %swap3A_157 = arith.constant 512 : index
    %swap3A_158 = arith.constant 96 : index
    %swap3A_159 = vector.load %arg3[%swap3A_157, %swap3A_158] : memref<4096x128xf32, #tpu.memory_space<vmem>>, vector<128x32xf32>
    tpu.vector_store %arg3[%swap3A_157, %swap3A_158], %dot_general3A_156 {strides = array<i32>} : memref<4096x128xf32, #tpu.memory_space<vmem>>, vector<128x32xf32>,
    %get3A_160 = arith.constant 0 : index
    %get3A_161 = arith.constant 2560 : index
    %get3A_162 = vector.load %arg1[%get3A_160, %get3A_161] : memref<32x16384xf32, #tpu.memory_space<vmem>>, vector<32x128xf32>
    %dot_general3A_163 = arith.constant dense<0.000000e+00> : vector<128x32xf32>
    %dot_general3A_164 = tpu.matmul %get3A_1, %get3A_162, %dot_general3A_163 {dimension_numbers = #tpu.dot_dimension_numbers<[1], [1], [0], [0], [0, 0, 1, 0], [], []>, transpose_lhs_hint = false} : vector<128x128xf32>, vector<32x128xf32>, vector<128x32xf32> -> vector<128x32xf32>
    %swap3A_165 = arith.constant 640 : index
    %swap3A_166 = arith.constant 0 : index
    %swap3A_167 = vector.load %arg3[%swap3A_165, %swap3A_166] : memref<4096x128xf32, #tpu.memory_space<vmem>>, vector<128x32xf32>
    tpu.vector_store %arg3[%swap3A_165, %swap3A_166], %dot_general3A_164 {strides = array<i32>} : memref<4096x128xf32, #tpu.memory_space<vmem>>, vector<128x32xf32>,
    %get3A_168 = arith.constant 0 : index
    %get3A_169 = arith.constant 2688 : index
    %get3A_170 = vector.load %arg1[%get3A_168, %get3A_169] : memref<32x16384xf32, #tpu.memory_space<vmem>>, vector<32x128xf32>
    %dot_general3A_171 = arith.constant dense<0.000000e+00> : vector<128x32xf32>
    %dot_general3A_172 = tpu.matmul %get3A_1, %get3A_170, %dot_general3A_171 {dimension_numbers = #tpu.dot_dimension_numbers<[1], [1], [0], [0], [0, 0, 1, 0], [], []>, transpose_lhs_hint = false} : vector<128x128xf32>, vector<32x128xf32>, vector<128x32xf32> -> vector<128x32xf32>
    %swap3A_173 = arith.constant 640 : index
    %swap3A_174 = arith.constant 32 : index
    %swap3A_175 = vector.load %arg3[%swap3A_173, %swap3A_174] : memref<4096x128xf32, #tpu.memory_space<vmem>>, vector<128x32xf32>
    tpu.vector_store %arg3[%swap3A_173, %swap3A_174], %dot_general3A_172 {strides = array<i32>} : memref<4096x128xf32, #tpu.memory_space<vmem>>, vector<128x32xf32>,
    %get3A_176 = arith.constant 0 : index
    %get3A_177 = arith.constant 2816 : index
    %get3A_178 = vector.load %arg1[%get3A_176, %get3A_177] : memref<32x16384xf32, #tpu.memory_space<vmem>>, vector<32x128xf32>
    %dot_general3A_179 = arith.constant dense<0.000000e+00> : vector<128x32xf32>
    %dot_general3A_180 = tpu.matmul %get3A_1, %get3A_178, %dot_general3A_179 {dimension_numbers = #tpu.dot_dimension_numbers<[1], [1], [0], [0], [0, 0, 1, 0], [], []>, transpose_lhs_hint = false} : vector<128x128xf32>, vector<32x128xf32>, vector<128x32xf32> -> vector<128x32xf32>
    %swap3A_181 = arith.constant 640 : index
    %swap3A_182 = arith.constant 64 : index
    %swap3A_183 = vector.load %arg3[%swap3A_181, %swap3A_182] : memref<4096x128xf32, #tpu.memory_space<vmem>>, vector<128x32xf32>
    tpu.vector_store %arg3[%swap3A_181, %swap3A_182], %dot_general3A_180 {strides = array<i32>} : memref<4096x128xf32, #tpu.memory_space<vmem>>, vector<128x32xf32>,
    %get3A_184 = arith.constant 0 : index
    %get3A_185 = arith.constant 2944 : index
    %get3A_186 = vector.load %arg1[%get3A_184, %get3A_185] : memref<32x16384xf32, #tpu.memory_space<vmem>>, vector<32x128xf32>
    %dot_general3A_187 = arith.constant dense<0.000000e+00> : vector<128x32xf32>
    %dot_general3A_188 = tpu.matmul %get3A_1, %get3A_186, %dot_general3A_187 {dimension_numbers = #tpu.dot_dimension_numbers<[1], [1], [0], [0], [0, 0, 1, 0], [], []>, transpose_lhs_hint = false} : vector<128x128xf32>, vector<32x128xf32>, vector<128x32xf32> -> vector<128x32xf32>
    %swap3A_189 = arith.constant 640 : index
    %swap3A_190 = arith.constant 96 : index
    %swap3A_191 = vector.load %arg3[%swap3A_189, %swap3A_190] : memref<4096x128xf32, #tpu.memory_space<vmem>>, vector<128x32xf32>
    tpu.vector_store %arg3[%swap3A_189, %swap3A_190], %dot_general3A_188 {strides = array<i32>} : memref<4096x128xf32, #tpu.memory_space<vmem>>, vector<128x32xf32>,
    %get3A_192 = arith.constant 0 : index
    %get3A_193 = arith.constant 3072 : index
    %get3A_194 = vector.load %arg1[%get3A_192, %get3A_193] : memref<32x16384xf32, #tpu.memory_space<vmem>>, vector<32x128xf32>
    %dot_general3A_195 = arith.constant dense<0.000000e+00> : vector<128x32xf32>
    %dot_general3A_196 = tpu.matmul %get3A_1, %get3A_194, %dot_general3A_195 {dimension_numbers = #tpu.dot_dimension_numbers<[1], [1], [0], [0], [0, 0, 1, 0], [], []>, transpose_lhs_hint = false} : vector<128x128xf32>, vector<32x128xf32>, vector<128x32xf32> -> vector<128x32xf32>
    %swap3A_197 = arith.constant 768 : index
    %swap3A_198 = arith.constant 0 : index
    %swap3A_199 = vector.load %arg3[%swap3A_197, %swap3A_198] : memref<4096x128xf32, #tpu.memory_space<vmem>>, vector<128x32xf32>
    tpu.vector_store %arg3[%swap3A_197, %swap3A_198], %dot_general3A_196 {strides = array<i32>} : memref<4096x128xf32, #tpu.memory_space<vmem>>, vector<128x32xf32>,
    %get3A_200 = arith.constant 0 : index
    %get3A_201 = arith.constant 3200 : index
    %get3A_202 = vector.load %arg1[%get3A_200, %get3A_201] : memref<32x16384xf32, #tpu.memory_space<vmem>>, vector<32x128xf32>
    %dot_general3A_203 = arith.constant dense<0.000000e+00> : vector<128x32xf32>
    %dot_general3A_204 = tpu.matmul %get3A_1, %get3A_202, %dot_general3A_203 {dimension_numbers = #tpu.dot_dimension_numbers<[1], [1], [0], [0], [0, 0, 1, 0], [], []>, transpose_lhs_hint = false} : vector<128x128xf32>, vector<32x128xf32>, vector<128x32xf32> -> vector<128x32xf32>
    %swap3A_205 = arith.constant 768 : index
    %swap3A_206 = arith.constant 32 : index
    %swap3A_207 = vector.load %arg3[%swap3A_205, %swap3A_206] : memref<4096x128xf32, #tpu.memory_space<vmem>>, vector<128x32xf32>
    tpu.vector_store %arg3[%swap3A_205, %swap3A_206], %dot_general3A_204 {strides = array<i32>} : memref<4096x128xf32, #tpu.memory_space<vmem>>, vector<128x32xf32>,
    %get3A_208 = arith.constant 0 : index
    %get3A_209 = arith.constant 3328 : index
    %get3A_210 = vector.load %arg1[%get3A_208, %get3A_209] : memref<32x16384xf32, #tpu.memory_space<vmem>>, vector<32x128xf32>
    %dot_general3A_211 = arith.constant dense<0.000000e+00> : vector<128x32xf32>
    %dot_general3A_212 = tpu.matmul %get3A_1, %get3A_210, %dot_general3A_211 {dimension_numbers = #tpu.dot_dimension_numbers<[1], [1], [0], [0], [0, 0, 1, 0], [], []>, transpose_lhs_hint = false} : vector<128x128xf32>, vector<32x128xf32>, vector<128x32xf32> -> vector<128x32xf32>
    %swap3A_213 = arith.constant 768 : index
    %swap3A_214 = arith.constant 64 : index
    %swap3A_215 = vector.load %arg3[%swap3A_213, %swap3A_214] : memref<4096x128xf32, #tpu.memory_space<vmem>>, vector<128x32xf32>
    tpu.vector_store %arg3[%swap3A_213, %swap3A_214], %dot_general3A_212 {strides = array<i32>} : memref<4096x128xf32, #tpu.memory_space<vmem>>, vector<128x32xf32>,
    %get3A_216 = arith.constant 0 : index
    %get3A_217 = arith.constant 3456 : index
    %get3A_218 = vector.load %arg1[%get3A_216, %get3A_217] : memref<32x16384xf32, #tpu.memory_space<vmem>>, vector<32x128xf32>
    %dot_general3A_219 = arith.constant dense<0.000000e+00> : vector<128x32xf32>
    %dot_general3A_220 = tpu.matmul %get3A_1, %get3A_218, %dot_general3A_219 {dimension_numbers = #tpu.dot_dimension_numbers<[1], [1], [0], [0], [0, 0, 1, 0], [], []>, transpose_lhs_hint = false} : vector<128x128xf32>, vector<32x128xf32>, vector<128x32xf32> -> vector<128x32xf32>
    %swap3A_221 = arith.constant 768 : index
    %swap3A_222 = arith.constant 96 : index
    %swap3A_223 = vector.load %arg3[%swap3A_221, %swap3A_222] : memref<4096x128xf32, #tpu.memory_space<vmem>>, vector<128x32xf32>
    tpu.vector_store %arg3[%swap3A_221, %swap3A_222], %dot_general3A_220 {strides = array<i32>} : memref<4096x128xf32, #tpu.memory_space<vmem>>, vector<128x32xf32>,
    %get3A_224 = arith.constant 0 : index
    %get3A_225 = arith.constant 3584 : index
    %get3A_226 = vector.load %arg1[%get3A_224, %get3A_225] : memref<32x16384xf32, #tpu.memory_space<vmem>>, vector<32x128xf32>
    %dot_general3A_227 = arith.constant dense<0.000000e+00> : vector<128x32xf32>
    %dot_general3A_228 = tpu.matmul %get3A_1, %get3A_226, %dot_general3A_227 {dimension_numbers = #tpu.dot_dimension_numbers<[1], [1], [0], [0], [0, 0, 1, 0], [], []>, transpose_lhs_hint = false} : vector<128x128xf32>, vector<32x128xf32>, vector<128x32xf32> -> vector<128x32xf32>
    %swap3A_229 = arith.constant 896 : index
    %swap3A_230 = arith.constant 0 : index
    %swap3A_231 = vector.load %arg3[%swap3A_229, %swap3A_230] : memref<4096x128xf32, #tpu.memory_space<vmem>>, vector<128x32xf32>
    tpu.vector_store %arg3[%swap3A_229, %swap3A_230], %dot_general3A_228 {strides = array<i32>} : memref<4096x128xf32, #tpu.memory_space<vmem>>, vector<128x32xf32>,
    %get3A_232 = arith.constant 0 : index
    %get3A_233 = arith.constant 3712 : index
    %get3A_234 = vector.load %arg1[%get3A_232, %get3A_233] : memref<32x16384xf32, #tpu.memory_space<vmem>>, vector<32x128xf32>
    %dot_general3A_235 = arith.constant dense<0.000000e+00> : vector<128x32xf32>
    %dot_general3A_236 = tpu.matmul %get3A_1, %get3A_234, %dot_general3A_235 {dimension_numbers = #tpu.dot_dimension_numbers<[1], [1], [0], [0], [0, 0, 1, 0], [], []>, transpose_lhs_hint = false} : vector<128x128xf32>, vector<32x128xf32>, vector<128x32xf32> -> vector<128x32xf32>
    %swap3A_237 = arith.constant 896 : index
    %swap3A_238 = arith.constant 32 : index
    %swap3A_239 = vector.load %arg3[%swap3A_237, %swap3A_238] : memref<4096x128xf32, #tpu.memory_space<vmem>>, vector<128x32xf32>
    tpu.vector_store %arg3[%swap3A_237, %swap3A_238], %dot_general3A_236 {strides = array<i32>} : memref<4096x128xf32, #tpu.memory_space<vmem>>, vector<128x32xf32>,
    %get3A_240 = arith.constant 0 : index
    %get3A_241 = arith.constant 3840 : index
    %get3A_242 = vector.load %arg1[%get3A_240, %get3A_241] : memref<32x16384xf32, #tpu.memory_space<vmem>>, vector<32x128xf32>
    %dot_general3A_243 = arith.constant dense<0.000000e+00> : vector<128x32xf32>
    %dot_general3A_244 = tpu.matmul %get3A_1, %get3A_242, %dot_general3A_243 {dimension_numbers = #tpu.dot_dimension_numbers<[1], [1], [0], [0], [0, 0, 1, 0], [], []>, transpose_lhs_hint = false} : vector<128x128xf32>, vector<32x128xf32>, vector<128x32xf32> -> vector<128x32xf32>
    %swap3A_245 = arith.constant 896 : index
    %swap3A_246 = arith.constant 64 : index
    %swap3A_247 = vector.load %arg3[%swap3A_245, %swap3A_246] : memref<4096x128xf32, #tpu.memory_space<vmem>>, vector<128x32xf32>
    tpu.vector_store %arg3[%swap3A_245, %swap3A_246], %dot_general3A_244 {strides = array<i32>} : memref<4096x128xf32, #tpu.memory_space<vmem>>, vector<128x32xf32>,
    %get3A_248 = arith.constant 0 : index
    %get3A_249 = arith.constant 3968 : index
    %get3A_250 = vector.load %arg1[%get3A_248, %get3A_249] : memref<32x16384xf32, #tpu.memory_space<vmem>>, vector<32x128xf32>
    %dot_general3A_251 = arith.constant dense<0.000000e+00> : vector<128x32xf32>
    %dot_general3A_252 = tpu.matmul %get3A_1, %get3A_250, %dot_general3A_251 {dimension_numbers = #tpu.dot_dimension_numbers<[1], [1], [0], [0], [0, 0, 1, 0], [], []>, transpose_lhs_hint = false} : vector<128x128xf32>, vector<32x128xf32>, vector<128x32xf32> -> vector<128x32xf32>
    %swap3A_253 = arith.constant 896 : index
    %swap3A_254 = arith.constant 96 : index
    %swap3A_255 = vector.load %arg3[%swap3A_253, %swap3A_254] : memref<4096x128xf32, #tpu.memory_space<vmem>>, vector<128x32xf32>
    tpu.vector_store %arg3[%swap3A_253, %swap3A_254], %dot_general3A_252 {strides = array<i32>} : memref<4096x128xf32, #tpu.memory_space<vmem>>, vector<128x32xf32>,
    %get3A_256 = arith.constant 0 : index
    %get3A_257 = arith.constant 4096 : index
    %get3A_258 = vector.load %arg1[%get3A_256, %get3A_257] : memref<32x16384xf32, #tpu.memory_space<vmem>>, vector<32x128xf32>
    %dot_general3A_259 = arith.constant dense<0.000000e+00> : vector<128x32xf32>
    %dot_general3A_260 = tpu.matmul %get3A_1, %get3A_258, %dot_general3A_259 {dimension_numbers = #tpu.dot_dimension_numbers<[1], [1], [0], [0], [0, 0, 1, 0], [], []>, transpose_lhs_hint = false} : vector<128x128xf32>, vector<32x128xf32>, vector<128x32xf32> -> vector<128x32xf32>
    %swap3A_261 = arith.constant 1024 : index
    %swap3A_262 = arith.constant 0 : index
    %swap3A_263 = vector.load %arg3[%swap3A_261, %swap3A_262] : memref<4096x128xf32, #tpu.memory_space<vmem>>, vector<128x32xf32>
    tpu.vector_store %arg3[%swap3A_261, %swap3A_262], %dot_general3A_260 {strides = array<i32>} : memref<4096x128xf32, #tpu.memory_space<vmem>>, vector<128x32xf32>,
    %get3A_264 = arith.constant 0 : index
    %get3A_265 = arith.constant 4224 : index
    %get3A_266 = vector.load %arg1[%get3A_264, %get3A_265] : memref<32x16384xf32, #tpu.memory_space<vmem>>, vector<32x128xf32>
    %dot_general3A_267 = arith.constant dense<0.000000e+00> : vector<128x32xf32>
    %dot_general3A_268 = tpu.matmul %get3A_1, %get3A_266, %dot_general3A_267 {dimension_numbers = #tpu.dot_dimension_numbers<[1], [1], [0], [0], [0, 0, 1, 0], [], []>, transpose_lhs_hint = false} : vector<128x128xf32>, vector<32x128xf32>, vector<128x32xf32> -> vector<128x32xf32>
    %swap3A_269 = arith.constant 1024 : index
    %swap3A_270 = arith.constant 32 : index
    %swap3A_271 = vector.load %arg3[%swap3A_269, %swap3A_270] : memref<4096x128xf32, #tpu.memory_space<vmem>>, vector<128x32xf32>
    tpu.vector_store %arg3[%swap3A_269, %swap3A_270], %dot_general3A_268 {strides = array<i32>} : memref<4096x128xf32, #tpu.memory_space<vmem>>, vector<128x32xf32>,
    %get3A_272 = arith.constant 0 : index
    %get3A_273 = arith.constant 4352 : index
    %get3A_274 = vector.load %arg1[%get3A_272, %get3A_273] : memref<32x16384xf32, #tpu.memory_space<vmem>>, vector<32x128xf32>
    %dot_general3A_275 = arith.constant dense<0.000000e+00> : vector<128x32xf32>
    %dot_general3A_276 = tpu.matmul %get3A_1, %get3A_274, %dot_general3A_275 {dimension_numbers = #tpu.dot_dimension_numbers<[1], [1], [0], [0], [0, 0, 1, 0], [], []>, transpose_lhs_hint = false} : vector<128x128xf32>, vector<32x128xf32>, vector<128x32xf32> -> vector<128x32xf32>
    %swap3A_277 = arith.constant 1024 : index
    %swap3A_278 = arith.constant 64 : index
    %swap3A_279 = vector.load %arg3[%swap3A_277, %swap3A_278] : memref<4096x128xf32, #tpu.memory_space<vmem>>, vector<128x32xf32>
    tpu.vector_store %arg3[%swap3A_277, %swap3A_278], %dot_general3A_276 {strides = array<i32>} : memref<4096x128xf32, #tpu.memory_space<vmem>>, vector<128x32xf32>,
    %get3A_280 = arith.constant 0 : index
    %get3A_281 = arith.constant 4480 : index
    %get3A_282 = vector.load %arg1[%get3A_280, %get3A_281] : memref<32x16384xf32, #tpu.memory_space<vmem>>, vector<32x128xf32>
    %dot_general3A_283 = arith.constant dense<0.000000e+00> : vector<128x32xf32>
    %dot_general3A_284 = tpu.matmul %get3A_1, %get3A_282, %dot_general3A_283 {dimension_numbers = #tpu.dot_dimension_numbers<[1], [1], [0], [0], [0, 0, 1, 0], [], []>, transpose_lhs_hint = false} : vector<128x128xf32>, vector<32x128xf32>, vector<128x32xf32> -> vector<128x32xf32>
    %swap3A_285 = arith.constant 1024 : index
    %swap3A_286 = arith.constant 96 : index
    %swap3A_287 = vector.load %arg3[%swap3A_285, %swap3A_286] : memref<4096x128xf32, #tpu.memory_space<vmem>>, vector<128x32xf32>
    tpu.vector_store %arg3[%swap3A_285, %swap3A_286], %dot_general3A_284 {strides = array<i32>} : memref<4096x128xf32, #tpu.memory_space<vmem>>, vector<128x32xf32>,
    %get3A_288 = arith.constant 0 : index
    %get3A_289 = arith.constant 4608 : index
    %get3A_290 = vector.load %arg1[%get3A_288, %get3A_289] : memref<32x16384xf32, #tpu.memory_space<vmem>>, vector<32x128xf32>
    %dot_general3A_291 = arith.constant dense<0.000000e+00> : vector<128x32xf32>
    %dot_general3A_292 = tpu.matmul %get3A_1, %get3A_290, %dot_general3A_291 {dimension_numbers = #tpu.dot_dimension_numbers<[1], [1], [0], [0], [0, 0, 1, 0], [], []>, transpose_lhs_hint = false} : vector<128x128xf32>, vector<32x128xf32>, vector<128x32xf32> -> vector<128x32xf32>
    %swap3A_293 = arith.constant 1152 : index
    %swap3A_294 = arith.constant 0 : index
    %swap3A_295 = vector.load %arg3[%swap3A_293, %swap3A_294] : memref<4096x128xf32, #tpu.memory_space<vmem>>, vector<128x32xf32>
    tpu.vector_store %arg3[%swap3A_293, %swap3A_294], %dot_general3A_292 {strides = array<i32>} : memref<4096x128xf32, #tpu.memory_space<vmem>>, vector<128x32xf32>,
    %get3A_296 = arith.constant 0 : index
    %get3A_297 = arith.constant 4736 : index
    %get3A_298 = vector.load %arg1[%get3A_296, %get3A_297] : memref<32x16384xf32, #tpu.memory_space<vmem>>, vector<32x128xf32>
    %dot_general3A_299 = arith.constant dense<0.000000e+00> : vector<128x32xf32>
    %dot_general3A_300 = tpu.matmul %get3A_1, %get3A_298, %dot_general3A_299 {dimension_numbers = #tpu.dot_dimension_numbers<[1], [1], [0], [0], [0, 0, 1, 0], [], []>, transpose_lhs_hint = false} : vector<128x128xf32>, vector<32x128xf32>, vector<128x32xf32> -> vector<128x32xf32>
    %swap3A_301 = arith.constant 1152 : index
    %swap3A_302 = arith.constant 32 : index
    %swap3A_303 = vector.load %arg3[%swap3A_301, %swap3A_302] : memref<4096x128xf32, #tpu.memory_space<vmem>>, vector<128x32xf32>
    tpu.vector_store %arg3[%swap3A_301, %swap3A_302], %dot_general3A_300 {strides = array<i32>} : memref<4096x128xf32, #tpu.memory_space<vmem>>, vector<128x32xf32>,
    %get3A_304 = arith.constant 0 : index
    %get3A_305 = arith.constant 4864 : index
    %get3A_306 = vector.load %arg1[%get3A_304, %get3A_305] : memref<32x16384xf32, #tpu.memory_space<vmem>>, vector<32x128xf32>
    %dot_general3A_307 = arith.constant dense<0.000000e+00> : vector<128x32xf32>
    %dot_general3A_308 = tpu.matmul %get3A_1, %get3A_306, %dot_general3A_307 {dimension_numbers = #tpu.dot_dimension_numbers<[1], [1], [0], [0], [0, 0, 1, 0], [], []>, transpose_lhs_hint = false} : vector<128x128xf32>, vector<32x128xf32>, vector<128x32xf32> -> vector<128x32xf32>
    %swap3A_309 = arith.constant 1152 : index
    %swap3A_310 = arith.constant 64 : index
    %swap3A_311 = vector.load %arg3[%swap3A_309, %swap3A_310] : memref<4096x128xf32, #tpu.memory_space<vmem>>, vector<128x32xf32>
    tpu.vector_store %arg3[%swap3A_309, %swap3A_310], %dot_general3A_308 {strides = array<i32>} : memref<4096x128xf32, #tpu.memory_space<vmem>>, vector<128x32xf32>,
    %get3A_312 = arith.constant 0 : index
    %get3A_313 = arith.constant 4992 : index
    %get3A_314 = vector.load %arg1[%get3A_312, %get3A_313] : memref<32x16384xf32, #tpu.memory_space<vmem>>, vector<32x128xf32>
    %dot_general3A_315 = arith.constant dense<0.000000e+00> : vector<128x32xf32>
    %dot_general3A_316 = tpu.matmul %get3A_1, %get3A_314, %dot_general3A_315 {dimension_numbers = #tpu.dot_dimension_numbers<[1], [1], [0], [0], [0, 0, 1, 0], [], []>, transpose_lhs_hint = false} : vector<128x128xf32>, vector<32x128xf32>, vector<128x32xf32> -> vector<128x32xf32>
    %swap3A_317 = arith.constant 1152 : index
    %swap3A_318 = arith.constant 96 : index
    %swap3A_319 = vector.load %arg3[%swap3A_317, %swap3A_318] : memref<4096x128xf32, #tpu.memory_space<vmem>>, vector<128x32xf32>
    tpu.vector_store %arg3[%swap3A_317, %swap3A_318], %dot_general3A_316 {strides = array<i32>} : memref<4096x128xf32, #tpu.memory_space<vmem>>, vector<128x32xf32>,
    %get3A_320 = arith.constant 0 : index
    %get3A_321 = arith.constant 5120 : index
    %get3A_322 = vector.load %arg1[%get3A_320, %get3A_321] : memref<32x16384xf32, #tpu.memory_space<vmem>>, vector<32x128xf32>
    %dot_general3A_323 = arith.constant dense<0.000000e+00> : vector<128x32xf32>
    %dot_general3A_324 = tpu.matmul %get3A_1, %get3A_322, %dot_general3A_323 {dimension_numbers = #tpu.dot_dimension_numbers<[1], [1], [0], [0], [0, 0, 1, 0], [], []>, transpose_lhs_hint = false} : vector<128x128xf32>, vector<32x128xf32>, vector<128x32xf32> -> vector<128x32xf32>
    %swap3A_325 = arith.constant 1280 : index
    %swap3A_326 = arith.constant 0 : index
    %swap3A_327 = vector.load %arg3[%swap3A_325, %swap3A_326] : memref<4096x128xf32, #tpu.memory_space<vmem>>, vector<128x32xf32>
    tpu.vector_store %arg3[%swap3A_325, %swap3A_326], %dot_general3A_324 {strides = array<i32>} : memref<4096x128xf32, #tpu.memory_space<vmem>>, vector<128x32xf32>,
    %get3A_328 = arith.constant 0 : index
    %get3A_329 = arith.constant 5248 : index
    %get3A_330 = vector.load %arg1[%get3A_328, %get3A_329] : memref<32x16384xf32, #tpu.memory_space<vmem>>, vector<32x128xf32>
    %dot_general3A_331 = arith.constant dense<0.000000e+00> : vector<128x32xf32>
    %dot_general3A_332 = tpu.matmul %get3A_1, %get3A_330, %dot_general3A_331 {dimension_numbers = #tpu.dot_dimension_numbers<[1], [1], [0], [0], [0, 0, 1, 0], [], []>, transpose_lhs_hint = false} : vector<128x128xf32>, vector<32x128xf32>, vector<128x32xf32> -> vector<128x32xf32>
    %swap3A_333 = arith.constant 1280 : index
    %swap3A_334 = arith.constant 32 : index
    %swap3A_335 = vector.load %arg3[%swap3A_333, %swap3A_334] : memref<4096x128xf32, #tpu.memory_space<vmem>>, vector<128x32xf32>
    tpu.vector_store %arg3[%swap3A_333, %swap3A_334], %dot_general3A_332 {strides = array<i32>} : memref<4096x128xf32, #tpu.memory_space<vmem>>, vector<128x32xf32>,
    %get3A_336 = arith.constant 0 : index
    %get3A_337 = arith.constant 5376 : index
    %get3A_338 = vector.load %arg1[%get3A_336, %get3A_337] : memref<32x16384xf32, #tpu.memory_space<vmem>>, vector<32x128xf32>
    %dot_general3A_339 = arith.constant dense<0.000000e+00> : vector<128x32xf32>
    %dot_general3A_340 = tpu.matmul %get3A_1, %get3A_338, %dot_general3A_339 {dimension_numbers = #tpu.dot_dimension_numbers<[1], [1], [0], [0], [0, 0, 1, 0], [], []>, transpose_lhs_hint = false} : vector<128x128xf32>, vector<32x128xf32>, vector<128x32xf32> -> vector<128x32xf32>
    %swap3A_341 = arith.constant 1280 : index
    %swap3A_342 = arith.constant 64 : index
    %swap3A_343 = vector.load %arg3[%swap3A_341, %swap3A_342] : memref<4096x128xf32, #tpu.memory_space<vmem>>, vector<128x32xf32>
    tpu.vector_store %arg3[%swap3A_341, %swap3A_342], %dot_general3A_340 {strides = array<i32>} : memref<4096x128xf32, #tpu.memory_space<vmem>>, vector<128x32xf32>,
    %get3A_344 = arith.constant 0 : index
    %get3A_345 = arith.constant 5504 : index
    %get3A_346 = vector.load %arg1[%get3A_344, %get3A_345] : memref<32x16384xf32, #tpu.memory_space<vmem>>, vector<32x128xf32>
    %dot_general3A_347 = arith.constant dense<0.000000e+00> : vector<128x32xf32>
    %dot_general3A_348 = tpu.matmul %get3A_1, %get3A_346, %dot_general3A_347 {dimension_numbers = #tpu.dot_dimension_numbers<[1], [1], [0], [0], [0, 0, 1, 0], [], []>, transpose_lhs_hint = false} : vector<128x128xf32>, vector<32x128xf32>, vector<128x32xf32> -> vector<128x32xf32>
    %swap3A_349 = arith.constant 1280 : index
    %swap3A_350 = arith.constant 96 : index
    %swap3A_351 = vector.load %arg3[%swap3A_349, %swap3A_350] : memref<4096x128xf32, #tpu.memory_space<vmem>>, vector<128x32xf32>
    tpu.vector_store %arg3[%swap3A_349, %swap3A_350], %dot_general3A_348 {strides = array<i32>} : memref<4096x128xf32, #tpu.memory_space<vmem>>, vector<128x32xf32>,
    %get3A_352 = arith.constant 0 : index
    %get3A_353 = arith.constant 5632 : index
    %get3A_354 = vector.load %arg1[%get3A_352, %get3A_353] : memref<32x16384xf32, #tpu.memory_space<vmem>>, vector<32x128xf32>
    %dot_general3A_355 = arith.constant dense<0.000000e+00> : vector<128x32xf32>
    %dot_general3A_356 = tpu.matmul %get3A_1, %get3A_354, %dot_general3A_355 {dimension_numbers = #tpu.dot_dimension_numbers<[1], [1], [0], [0], [0, 0, 1, 0], [], []>, transpose_lhs_hint = false} : vector<128x128xf32>, vector<32x128xf32>, vector<128x32xf32> -> vector<128x32xf32>
    %swap3A_357 = arith.constant 1408 : index
    %swap3A_358 = arith.constant 0 : index
    %swap3A_359 = vector.load %arg3[%swap3A_357, %swap3A_358] : memref<4096x128xf32, #tpu.memory_space<vmem>>, vector<128x32xf32>
    tpu.vector_store %arg3[%swap3A_357, %swap3A_358], %dot_general3A_356 {strides = array<i32>} : memref<4096x128xf32, #tpu.memory_space<vmem>>, vector<128x32xf32>,
    %get3A_360 = arith.constant 0 : index
    %get3A_361 = arith.constant 5760 : index
    %get3A_362 = vector.load %arg1[%get3A_360, %get3A_361] : memref<32x16384xf32, #tpu.memory_space<vmem>>, vector<32x128xf32>
    %dot_general3A_363 = arith.constant dense<0.000000e+00> : vector<128x32xf32>
    %dot_general3A_364 = tpu.matmul %get3A_1, %get3A_362, %dot_general3A_363 {dimension_numbers = #tpu.dot_dimension_numbers<[1], [1], [0], [0], [0, 0, 1, 0], [], []>, transpose_lhs_hint = false} : vector<128x128xf32>, vector<32x128xf32>, vector<128x32xf32> -> vector<128x32xf32>
    %swap3A_365 = arith.constant 1408 : index
    %swap3A_366 = arith.constant 32 : index
    %swap3A_367 = vector.load %arg3[%swap3A_365, %swap3A_366] : memref<4096x128xf32, #tpu.memory_space<vmem>>, vector<128x32xf32>
    tpu.vector_store %arg3[%swap3A_365, %swap3A_366], %dot_general3A_364 {strides = array<i32>} : memref<4096x128xf32, #tpu.memory_space<vmem>>, vector<128x32xf32>,
    %get3A_368 = arith.constant 0 : index
    %get3A_369 = arith.constant 5888 : index
    %get3A_370 = vector.load %arg1[%get3A_368, %get3A_369] : memref<32x16384xf32, #tpu.memory_space<vmem>>, vector<32x128xf32>
    %dot_general3A_371 = arith.constant dense<0.000000e+00> : vector<128x32xf32>
    %dot_general3A_372 = tpu.matmul %get3A_1, %get3A_370, %dot_general3A_371 {dimension_numbers = #tpu.dot_dimension_numbers<[1], [1], [0], [0], [0, 0, 1, 0], [], []>, transpose_lhs_hint = false} : vector<128x128xf32>, vector<32x128xf32>, vector<128x32xf32> -> vector<128x32xf32>
    %swap3A_373 = arith.constant 1408 : index
    %swap3A_374 = arith.constant 64 : index
    %swap3A_375 = vector.load %arg3[%swap3A_373, %swap3A_374] : memref<4096x128xf32, #tpu.memory_space<vmem>>, vector<128x32xf32>
    tpu.vector_store %arg3[%swap3A_373, %swap3A_374], %dot_general3A_372 {strides = array<i32>} : memref<4096x128xf32, #tpu.memory_space<vmem>>, vector<128x32xf32>,
    %get3A_376 = arith.constant 0 : index
    %get3A_377 = arith.constant 6016 : index
    %get3A_378 = vector.load %arg1[%get3A_376, %get3A_377] : memref<32x16384xf32, #tpu.memory_space<vmem>>, vector<32x128xf32>
    %dot_general3A_379 = arith.constant dense<0.000000e+00> : vector<128x32xf32>
    %dot_general3A_380 = tpu.matmul %get3A_1, %get3A_378, %dot_general3A_379 {dimension_numbers = #tpu.dot_dimension_numbers<[1], [1], [0], [0], [0, 0, 1, 0], [], []>, transpose_lhs_hint = false} : vector<128x128xf32>, vector<32x128xf32>, vector<128x32xf32> -> vector<128x32xf32>
    %swap3A_381 = arith.constant 1408 : index
    %swap3A_382 = arith.constant 96 : index
    %swap3A_383 = vector.load %arg3[%swap3A_381, %swap3A_382] : memref<4096x128xf32, #tpu.memory_space<vmem>>, vector<128x32xf32>
    tpu.vector_store %arg3[%swap3A_381, %swap3A_382], %dot_general3A_380 {strides = array<i32>} : memref<4096x128xf32, #tpu.memory_space<vmem>>, vector<128x32xf32>,
    %get3A_384 = arith.constant 0 : index
    %get3A_385 = arith.constant 6144 : index
    %get3A_386 = vector.load %arg1[%get3A_384, %get3A_385] : memref<32x16384xf32, #tpu.memory_space<vmem>>, vector<32x128xf32>
    %dot_general3A_387 = arith.constant dense<0.000000e+00> : vector<128x32xf32>
    %dot_general3A_388 = tpu.matmul %get3A_1, %get3A_386, %dot_general3A_387 {dimension_numbers = #tpu.dot_dimension_numbers<[1], [1], [0], [0], [0, 0, 1, 0], [], []>, transpose_lhs_hint = false} : vector<128x128xf32>, vector<32x128xf32>, vector<128x32xf32> -> vector<128x32xf32>
    %swap3A_389 = arith.constant 1536 : index
    %swap3A_390 = arith.constant 0 : index
    %swap3A_391 = vector.load %arg3[%swap3A_389, %swap3A_390] : memref<4096x128xf32, #tpu.memory_space<vmem>>, vector<128x32xf32>
    tpu.vector_store %arg3[%swap3A_389, %swap3A_390], %dot_general3A_388 {strides = array<i32>} : memref<4096x128xf32, #tpu.memory_space<vmem>>, vector<128x32xf32>,
    %get3A_392 = arith.constant 0 : index
    %get3A_393 = arith.constant 6272 : index
    %get3A_394 = vector.load %arg1[%get3A_392, %get3A_393] : memref<32x16384xf32, #tpu.memory_space<vmem>>, vector<32x128xf32>
    %dot_general3A_395 = arith.constant dense<0.000000e+00> : vector<128x32xf32>
    %dot_general3A_396 = tpu.matmul %get3A_1, %get3A_394, %dot_general3A_395 {dimension_numbers = #tpu.dot_dimension_numbers<[1], [1], [0], [0], [0, 0, 1, 0], [], []>, transpose_lhs_hint = false} : vector<128x128xf32>, vector<32x128xf32>, vector<128x32xf32> -> vector<128x32xf32>
    %swap3A_397 = arith.constant 1536 : index
    %swap3A_398 = arith.constant 32 : index
    %swap3A_399 = vector.load %arg3[%swap3A_397, %swap3A_398] : memref<4096x128xf32, #tpu.memory_space<vmem>>, vector<128x32xf32>
    tpu.vector_store %arg3[%swap3A_397, %swap3A_398], %dot_general3A_396 {strides = array<i32>} : memref<4096x128xf32, #tpu.memory_space<vmem>>, vector<128x32xf32>,
    %get3A_400 = arith.constant 0 : index
    %get3A_401 = arith.constant 6400 : index
    %get3A_402 = vector.load %arg1[%get3A_400, %get3A_401] : memref<32x16384xf32, #tpu.memory_space<vmem>>, vector<32x128xf32>
    %dot_general3A_403 = arith.constant dense<0.000000e+00> : vector<128x32xf32>
    %dot_general3A_404 = tpu.matmul %get3A_1, %get3A_402, %dot_general3A_403 {dimension_numbers = #tpu.dot_dimension_numbers<[1], [1], [0], [0], [0, 0, 1, 0], [], []>, transpose_lhs_hint = false} : vector<128x128xf32>, vector<32x128xf32>, vector<128x32xf32> -> vector<128x32xf32>
    %swap3A_405 = arith.constant 1536 : index
    %swap3A_406 = arith.constant 64 : index
    %swap3A_407 = vector.load %arg3[%swap3A_405, %swap3A_406] : memref<4096x128xf32, #tpu.memory_space<vmem>>, vector<128x32xf32>
    tpu.vector_store %arg3[%swap3A_405, %swap3A_406], %dot_general3A_404 {strides = array<i32>} : memref<4096x128xf32, #tpu.memory_space<vmem>>, vector<128x32xf32>,
    %get3A_408 = arith.constant 0 : index
    %get3A_409 = arith.constant 6528 : index
    %get3A_410 = vector.load %arg1[%get3A_408, %get3A_409] : memref<32x16384xf32, #tpu.memory_space<vmem>>, vector<32x128xf32>
    %dot_general3A_411 = arith.constant dense<0.000000e+00> : vector<128x32xf32>
    %dot_general3A_412 = tpu.matmul %get3A_1, %get3A_410, %dot_general3A_411 {dimension_numbers = #tpu.dot_dimension_numbers<[1], [1], [0], [0], [0, 0, 1, 0], [], []>, transpose_lhs_hint = false} : vector<128x128xf32>, vector<32x128xf32>, vector<128x32xf32> -> vector<128x32xf32>
    %swap3A_413 = arith.constant 1536 : index
    %swap3A_414 = arith.constant 96 : index
    %swap3A_415 = vector.load %arg3[%swap3A_413, %swap3A_414] : memref<4096x128xf32, #tpu.memory_space<vmem>>, vector<128x32xf32>
    tpu.vector_store %arg3[%swap3A_413, %swap3A_414], %dot_general3A_412 {strides = array<i32>} : memref<4096x128xf32, #tpu.memory_space<vmem>>, vector<128x32xf32>,
    %get3A_416 = arith.constant 0 : index
    %get3A_417 = arith.constant 6656 : index
    %get3A_418 = vector.load %arg1[%get3A_416, %get3A_417] : memref<32x16384xf32, #tpu.memory_space<vmem>>, vector<32x128xf32>
    %dot_general3A_419 = arith.constant dense<0.000000e+00> : vector<128x32xf32>
    %dot_general3A_420 = tpu.matmul %get3A_1, %get3A_418, %dot_general3A_419 {dimension_numbers = #tpu.dot_dimension_numbers<[1], [1], [0], [0], [0, 0, 1, 0], [], []>, transpose_lhs_hint = false} : vector<128x128xf32>, vector<32x128xf32>, vector<128x32xf32> -> vector<128x32xf32>
    %swap3A_421 = arith.constant 1664 : index
    %swap3A_422 = arith.constant 0 : index
    %swap3A_423 = vector.load %arg3[%swap3A_421, %swap3A_422] : memref<4096x128xf32, #tpu.memory_space<vmem>>, vector<128x32xf32>
    tpu.vector_store %arg3[%swap3A_421, %swap3A_422], %dot_general3A_420 {strides = array<i32>} : memref<4096x128xf32, #tpu.memory_space<vmem>>, vector<128x32xf32>,
    %get3A_424 = arith.constant 0 : index
    %get3A_425 = arith.constant 6784 : index
    %get3A_426 = vector.load %arg1[%get3A_424, %get3A_425] : memref<32x16384xf32, #tpu.memory_space<vmem>>, vector<32x128xf32>
    %dot_general3A_427 = arith.constant dense<0.000000e+00> : vector<128x32xf32>
    %dot_general3A_428 = tpu.matmul %get3A_1, %get3A_426, %dot_general3A_427 {dimension_numbers = #tpu.dot_dimension_numbers<[1], [1], [0], [0], [0, 0, 1, 0], [], []>, transpose_lhs_hint = false} : vector<128x128xf32>, vector<32x128xf32>, vector<128x32xf32> -> vector<128x32xf32>
    %swap3A_429 = arith.constant 1664 : index
    %swap3A_430 = arith.constant 32 : index
    %swap3A_431 = vector.load %arg3[%swap3A_429, %swap3A_430] : memref<4096x128xf32, #tpu.memory_space<vmem>>, vector<128x32xf32>
    tpu.vector_store %arg3[%swap3A_429, %swap3A_430], %dot_general3A_428 {strides = array<i32>} : memref<4096x128xf32, #tpu.memory_space<vmem>>, vector<128x32xf32>,
    %get3A_432 = arith.constant 0 : index
    %get3A_433 = arith.constant 6912 : index
    %get3A_434 = vector.load %arg1[%get3A_432, %get3A_433] : memref<32x16384xf32, #tpu.memory_space<vmem>>, vector<32x128xf32>
    %dot_general3A_435 = arith.constant dense<0.000000e+00> : vector<128x32xf32>
    %dot_general3A_436 = tpu.matmul %get3A_1, %get3A_434, %dot_general3A_435 {dimension_numbers = #tpu.dot_dimension_numbers<[1], [1], [0], [0], [0, 0, 1, 0], [], []>, transpose_lhs_hint = false} : vector<128x128xf32>, vector<32x128xf32>, vector<128x32xf32> -> vector<128x32xf32>
    %swap3A_437 = arith.constant 1664 : index
    %swap3A_438 = arith.constant 64 : index
    %swap3A_439 = vector.load %arg3[%swap3A_437, %swap3A_438] : memref<4096x128xf32, #tpu.memory_space<vmem>>, vector<128x32xf32>
    tpu.vector_store %arg3[%swap3A_437, %swap3A_438], %dot_general3A_436 {strides = array<i32>} : memref<4096x128xf32, #tpu.memory_space<vmem>>, vector<128x32xf32>,
    %get3A_440 = arith.constant 0 : index
    %get3A_441 = arith.constant 7040 : index
    %get3A_442 = vector.load %arg1[%get3A_440, %get3A_441] : memref<32x16384xf32, #tpu.memory_space<vmem>>, vector<32x128xf32>
    %dot_general3A_443 = arith.constant dense<0.000000e+00> : vector<128x32xf32>
    %dot_general3A_444 = tpu.matmul %get3A_1, %get3A_442, %dot_general3A_443 {dimension_numbers = #tpu.dot_dimension_numbers<[1], [1], [0], [0], [0, 0, 1, 0], [], []>, transpose_lhs_hint = false} : vector<128x128xf32>, vector<32x128xf32>, vector<128x32xf32> -> vector<128x32xf32>
    %swap3A_445 = arith.constant 1664 : index
    %swap3A_446 = arith.constant 96 : index
    %swap3A_447 = vector.load %arg3[%swap3A_445, %swap3A_446] : memref<4096x128xf32, #tpu.memory_space<vmem>>, vector<128x32xf32>
    tpu.vector_store %arg3[%swap3A_445, %swap3A_446], %dot_general3A_444 {strides = array<i32>} : memref<4096x128xf32, #tpu.memory_space<vmem>>, vector<128x32xf32>,
    %get3A_448 = arith.constant 0 : index
    %get3A_449 = arith.constant 7168 : index
    %get3A_450 = vector.load %arg1[%get3A_448, %get3A_449] : memref<32x16384xf32, #tpu.memory_space<vmem>>, vector<32x128xf32>
    %dot_general3A_451 = arith.constant dense<0.000000e+00> : vector<128x32xf32>
    %dot_general3A_452 = tpu.matmul %get3A_1, %get3A_450, %dot_general3A_451 {dimension_numbers = #tpu.dot_dimension_numbers<[1], [1], [0], [0], [0, 0, 1, 0], [], []>, transpose_lhs_hint = false} : vector<128x128xf32>, vector<32x128xf32>, vector<128x32xf32> -> vector<128x32xf32>
    %swap3A_453 = arith.constant 1792 : index
    %swap3A_454 = arith.constant 0 : index
    %swap3A_455 = vector.load %arg3[%swap3A_453, %swap3A_454] : memref<4096x128xf32, #tpu.memory_space<vmem>>, vector<128x32xf32>
    tpu.vector_store %arg3[%swap3A_453, %swap3A_454], %dot_general3A_452 {strides = array<i32>} : memref<4096x128xf32, #tpu.memory_space<vmem>>, vector<128x32xf32>,
    %get3A_456 = arith.constant 0 : index
    %get3A_457 = arith.constant 7296 : index
    %get3A_458 = vector.load %arg1[%get3A_456, %get3A_457] : memref<32x16384xf32, #tpu.memory_space<vmem>>, vector<32x128xf32>
    %dot_general3A_459 = arith.constant dense<0.000000e+00> : vector<128x32xf32>
    %dot_general3A_460 = tpu.matmul %get3A_1, %get3A_458, %dot_general3A_459 {dimension_numbers = #tpu.dot_dimension_numbers<[1], [1], [0], [0], [0, 0, 1, 0], [], []>, transpose_lhs_hint = false} : vector<128x128xf32>, vector<32x128xf32>, vector<128x32xf32> -> vector<128x32xf32>
    %swap3A_461 = arith.constant 1792 : index
    %swap3A_462 = arith.constant 32 : index
    %swap3A_463 = vector.load %arg3[%swap3A_461, %swap3A_462] : memref<4096x128xf32, #tpu.memory_space<vmem>>, vector<128x32xf32>
    tpu.vector_store %arg3[%swap3A_461, %swap3A_462], %dot_general3A_460 {strides = array<i32>} : memref<4096x128xf32, #tpu.memory_space<vmem>>, vector<128x32xf32>,
    %get3A_464 = arith.constant 0 : index
    %get3A_465 = arith.constant 7424 : index
    %get3A_466 = vector.load %arg1[%get3A_464, %get3A_465] : memref<32x16384xf32, #tpu.memory_space<vmem>>, vector<32x128xf32>
    %dot_general3A_467 = arith.constant dense<0.000000e+00> : vector<128x32xf32>
    %dot_general3A_468 = tpu.matmul %get3A_1, %get3A_466, %dot_general3A_467 {dimension_numbers = #tpu.dot_dimension_numbers<[1], [1], [0], [0], [0, 0, 1, 0], [], []>, transpose_lhs_hint = false} : vector<128x128xf32>, vector<32x128xf32>, vector<128x32xf32> -> vector<128x32xf32>
    %swap3A_469 = arith.constant 1792 : index
    %swap3A_470 = arith.constant 64 : index
    %swap3A_471 = vector.load %arg3[%swap3A_469, %swap3A_470] : memref<4096x128xf32, #tpu.memory_space<vmem>>, vector<128x32xf32>
    tpu.vector_store %arg3[%swap3A_469, %swap3A_470], %dot_general3A_468 {strides = array<i32>} : memref<4096x128xf32, #tpu.memory_space<vmem>>, vector<128x32xf32>,
    %get3A_472 = arith.constant 0 : index
    %get3A_473 = arith.constant 7552 : index
    %get3A_474 = vector.load %arg1[%get3A_472, %get3A_473] : memref<32x16384xf32, #tpu.memory_space<vmem>>, vector<32x128xf32>
    %dot_general3A_475 = arith.constant dense<0.000000e+00> : vector<128x32xf32>
    %dot_general3A_476 = tpu.matmul %get3A_1, %get3A_474, %dot_general3A_475 {dimension_numbers = #tpu.dot_dimension_numbers<[1], [1], [0], [0], [0, 0, 1, 0], [], []>, transpose_lhs_hint = false} : vector<128x128xf32>, vector<32x128xf32>, vector<128x32xf32> -> vector<128x32xf32>
    %swap3A_477 = arith.constant 1792 : index
    %swap3A_478 = arith.constant 96 : index
    %swap3A_479 = vector.load %arg3[%swap3A_477, %swap3A_478] : memref<4096x128xf32, #tpu.memory_space<vmem>>, vector<128x32xf32>
    tpu.vector_store %arg3[%swap3A_477, %swap3A_478], %dot_general3A_476 {strides = array<i32>} : memref<4096x128xf32, #tpu.memory_space<vmem>>, vector<128x32xf32>,
    %get3A_480 = arith.constant 0 : index
    %get3A_481 = arith.constant 7680 : index
    %get3A_482 = vector.load %arg1[%get3A_480, %get3A_481] : memref<32x16384xf32, #tpu.memory_space<vmem>>, vector<32x128xf32>
    %dot_general3A_483 = arith.constant dense<0.000000e+00> : vector<128x32xf32>
    %dot_general3A_484 = tpu.matmul %get3A_1, %get3A_482, %dot_general3A_483 {dimension_numbers = #tpu.dot_dimension_numbers<[1], [1], [0], [0], [0, 0, 1, 0], [], []>, transpose_lhs_hint = false} : vector<128x128xf32>, vector<32x128xf32>, vector<128x32xf32> -> vector<128x32xf32>
    %swap3A_485 = arith.constant 1920 : index
    %swap3A_486 = arith.constant 0 : index
    %swap3A_487 = vector.load %arg3[%swap3A_485, %swap3A_486] : memref<4096x128xf32, #tpu.memory_space<vmem>>, vector<128x32xf32>
    tpu.vector_store %arg3[%swap3A_485, %swap3A_486], %dot_general3A_484 {strides = array<i32>} : memref<4096x128xf32, #tpu.memory_space<vmem>>, vector<128x32xf32>,
    %get3A_488 = arith.constant 0 : index
    %get3A_489 = arith.constant 7808 : index
    %get3A_490 = vector.load %arg1[%get3A_488, %get3A_489] : memref<32x16384xf32, #tpu.memory_space<vmem>>, vector<32x128xf32>
    %dot_general3A_491 = arith.constant dense<0.000000e+00> : vector<128x32xf32>
    %dot_general3A_492 = tpu.matmul %get3A_1, %get3A_490, %dot_general3A_491 {dimension_numbers = #tpu.dot_dimension_numbers<[1], [1], [0], [0], [0, 0, 1, 0], [], []>, transpose_lhs_hint = false} : vector<128x128xf32>, vector<32x128xf32>, vector<128x32xf32> -> vector<128x32xf32>
    %swap3A_493 = arith.constant 1920 : index
    %swap3A_494 = arith.constant 32 : index
    %swap3A_495 = vector.load %arg3[%swap3A_493, %swap3A_494] : memref<4096x128xf32, #tpu.memory_space<vmem>>, vector<128x32xf32>
    tpu.vector_store %arg3[%swap3A_493, %swap3A_494], %dot_general3A_492 {strides = array<i32>} : memref<4096x128xf32, #tpu.memory_space<vmem>>, vector<128x32xf32>,
    %get3A_496 = arith.constant 0 : index
    %get3A_497 = arith.constant 7936 : index
    %get3A_498 = vector.load %arg1[%get3A_496, %get3A_497] : memref<32x16384xf32, #tpu.memory_space<vmem>>, vector<32x128xf32>
    %dot_general3A_499 = arith.constant dense<0.000000e+00> : vector<128x32xf32>
    %dot_general3A_500 = tpu.matmul %get3A_1, %get3A_498, %dot_general3A_499 {dimension_numbers = #tpu.dot_dimension_numbers<[1], [1], [0], [0], [0, 0, 1, 0], [], []>, transpose_lhs_hint = false} : vector<128x128xf32>, vector<32x128xf32>, vector<128x32xf32> -> vector<128x32xf32>
    %swap3A_501 = arith.constant 1920 : index
    %swap3A_502 = arith.constant 64 : index
    %swap3A_503 = vector.load %arg3[%swap3A_501, %swap3A_502] : memref<4096x128xf32, #tpu.memory_space<vmem>>, vector<128x32xf32>
    tpu.vector_store %arg3[%swap3A_501, %swap3A_502], %dot_general3A_500 {strides = array<i32>} : memref<4096x128xf32, #tpu.memory_space<vmem>>, vector<128x32xf32>,
    %get3A_504 = arith.constant 0 : index
    %get3A_505 = arith.constant 8064 : index
    %get3A_506 = vector.load %arg1[%get3A_504, %get3A_505] : memref<32x16384xf32, #tpu.memory_space<vmem>>, vector<32x128xf32>
    %dot_general3A_507 = arith.constant dense<0.000000e+00> : vector<128x32xf32>
    %dot_general3A_508 = tpu.matmul %get3A_1, %get3A_506, %dot_general3A_507 {dimension_numbers = #tpu.dot_dimension_numbers<[1], [1], [0], [0], [0, 0, 1, 0], [], []>, transpose_lhs_hint = false} : vector<128x128xf32>, vector<32x128xf32>, vector<128x32xf32> -> vector<128x32xf32>
    %swap3A_509 = arith.constant 1920 : index
    %swap3A_510 = arith.constant 96 : index
    %swap3A_511 = vector.load %arg3[%swap3A_509, %swap3A_510] : memref<4096x128xf32, #tpu.memory_space<vmem>>, vector<128x32xf32>
    tpu.vector_store %arg3[%swap3A_509, %swap3A_510], %dot_general3A_508 {strides = array<i32>} : memref<4096x128xf32, #tpu.memory_space<vmem>>, vector<128x32xf32>,
    %get3A_512 = arith.constant 0 : index
    %get3A_513 = arith.constant 8192 : index
    %get3A_514 = vector.load %arg1[%get3A_512, %get3A_513] : memref<32x16384xf32, #tpu.memory_space<vmem>>, vector<32x128xf32>
    %dot_general3A_515 = arith.constant dense<0.000000e+00> : vector<128x32xf32>
    %dot_general3A_516 = tpu.matmul %get3A_1, %get3A_514, %dot_general3A_515 {dimension_numbers = #tpu.dot_dimension_numbers<[1], [1], [0], [0], [0, 0, 1, 0], [], []>, transpose_lhs_hint = false} : vector<128x128xf32>, vector<32x128xf32>, vector<128x32xf32> -> vector<128x32xf32>
    %swap3A_517 = arith.constant 2048 : index
    %swap3A_518 = arith.constant 0 : index
    %swap3A_519 = vector.load %arg3[%swap3A_517, %swap3A_518] : memref<4096x128xf32, #tpu.memory_space<vmem>>, vector<128x32xf32>
    tpu.vector_store %arg3[%swap3A_517, %swap3A_518], %dot_general3A_516 {strides = array<i32>} : memref<4096x128xf32, #tpu.memory_space<vmem>>, vector<128x32xf32>,
    %get3A_520 = arith.constant 0 : index
    %get3A_521 = arith.constant 8320 : index
    %get3A_522 = vector.load %arg1[%get3A_520, %get3A_521] : memref<32x16384xf32, #tpu.memory_space<vmem>>, vector<32x128xf32>
    %dot_general3A_523 = arith.constant dense<0.000000e+00> : vector<128x32xf32>
    %dot_general3A_524 = tpu.matmul %get3A_1, %get3A_522, %dot_general3A_523 {dimension_numbers = #tpu.dot_dimension_numbers<[1], [1], [0], [0], [0, 0, 1, 0], [], []>, transpose_lhs_hint = false} : vector<128x128xf32>, vector<32x128xf32>, vector<128x32xf32> -> vector<128x32xf32>
    %swap3A_525 = arith.constant 2048 : index
    %swap3A_526 = arith.constant 32 : index
    %swap3A_527 = vector.load %arg3[%swap3A_525, %swap3A_526] : memref<4096x128xf32, #tpu.memory_space<vmem>>, vector<128x32xf32>
    tpu.vector_store %arg3[%swap3A_525, %swap3A_526], %dot_general3A_524 {strides = array<i32>} : memref<4096x128xf32, #tpu.memory_space<vmem>>, vector<128x32xf32>,
    %get3A_528 = arith.constant 0 : index
    %get3A_529 = arith.constant 8448 : index
    %get3A_530 = vector.load %arg1[%get3A_528, %get3A_529] : memref<32x16384xf32, #tpu.memory_space<vmem>>, vector<32x128xf32>
    %dot_general3A_531 = arith.constant dense<0.000000e+00> : vector<128x32xf32>
    %dot_general3A_532 = tpu.matmul %get3A_1, %get3A_530, %dot_general3A_531 {dimension_numbers = #tpu.dot_dimension_numbers<[1], [1], [0], [0], [0, 0, 1, 0], [], []>, transpose_lhs_hint = false} : vector<128x128xf32>, vector<32x128xf32>, vector<128x32xf32> -> vector<128x32xf32>
    %swap3A_533 = arith.constant 2048 : index
    %swap3A_534 = arith.constant 64 : index
    %swap3A_535 = vector.load %arg3[%swap3A_533, %swap3A_534] : memref<4096x128xf32, #tpu.memory_space<vmem>>, vector<128x32xf32>
    tpu.vector_store %arg3[%swap3A_533, %swap3A_534], %dot_general3A_532 {strides = array<i32>} : memref<4096x128xf32, #tpu.memory_space<vmem>>, vector<128x32xf32>,
    %get3A_536 = arith.constant 0 : index
    %get3A_537 = arith.constant 8576 : index
    %get3A_538 = vector.load %arg1[%get3A_536, %get3A_537] : memref<32x16384xf32, #tpu.memory_space<vmem>>, vector<32x128xf32>
    %dot_general3A_539 = arith.constant dense<0.000000e+00> : vector<128x32xf32>
    %dot_general3A_540 = tpu.matmul %get3A_1, %get3A_538, %dot_general3A_539 {dimension_numbers = #tpu.dot_dimension_numbers<[1], [1], [0], [0], [0, 0, 1, 0], [], []>, transpose_lhs_hint = false} : vector<128x128xf32>, vector<32x128xf32>, vector<128x32xf32> -> vector<128x32xf32>
    %swap3A_541 = arith.constant 2048 : index
    %swap3A_542 = arith.constant 96 : index
    %swap3A_543 = vector.load %arg3[%swap3A_541, %swap3A_542] : memref<4096x128xf32, #tpu.memory_space<vmem>>, vector<128x32xf32>
    tpu.vector_store %arg3[%swap3A_541, %swap3A_542], %dot_general3A_540 {strides = array<i32>} : memref<4096x128xf32, #tpu.memory_space<vmem>>, vector<128x32xf32>,
    %get3A_544 = arith.constant 0 : index
    %get3A_545 = arith.constant 8704 : index
    %get3A_546 = vector.load %arg1[%get3A_544, %get3A_545] : memref<32x16384xf32, #tpu.memory_space<vmem>>, vector<32x128xf32>
    %dot_general3A_547 = arith.constant dense<0.000000e+00> : vector<128x32xf32>
    %dot_general3A_548 = tpu.matmul %get3A_1, %get3A_546, %dot_general3A_547 {dimension_numbers = #tpu.dot_dimension_numbers<[1], [1], [0], [0], [0, 0, 1, 0], [], []>, transpose_lhs_hint = false} : vector<128x128xf32>, vector<32x128xf32>, vector<128x32xf32> -> vector<128x32xf32>
    %swap3A_549 = arith.constant 2176 : index
    %swap3A_550 = arith.constant 0 : index
    %swap3A_551 = vector.load %arg3[%swap3A_549, %swap3A_550] : memref<4096x128xf32, #tpu.memory_space<vmem>>, vector<128x32xf32>
    tpu.vector_store %arg3[%swap3A_549, %swap3A_550], %dot_general3A_548 {strides = array<i32>} : memref<4096x128xf32, #tpu.memory_space<vmem>>, vector<128x32xf32>,
    %get3A_552 = arith.constant 0 : index
    %get3A_553 = arith.constant 8832 : index
    %get3A_554 = vector.load %arg1[%get3A_552, %get3A_553] : memref<32x16384xf32, #tpu.memory_space<vmem>>, vector<32x128xf32>
    %dot_general3A_555 = arith.constant dense<0.000000e+00> : vector<128x32xf32>
    %dot_general3A_556 = tpu.matmul %get3A_1, %get3A_554, %dot_general3A_555 {dimension_numbers = #tpu.dot_dimension_numbers<[1], [1], [0], [0], [0, 0, 1, 0], [], []>, transpose_lhs_hint = false} : vector<128x128xf32>, vector<32x128xf32>, vector<128x32xf32> -> vector<128x32xf32>
    %swap3A_557 = arith.constant 2176 : index
    %swap3A_558 = arith.constant 32 : index
    %swap3A_559 = vector.load %arg3[%swap3A_557, %swap3A_558] : memref<4096x128xf32, #tpu.memory_space<vmem>>, vector<128x32xf32>
    tpu.vector_store %arg3[%swap3A_557, %swap3A_558], %dot_general3A_556 {strides = array<i32>} : memref<4096x128xf32, #tpu.memory_space<vmem>>, vector<128x32xf32>,
    %get3A_560 = arith.constant 0 : index
    %get3A_561 = arith.constant 8960 : index
    %get3A_562 = vector.load %arg1[%get3A_560, %get3A_561] : memref<32x16384xf32, #tpu.memory_space<vmem>>, vector<32x128xf32>
    %dot_general3A_563 = arith.constant dense<0.000000e+00> : vector<128x32xf32>
    %dot_general3A_564 = tpu.matmul %get3A_1, %get3A_562, %dot_general3A_563 {dimension_numbers = #tpu.dot_dimension_numbers<[1], [1], [0], [0], [0, 0, 1, 0], [], []>, transpose_lhs_hint = false} : vector<128x128xf32>, vector<32x128xf32>, vector<128x32xf32> -> vector<128x32xf32>
    %swap3A_565 = arith.constant 2176 : index
    %swap3A_566 = arith.constant 64 : index
    %swap3A_567 = vector.load %arg3[%swap3A_565, %swap3A_566] : memref<4096x128xf32, #tpu.memory_space<vmem>>, vector<128x32xf32>
    tpu.vector_store %arg3[%swap3A_565, %swap3A_566], %dot_general3A_564 {strides = array<i32>} : memref<4096x128xf32, #tpu.memory_space<vmem>>, vector<128x32xf32>,
    %get3A_568 = arith.constant 0 : index
    %get3A_569 = arith.constant 9088 : index
    %get3A_570 = vector.load %arg1[%get3A_568, %get3A_569] : memref<32x16384xf32, #tpu.memory_space<vmem>>, vector<32x128xf32>
    %dot_general3A_571 = arith.constant dense<0.000000e+00> : vector<128x32xf32>
    %dot_general3A_572 = tpu.matmul %get3A_1, %get3A_570, %dot_general3A_571 {dimension_numbers = #tpu.dot_dimension_numbers<[1], [1], [0], [0], [0, 0, 1, 0], [], []>, transpose_lhs_hint = false} : vector<128x128xf32>, vector<32x128xf32>, vector<128x32xf32> -> vector<128x32xf32>
    %swap3A_573 = arith.constant 2176 : index
    %swap3A_574 = arith.constant 96 : index
    %swap3A_575 = vector.load %arg3[%swap3A_573, %swap3A_574] : memref<4096x128xf32, #tpu.memory_space<vmem>>, vector<128x32xf32>
    tpu.vector_store %arg3[%swap3A_573, %swap3A_574], %dot_general3A_572 {strides = array<i32>} : memref<4096x128xf32, #tpu.memory_space<vmem>>, vector<128x32xf32>,
    %get3A_576 = arith.constant 0 : index
    %get3A_577 = arith.constant 9216 : index
    %get3A_578 = vector.load %arg1[%get3A_576, %get3A_577] : memref<32x16384xf32, #tpu.memory_space<vmem>>, vector<32x128xf32>
    %dot_general3A_579 = arith.constant dense<0.000000e+00> : vector<128x32xf32>
    %dot_general3A_580 = tpu.matmul %get3A_1, %get3A_578, %dot_general3A_579 {dimension_numbers = #tpu.dot_dimension_numbers<[1], [1], [0], [0], [0, 0, 1, 0], [], []>, transpose_lhs_hint = false} : vector<128x128xf32>, vector<32x128xf32>, vector<128x32xf32> -> vector<128x32xf32>
    %swap3A_581 = arith.constant 2304 : index
    %swap3A_582 = arith.constant 0 : index
    %swap3A_583 = vector.load %arg3[%swap3A_581, %swap3A_582] : memref<4096x128xf32, #tpu.memory_space<vmem>>, vector<128x32xf32>
    tpu.vector_store %arg3[%swap3A_581, %swap3A_582], %dot_general3A_580 {strides = array<i32>} : memref<4096x128xf32, #tpu.memory_space<vmem>>, vector<128x32xf32>,
    %get3A_584 = arith.constant 0 : index
    %get3A_585 = arith.constant 9344 : index
    %get3A_586 = vector.load %arg1[%get3A_584, %get3A_585] : memref<32x16384xf32, #tpu.memory_space<vmem>>, vector<32x128xf32>
    %dot_general3A_587 = arith.constant dense<0.000000e+00> : vector<128x32xf32>
    %dot_general3A_588 = tpu.matmul %get3A_1, %get3A_586, %dot_general3A_587 {dimension_numbers = #tpu.dot_dimension_numbers<[1], [1], [0], [0], [0, 0, 1, 0], [], []>, transpose_lhs_hint = false} : vector<128x128xf32>, vector<32x128xf32>, vector<128x32xf32> -> vector<128x32xf32>
    %swap3A_589 = arith.constant 2304 : index
    %swap3A_590 = arith.constant 32 : index
    %swap3A_591 = vector.load %arg3[%swap3A_589, %swap3A_590] : memref<4096x128xf32, #tpu.memory_space<vmem>>, vector<128x32xf32>
    tpu.vector_store %arg3[%swap3A_589, %swap3A_590], %dot_general3A_588 {strides = array<i32>} : memref<4096x128xf32, #tpu.memory_space<vmem>>, vector<128x32xf32>,
    %get3A_592 = arith.constant 0 : index
    %get3A_593 = arith.constant 9472 : index
    %get3A_594 = vector.load %arg1[%get3A_592, %get3A_593] : memref<32x16384xf32, #tpu.memory_space<vmem>>, vector<32x128xf32>
    %dot_general3A_595 = arith.constant dense<0.000000e+00> : vector<128x32xf32>
    %dot_general3A_596 = tpu.matmul %get3A_1, %get3A_594, %dot_general3A_595 {dimension_numbers = #tpu.dot_dimension_numbers<[1], [1], [0], [0], [0, 0, 1, 0], [], []>, transpose_lhs_hint = false} : vector<128x128xf32>, vector<32x128xf32>, vector<128x32xf32> -> vector<128x32xf32>
    %swap3A_597 = arith.constant 2304 : index
    %swap3A_598 = arith.constant 64 : index
    %swap3A_599 = vector.load %arg3[%swap3A_597, %swap3A_598] : memref<4096x128xf32, #tpu.memory_space<vmem>>, vector<128x32xf32>
    tpu.vector_store %arg3[%swap3A_597, %swap3A_598], %dot_general3A_596 {strides = array<i32>} : memref<4096x128xf32, #tpu.memory_space<vmem>>, vector<128x32xf32>,
    %get3A_600 = arith.constant 0 : index
    %get3A_601 = arith.constant 9600 : index
    %get3A_602 = vector.load %arg1[%get3A_600, %get3A_601] : memref<32x16384xf32, #tpu.memory_space<vmem>>, vector<32x128xf32>
    %dot_general3A_603 = arith.constant dense<0.000000e+00> : vector<128x32xf32>
    %dot_general3A_604 = tpu.matmul %get3A_1, %get3A_602, %dot_general3A_603 {dimension_numbers = #tpu.dot_dimension_numbers<[1], [1], [0], [0], [0, 0, 1, 0], [], []>, transpose_lhs_hint = false} : vector<128x128xf32>, vector<32x128xf32>, vector<128x32xf32> -> vector<128x32xf32>
    %swap3A_605 = arith.constant 2304 : index
    %swap3A_606 = arith.constant 96 : index
    %swap3A_607 = vector.load %arg3[%swap3A_605, %swap3A_606] : memref<4096x128xf32, #tpu.memory_space<vmem>>, vector<128x32xf32>
    tpu.vector_store %arg3[%swap3A_605, %swap3A_606], %dot_general3A_604 {strides = array<i32>} : memref<4096x128xf32, #tpu.memory_space<vmem>>, vector<128x32xf32>,
    %get3A_608 = arith.constant 0 : index
    %get3A_609 = arith.constant 9728 : index
    %get3A_610 = vector.load %arg1[%get3A_608, %get3A_609] : memref<32x16384xf32, #tpu.memory_space<vmem>>, vector<32x128xf32>
    %dot_general3A_611 = arith.constant dense<0.000000e+00> : vector<128x32xf32>
    %dot_general3A_612 = tpu.matmul %get3A_1, %get3A_610, %dot_general3A_611 {dimension_numbers = #tpu.dot_dimension_numbers<[1], [1], [0], [0], [0, 0, 1, 0], [], []>, transpose_lhs_hint = false} : vector<128x128xf32>, vector<32x128xf32>, vector<128x32xf32> -> vector<128x32xf32>
    %swap3A_613 = arith.constant 2432 : index
    %swap3A_614 = arith.constant 0 : index
    %swap3A_615 = vector.load %arg3[%swap3A_613, %swap3A_614] : memref<4096x128xf32, #tpu.memory_space<vmem>>, vector<128x32xf32>
    tpu.vector_store %arg3[%swap3A_613, %swap3A_614], %dot_general3A_612 {strides = array<i32>} : memref<4096x128xf32, #tpu.memory_space<vmem>>, vector<128x32xf32>,
    %get3A_616 = arith.constant 0 : index
    %get3A_617 = arith.constant 9856 : index
    %get3A_618 = vector.load %arg1[%get3A_616, %get3A_617] : memref<32x16384xf32, #tpu.memory_space<vmem>>, vector<32x128xf32>
    %dot_general3A_619 = arith.constant dense<0.000000e+00> : vector<128x32xf32>
    %dot_general3A_620 = tpu.matmul %get3A_1, %get3A_618, %dot_general3A_619 {dimension_numbers = #tpu.dot_dimension_numbers<[1], [1], [0], [0], [0, 0, 1, 0], [], []>, transpose_lhs_hint = false} : vector<128x128xf32>, vector<32x128xf32>, vector<128x32xf32> -> vector<128x32xf32>
    %swap3A_621 = arith.constant 2432 : index
    %swap3A_622 = arith.constant 32 : index
    %swap3A_623 = vector.load %arg3[%swap3A_621, %swap3A_622] : memref<4096x128xf32, #tpu.memory_space<vmem>>, vector<128x32xf32>
    tpu.vector_store %arg3[%swap3A_621, %swap3A_622], %dot_general3A_620 {strides = array<i32>} : memref<4096x128xf32, #tpu.memory_space<vmem>>, vector<128x32xf32>,
    %get3A_624 = arith.constant 0 : index
    %get3A_625 = arith.constant 9984 : index
    %get3A_626 = vector.load %arg1[%get3A_624, %get3A_625] : memref<32x16384xf32, #tpu.memory_space<vmem>>, vector<32x128xf32>
    %dot_general3A_627 = arith.constant dense<0.000000e+00> : vector<128x32xf32>
    %dot_general3A_628 = tpu.matmul %get3A_1, %get3A_626, %dot_general3A_627 {dimension_numbers = #tpu.dot_dimension_numbers<[1], [1], [0], [0], [0, 0, 1, 0], [], []>, transpose_lhs_hint = false} : vector<128x128xf32>, vector<32x128xf32>, vector<128x32xf32> -> vector<128x32xf32>
    %swap3A_629 = arith.constant 2432 : index
    %swap3A_630 = arith.constant 64 : index
    %swap3A_631 = vector.load %arg3[%swap3A_629, %swap3A_630] : memref<4096x128xf32, #tpu.memory_space<vmem>>, vector<128x32xf32>
    tpu.vector_store %arg3[%swap3A_629, %swap3A_630], %dot_general3A_628 {strides = array<i32>} : memref<4096x128xf32, #tpu.memory_space<vmem>>, vector<128x32xf32>,
    %get3A_632 = arith.constant 0 : index
    %get3A_633 = arith.constant 10112 : index
    %get3A_634 = vector.load %arg1[%get3A_632, %get3A_633] : memref<32x16384xf32, #tpu.memory_space<vmem>>, vector<32x128xf32>
    %dot_general3A_635 = arith.constant dense<0.000000e+00> : vector<128x32xf32>
    %dot_general3A_636 = tpu.matmul %get3A_1, %get3A_634, %dot_general3A_635 {dimension_numbers = #tpu.dot_dimension_numbers<[1], [1], [0], [0], [0, 0, 1, 0], [], []>, transpose_lhs_hint = false} : vector<128x128xf32>, vector<32x128xf32>, vector<128x32xf32> -> vector<128x32xf32>
    %swap3A_637 = arith.constant 2432 : index
    %swap3A_638 = arith.constant 96 : index
    %swap3A_639 = vector.load %arg3[%swap3A_637, %swap3A_638] : memref<4096x128xf32, #tpu.memory_space<vmem>>, vector<128x32xf32>
    tpu.vector_store %arg3[%swap3A_637, %swap3A_638], %dot_general3A_636 {strides = array<i32>} : memref<4096x128xf32, #tpu.memory_space<vmem>>, vector<128x32xf32>,
    %get3A_640 = arith.constant 0 : index
    %get3A_641 = arith.constant 10240 : index
    %get3A_642 = vector.load %arg1[%get3A_640, %get3A_641] : memref<32x16384xf32, #tpu.memory_space<vmem>>, vector<32x128xf32>
    %dot_general3A_643 = arith.constant dense<0.000000e+00> : vector<128x32xf32>
    %dot_general3A_644 = tpu.matmul %get3A_1, %get3A_642, %dot_general3A_643 {dimension_numbers = #tpu.dot_dimension_numbers<[1], [1], [0], [0], [0, 0, 1, 0], [], []>, transpose_lhs_hint = false} : vector<128x128xf32>, vector<32x128xf32>, vector<128x32xf32> -> vector<128x32xf32>
    %swap3A_645 = arith.constant 2560 : index
    %swap3A_646 = arith.constant 0 : index
    %swap3A_647 = vector.load %arg3[%swap3A_645, %swap3A_646] : memref<4096x128xf32, #tpu.memory_space<vmem>>, vector<128x32xf32>
    tpu.vector_store %arg3[%swap3A_645, %swap3A_646], %dot_general3A_644 {strides = array<i32>} : memref<4096x128xf32, #tpu.memory_space<vmem>>, vector<128x32xf32>,
    %get3A_648 = arith.constant 0 : index
    %get3A_649 = arith.constant 10368 : index
    %get3A_650 = vector.load %arg1[%get3A_648, %get3A_649] : memref<32x16384xf32, #tpu.memory_space<vmem>>, vector<32x128xf32>
    %dot_general3A_651 = arith.constant dense<0.000000e+00> : vector<128x32xf32>
    %dot_general3A_652 = tpu.matmul %get3A_1, %get3A_650, %dot_general3A_651 {dimension_numbers = #tpu.dot_dimension_numbers<[1], [1], [0], [0], [0, 0, 1, 0], [], []>, transpose_lhs_hint = false} : vector<128x128xf32>, vector<32x128xf32>, vector<128x32xf32> -> vector<128x32xf32>
    %swap3A_653 = arith.constant 2560 : index
    %swap3A_654 = arith.constant 32 : index
    %swap3A_655 = vector.load %arg3[%swap3A_653, %swap3A_654] : memref<4096x128xf32, #tpu.memory_space<vmem>>, vector<128x32xf32>
    tpu.vector_store %arg3[%swap3A_653, %swap3A_654], %dot_general3A_652 {strides = array<i32>} : memref<4096x128xf32, #tpu.memory_space<vmem>>, vector<128x32xf32>,
    %get3A_656 = arith.constant 0 : index
    %get3A_657 = arith.constant 10496 : index
    %get3A_658 = vector.load %arg1[%get3A_656, %get3A_657] : memref<32x16384xf32, #tpu.memory_space<vmem>>, vector<32x128xf32>
    %dot_general3A_659 = arith.constant dense<0.000000e+00> : vector<128x32xf32>
    %dot_general3A_660 = tpu.matmul %get3A_1, %get3A_658, %dot_general3A_659 {dimension_numbers = #tpu.dot_dimension_numbers<[1], [1], [0], [0], [0, 0, 1, 0], [], []>, transpose_lhs_hint = false} : vector<128x128xf32>, vector<32x128xf32>, vector<128x32xf32> -> vector<128x32xf32>
    %swap3A_661 = arith.constant 2560 : index
    %swap3A_662 = arith.constant 64 : index
    %swap3A_663 = vector.load %arg3[%swap3A_661, %swap3A_662] : memref<4096x128xf32, #tpu.memory_space<vmem>>, vector<128x32xf32>
    tpu.vector_store %arg3[%swap3A_661, %swap3A_662], %dot_general3A_660 {strides = array<i32>} : memref<4096x128xf32, #tpu.memory_space<vmem>>, vector<128x32xf32>,
    %get3A_664 = arith.constant 0 : index
    %get3A_665 = arith.constant 10624 : index
    %get3A_666 = vector.load %arg1[%get3A_664, %get3A_665] : memref<32x16384xf32, #tpu.memory_space<vmem>>, vector<32x128xf32>
    %dot_general3A_667 = arith.constant dense<0.000000e+00> : vector<128x32xf32>
    %dot_general3A_668 = tpu.matmul %get3A_1, %get3A_666, %dot_general3A_667 {dimension_numbers = #tpu.dot_dimension_numbers<[1], [1], [0], [0], [0, 0, 1, 0], [], []>, transpose_lhs_hint = false} : vector<128x128xf32>, vector<32x128xf32>, vector<128x32xf32> -> vector<128x32xf32>
    %swap3A_669 = arith.constant 2560 : index
    %swap3A_670 = arith.constant 96 : index
    %swap3A_671 = vector.load %arg3[%swap3A_669, %swap3A_670] : memref<4096x128xf32, #tpu.memory_space<vmem>>, vector<128x32xf32>
    tpu.vector_store %arg3[%swap3A_669, %swap3A_670], %dot_general3A_668 {strides = array<i32>} : memref<4096x128xf32, #tpu.memory_space<vmem>>, vector<128x32xf32>,
    %get3A_672 = arith.constant 0 : index
    %get3A_673 = arith.constant 10752 : index
    %get3A_674 = vector.load %arg1[%get3A_672, %get3A_673] : memref<32x16384xf32, #tpu.memory_space<vmem>>, vector<32x128xf32>
    %dot_general3A_675 = arith.constant dense<0.000000e+00> : vector<128x32xf32>
    %dot_general3A_676 = tpu.matmul %get3A_1, %get3A_674, %dot_general3A_675 {dimension_numbers = #tpu.dot_dimension_numbers<[1], [1], [0], [0], [0, 0, 1, 0], [], []>, transpose_lhs_hint = false} : vector<128x128xf32>, vector<32x128xf32>, vector<128x32xf32> -> vector<128x32xf32>
    %swap3A_677 = arith.constant 2688 : index
    %swap3A_678 = arith.constant 0 : index
    %swap3A_679 = vector.load %arg3[%swap3A_677, %swap3A_678] : memref<4096x128xf32, #tpu.memory_space<vmem>>, vector<128x32xf32>
    tpu.vector_store %arg3[%swap3A_677, %swap3A_678], %dot_general3A_676 {strides = array<i32>} : memref<4096x128xf32, #tpu.memory_space<vmem>>, vector<128x32xf32>,
    %get3A_680 = arith.constant 0 : index
    %get3A_681 = arith.constant 10880 : index
    %get3A_682 = vector.load %arg1[%get3A_680, %get3A_681] : memref<32x16384xf32, #tpu.memory_space<vmem>>, vector<32x128xf32>
    %dot_general3A_683 = arith.constant dense<0.000000e+00> : vector<128x32xf32>
    %dot_general3A_684 = tpu.matmul %get3A_1, %get3A_682, %dot_general3A_683 {dimension_numbers = #tpu.dot_dimension_numbers<[1], [1], [0], [0], [0, 0, 1, 0], [], []>, transpose_lhs_hint = false} : vector<128x128xf32>, vector<32x128xf32>, vector<128x32xf32> -> vector<128x32xf32>
    %swap3A_685 = arith.constant 2688 : index
    %swap3A_686 = arith.constant 32 : index
    %swap3A_687 = vector.load %arg3[%swap3A_685, %swap3A_686] : memref<4096x128xf32, #tpu.memory_space<vmem>>, vector<128x32xf32>
    tpu.vector_store %arg3[%swap3A_685, %swap3A_686], %dot_general3A_684 {strides = array<i32>} : memref<4096x128xf32, #tpu.memory_space<vmem>>, vector<128x32xf32>,
    %get3A_688 = arith.constant 0 : index
    %get3A_689 = arith.constant 11008 : index
    %get3A_690 = vector.load %arg1[%get3A_688, %get3A_689] : memref<32x16384xf32, #tpu.memory_space<vmem>>, vector<32x128xf32>
    %dot_general3A_691 = arith.constant dense<0.000000e+00> : vector<128x32xf32>
    %dot_general3A_692 = tpu.matmul %get3A_1, %get3A_690, %dot_general3A_691 {dimension_numbers = #tpu.dot_dimension_numbers<[1], [1], [0], [0], [0, 0, 1, 0], [], []>, transpose_lhs_hint = false} : vector<128x128xf32>, vector<32x128xf32>, vector<128x32xf32> -> vector<128x32xf32>
    %swap3A_693 = arith.constant 2688 : index
    %swap3A_694 = arith.constant 64 : index
    %swap3A_695 = vector.load %arg3[%swap3A_693, %swap3A_694] : memref<4096x128xf32, #tpu.memory_space<vmem>>, vector<128x32xf32>
    tpu.vector_store %arg3[%swap3A_693, %swap3A_694], %dot_general3A_692 {strides = array<i32>} : memref<4096x128xf32, #tpu.memory_space<vmem>>, vector<128x32xf32>,
    %get3A_696 = arith.constant 0 : index
    %get3A_697 = arith.constant 11136 : index
    %get3A_698 = vector.load %arg1[%get3A_696, %get3A_697] : memref<32x16384xf32, #tpu.memory_space<vmem>>, vector<32x128xf32>
    %dot_general3A_699 = arith.constant dense<0.000000e+00> : vector<128x32xf32>
    %dot_general3A_700 = tpu.matmul %get3A_1, %get3A_698, %dot_general3A_699 {dimension_numbers = #tpu.dot_dimension_numbers<[1], [1], [0], [0], [0, 0, 1, 0], [], []>, transpose_lhs_hint = false} : vector<128x128xf32>, vector<32x128xf32>, vector<128x32xf32> -> vector<128x32xf32>
    %swap3A_701 = arith.constant 2688 : index
    %swap3A_702 = arith.constant 96 : index
    %swap3A_703 = vector.load %arg3[%swap3A_701, %swap3A_702] : memref<4096x128xf32, #tpu.memory_space<vmem>>, vector<128x32xf32>
    tpu.vector_store %arg3[%swap3A_701, %swap3A_702], %dot_general3A_700 {strides = array<i32>} : memref<4096x128xf32, #tpu.memory_space<vmem>>, vector<128x32xf32>,
    %get3A_704 = arith.constant 0 : index
    %get3A_705 = arith.constant 11264 : index
    %get3A_706 = vector.load %arg1[%get3A_704, %get3A_705] : memref<32x16384xf32, #tpu.memory_space<vmem>>, vector<32x128xf32>
    %dot_general3A_707 = arith.constant dense<0.000000e+00> : vector<128x32xf32>
    %dot_general3A_708 = tpu.matmul %get3A_1, %get3A_706, %dot_general3A_707 {dimension_numbers = #tpu.dot_dimension_numbers<[1], [1], [0], [0], [0, 0, 1, 0], [], []>, transpose_lhs_hint = false} : vector<128x128xf32>, vector<32x128xf32>, vector<128x32xf32> -> vector<128x32xf32>
    %swap3A_709 = arith.constant 2816 : index
    %swap3A_710 = arith.constant 0 : index
    %swap3A_711 = vector.load %arg3[%swap3A_709, %swap3A_710] : memref<4096x128xf32, #tpu.memory_space<vmem>>, vector<128x32xf32>
    tpu.vector_store %arg3[%swap3A_709, %swap3A_710], %dot_general3A_708 {strides = array<i32>} : memref<4096x128xf32, #tpu.memory_space<vmem>>, vector<128x32xf32>,
    %get3A_712 = arith.constant 0 : index
    %get3A_713 = arith.constant 11392 : index
    %get3A_714 = vector.load %arg1[%get3A_712, %get3A_713] : memref<32x16384xf32, #tpu.memory_space<vmem>>, vector<32x128xf32>
    %dot_general3A_715 = arith.constant dense<0.000000e+00> : vector<128x32xf32>
    %dot_general3A_716 = tpu.matmul %get3A_1, %get3A_714, %dot_general3A_715 {dimension_numbers = #tpu.dot_dimension_numbers<[1], [1], [0], [0], [0, 0, 1, 0], [], []>, transpose_lhs_hint = false} : vector<128x128xf32>, vector<32x128xf32>, vector<128x32xf32> -> vector<128x32xf32>
    %swap3A_717 = arith.constant 2816 : index
    %swap3A_718 = arith.constant 32 : index
    %swap3A_719 = vector.load %arg3[%swap3A_717, %swap3A_718] : memref<4096x128xf32, #tpu.memory_space<vmem>>, vector<128x32xf32>
    tpu.vector_store %arg3[%swap3A_717, %swap3A_718], %dot_general3A_716 {strides = array<i32>} : memref<4096x128xf32, #tpu.memory_space<vmem>>, vector<128x32xf32>,
    %get3A_720 = arith.constant 0 : index
    %get3A_721 = arith.constant 11520 : index
    %get3A_722 = vector.load %arg1[%get3A_720, %get3A_721] : memref<32x16384xf32, #tpu.memory_space<vmem>>, vector<32x128xf32>
    %dot_general3A_723 = arith.constant dense<0.000000e+00> : vector<128x32xf32>
    %dot_general3A_724 = tpu.matmul %get3A_1, %get3A_722, %dot_general3A_723 {dimension_numbers = #tpu.dot_dimension_numbers<[1], [1], [0], [0], [0, 0, 1, 0], [], []>, transpose_lhs_hint = false} : vector<128x128xf32>, vector<32x128xf32>, vector<128x32xf32> -> vector<128x32xf32>
    %swap3A_725 = arith.constant 2816 : index
    %swap3A_726 = arith.constant 64 : index
    %swap3A_727 = vector.load %arg3[%swap3A_725, %swap3A_726] : memref<4096x128xf32, #tpu.memory_space<vmem>>, vector<128x32xf32>
    tpu.vector_store %arg3[%swap3A_725, %swap3A_726], %dot_general3A_724 {strides = array<i32>} : memref<4096x128xf32, #tpu.memory_space<vmem>>, vector<128x32xf32>,
    %get3A_728 = arith.constant 0 : index
    %get3A_729 = arith.constant 11648 : index
    %get3A_730 = vector.load %arg1[%get3A_728, %get3A_729] : memref<32x16384xf32, #tpu.memory_space<vmem>>, vector<32x128xf32>
    %dot_general3A_731 = arith.constant dense<0.000000e+00> : vector<128x32xf32>
    %dot_general3A_732 = tpu.matmul %get3A_1, %get3A_730, %dot_general3A_731 {dimension_numbers = #tpu.dot_dimension_numbers<[1], [1], [0], [0], [0, 0, 1, 0], [], []>, transpose_lhs_hint = false} : vector<128x128xf32>, vector<32x128xf32>, vector<128x32xf32> -> vector<128x32xf32>
    %swap3A_733 = arith.constant 2816 : index
    %swap3A_734 = arith.constant 96 : index
    %swap3A_735 = vector.load %arg3[%swap3A_733, %swap3A_734] : memref<4096x128xf32, #tpu.memory_space<vmem>>, vector<128x32xf32>
    tpu.vector_store %arg3[%swap3A_733, %swap3A_734], %dot_general3A_732 {strides = array<i32>} : memref<4096x128xf32, #tpu.memory_space<vmem>>, vector<128x32xf32>,
    %get3A_736 = arith.constant 0 : index
    %get3A_737 = arith.constant 11776 : index
    %get3A_738 = vector.load %arg1[%get3A_736, %get3A_737] : memref<32x16384xf32, #tpu.memory_space<vmem>>, vector<32x128xf32>
    %dot_general3A_739 = arith.constant dense<0.000000e+00> : vector<128x32xf32>
    %dot_general3A_740 = tpu.matmul %get3A_1, %get3A_738, %dot_general3A_739 {dimension_numbers = #tpu.dot_dimension_numbers<[1], [1], [0], [0], [0, 0, 1, 0], [], []>, transpose_lhs_hint = false} : vector<128x128xf32>, vector<32x128xf32>, vector<128x32xf32> -> vector<128x32xf32>
    %swap3A_741 = arith.constant 2944 : index
    %swap3A_742 = arith.constant 0 : index
    %swap3A_743 = vector.load %arg3[%swap3A_741, %swap3A_742] : memref<4096x128xf32, #tpu.memory_space<vmem>>, vector<128x32xf32>
    tpu.vector_store %arg3[%swap3A_741, %swap3A_742], %dot_general3A_740 {strides = array<i32>} : memref<4096x128xf32, #tpu.memory_space<vmem>>, vector<128x32xf32>,
    %get3A_744 = arith.constant 0 : index
    %get3A_745 = arith.constant 11904 : index
    %get3A_746 = vector.load %arg1[%get3A_744, %get3A_745] : memref<32x16384xf32, #tpu.memory_space<vmem>>, vector<32x128xf32>
    %dot_general3A_747 = arith.constant dense<0.000000e+00> : vector<128x32xf32>
    %dot_general3A_748 = tpu.matmul %get3A_1, %get3A_746, %dot_general3A_747 {dimension_numbers = #tpu.dot_dimension_numbers<[1], [1], [0], [0], [0, 0, 1, 0], [], []>, transpose_lhs_hint = false} : vector<128x128xf32>, vector<32x128xf32>, vector<128x32xf32> -> vector<128x32xf32>
    %swap3A_749 = arith.constant 2944 : index
    %swap3A_750 = arith.constant 32 : index
    %swap3A_751 = vector.load %arg3[%swap3A_749, %swap3A_750] : memref<4096x128xf32, #tpu.memory_space<vmem>>, vector<128x32xf32>
    tpu.vector_store %arg3[%swap3A_749, %swap3A_750], %dot_general3A_748 {strides = array<i32>} : memref<4096x128xf32, #tpu.memory_space<vmem>>, vector<128x32xf32>,
    %get3A_752 = arith.constant 0 : index
    %get3A_753 = arith.constant 12032 : index
    %get3A_754 = vector.load %arg1[%get3A_752, %get3A_753] : memref<32x16384xf32, #tpu.memory_space<vmem>>, vector<32x128xf32>
    %dot_general3A_755 = arith.constant dense<0.000000e+00> : vector<128x32xf32>
    %dot_general3A_756 = tpu.matmul %get3A_1, %get3A_754, %dot_general3A_755 {dimension_numbers = #tpu.dot_dimension_numbers<[1], [1], [0], [0], [0, 0, 1, 0], [], []>, transpose_lhs_hint = false} : vector<128x128xf32>, vector<32x128xf32>, vector<128x32xf32> -> vector<128x32xf32>
    %swap3A_757 = arith.constant 2944 : index
    %swap3A_758 = arith.constant 64 : index
    %swap3A_759 = vector.load %arg3[%swap3A_757, %swap3A_758] : memref<4096x128xf32, #tpu.memory_space<vmem>>, vector<128x32xf32>
    tpu.vector_store %arg3[%swap3A_757, %swap3A_758], %dot_general3A_756 {strides = array<i32>} : memref<4096x128xf32, #tpu.memory_space<vmem>>, vector<128x32xf32>,
    %get3A_760 = arith.constant 0 : index
    %get3A_761 = arith.constant 12160 : index
    %get3A_762 = vector.load %arg1[%get3A_760, %get3A_761] : memref<32x16384xf32, #tpu.memory_space<vmem>>, vector<32x128xf32>
    %dot_general3A_763 = arith.constant dense<0.000000e+00> : vector<128x32xf32>
    %dot_general3A_764 = tpu.matmul %get3A_1, %get3A_762, %dot_general3A_763 {dimension_numbers = #tpu.dot_dimension_numbers<[1], [1], [0], [0], [0, 0, 1, 0], [], []>, transpose_lhs_hint = false} : vector<128x128xf32>, vector<32x128xf32>, vector<128x32xf32> -> vector<128x32xf32>
    %swap3A_765 = arith.constant 2944 : index
    %swap3A_766 = arith.constant 96 : index
    %swap3A_767 = vector.load %arg3[%swap3A_765, %swap3A_766] : memref<4096x128xf32, #tpu.memory_space<vmem>>, vector<128x32xf32>
    tpu.vector_store %arg3[%swap3A_765, %swap3A_766], %dot_general3A_764 {strides = array<i32>} : memref<4096x128xf32, #tpu.memory_space<vmem>>, vector<128x32xf32>,
    %get3A_768 = arith.constant 0 : index
    %get3A_769 = arith.constant 12288 : index
    %get3A_770 = vector.load %arg1[%get3A_768, %get3A_769] : memref<32x16384xf32, #tpu.memory_space<vmem>>, vector<32x128xf32>
    %dot_general3A_771 = arith.constant dense<0.000000e+00> : vector<128x32xf32>
    %dot_general3A_772 = tpu.matmul %get3A_1, %get3A_770, %dot_general3A_771 {dimension_numbers = #tpu.dot_dimension_numbers<[1], [1], [0], [0], [0, 0, 1, 0], [], []>, transpose_lhs_hint = false} : vector<128x128xf32>, vector<32x128xf32>, vector<128x32xf32> -> vector<128x32xf32>
    %swap3A_773 = arith.constant 3072 : index
    %swap3A_774 = arith.constant 0 : index
    %swap3A_775 = vector.load %arg3[%swap3A_773, %swap3A_774] : memref<4096x128xf32, #tpu.memory_space<vmem>>, vector<128x32xf32>
    tpu.vector_store %arg3[%swap3A_773, %swap3A_774], %dot_general3A_772 {strides = array<i32>} : memref<4096x128xf32, #tpu.memory_space<vmem>>, vector<128x32xf32>,
    %get3A_776 = arith.constant 0 : index
    %get3A_777 = arith.constant 12416 : index
    %get3A_778 = vector.load %arg1[%get3A_776, %get3A_777] : memref<32x16384xf32, #tpu.memory_space<vmem>>, vector<32x128xf32>
    %dot_general3A_779 = arith.constant dense<0.000000e+00> : vector<128x32xf32>
    %dot_general3A_780 = tpu.matmul %get3A_1, %get3A_778, %dot_general3A_779 {dimension_numbers = #tpu.dot_dimension_numbers<[1], [1], [0], [0], [0, 0, 1, 0], [], []>, transpose_lhs_hint = false} : vector<128x128xf32>, vector<32x128xf32>, vector<128x32xf32> -> vector<128x32xf32>
    %swap3A_781 = arith.constant 3072 : index
    %swap3A_782 = arith.constant 32 : index
    %swap3A_783 = vector.load %arg3[%swap3A_781, %swap3A_782] : memref<4096x128xf32, #tpu.memory_space<vmem>>, vector<128x32xf32>
    tpu.vector_store %arg3[%swap3A_781, %swap3A_782], %dot_general3A_780 {strides = array<i32>} : memref<4096x128xf32, #tpu.memory_space<vmem>>, vector<128x32xf32>,
    %get3A_784 = arith.constant 0 : index
    %get3A_785 = arith.constant 12544 : index
    %get3A_786 = vector.load %arg1[%get3A_784, %get3A_785] : memref<32x16384xf32, #tpu.memory_space<vmem>>, vector<32x128xf32>
    %dot_general3A_787 = arith.constant dense<0.000000e+00> : vector<128x32xf32>
    %dot_general3A_788 = tpu.matmul %get3A_1, %get3A_786, %dot_general3A_787 {dimension_numbers = #tpu.dot_dimension_numbers<[1], [1], [0], [0], [0, 0, 1, 0], [], []>, transpose_lhs_hint = false} : vector<128x128xf32>, vector<32x128xf32>, vector<128x32xf32> -> vector<128x32xf32>
    %swap3A_789 = arith.constant 3072 : index
    %swap3A_790 = arith.constant 64 : index
    %swap3A_791 = vector.load %arg3[%swap3A_789, %swap3A_790] : memref<4096x128xf32, #tpu.memory_space<vmem>>, vector<128x32xf32>
    tpu.vector_store %arg3[%swap3A_789, %swap3A_790], %dot_general3A_788 {strides = array<i32>} : memref<4096x128xf32, #tpu.memory_space<vmem>>, vector<128x32xf32>,
    %get3A_792 = arith.constant 0 : index
    %get3A_793 = arith.constant 12672 : index
    %get3A_794 = vector.load %arg1[%get3A_792, %get3A_793] : memref<32x16384xf32, #tpu.memory_space<vmem>>, vector<32x128xf32>
    %dot_general3A_795 = arith.constant dense<0.000000e+00> : vector<128x32xf32>
    %dot_general3A_796 = tpu.matmul %get3A_1, %get3A_794, %dot_general3A_795 {dimension_numbers = #tpu.dot_dimension_numbers<[1], [1], [0], [0], [0, 0, 1, 0], [], []>, transpose_lhs_hint = false} : vector<128x128xf32>, vector<32x128xf32>, vector<128x32xf32> -> vector<128x32xf32>
    %swap3A_797 = arith.constant 3072 : index
    %swap3A_798 = arith.constant 96 : index
    %swap3A_799 = vector.load %arg3[%swap3A_797, %swap3A_798] : memref<4096x128xf32, #tpu.memory_space<vmem>>, vector<128x32xf32>
    tpu.vector_store %arg3[%swap3A_797, %swap3A_798], %dot_general3A_796 {strides = array<i32>} : memref<4096x128xf32, #tpu.memory_space<vmem>>, vector<128x32xf32>,
    %get3A_800 = arith.constant 0 : index
    %get3A_801 = arith.constant 12800 : index
    %get3A_802 = vector.load %arg1[%get3A_800, %get3A_801] : memref<32x16384xf32, #tpu.memory_space<vmem>>, vector<32x128xf32>
    %dot_general3A_803 = arith.constant dense<0.000000e+00> : vector<128x32xf32>
    %dot_general3A_804 = tpu.matmul %get3A_1, %get3A_802, %dot_general3A_803 {dimension_numbers = #tpu.dot_dimension_numbers<[1], [1], [0], [0], [0, 0, 1, 0], [], []>, transpose_lhs_hint = false} : vector<128x128xf32>, vector<32x128xf32>, vector<128x32xf32> -> vector<128x32xf32>
    %swap3A_805 = arith.constant 3200 : index
    %swap3A_806 = arith.constant 0 : index
    %swap3A_807 = vector.load %arg3[%swap3A_805, %swap3A_806] : memref<4096x128xf32, #tpu.memory_space<vmem>>, vector<128x32xf32>
    tpu.vector_store %arg3[%swap3A_805, %swap3A_806], %dot_general3A_804 {strides = array<i32>} : memref<4096x128xf32, #tpu.memory_space<vmem>>, vector<128x32xf32>,
    %get3A_808 = arith.constant 0 : index
    %get3A_809 = arith.constant 12928 : index
    %get3A_810 = vector.load %arg1[%get3A_808, %get3A_809] : memref<32x16384xf32, #tpu.memory_space<vmem>>, vector<32x128xf32>
    %dot_general3A_811 = arith.constant dense<0.000000e+00> : vector<128x32xf32>
    %dot_general3A_812 = tpu.matmul %get3A_1, %get3A_810, %dot_general3A_811 {dimension_numbers = #tpu.dot_dimension_numbers<[1], [1], [0], [0], [0, 0, 1, 0], [], []>, transpose_lhs_hint = false} : vector<128x128xf32>, vector<32x128xf32>, vector<128x32xf32> -> vector<128x32xf32>
    %swap3A_813 = arith.constant 3200 : index
    %swap3A_814 = arith.constant 32 : index
    %swap3A_815 = vector.load %arg3[%swap3A_813, %swap3A_814] : memref<4096x128xf32, #tpu.memory_space<vmem>>, vector<128x32xf32>
    tpu.vector_store %arg3[%swap3A_813, %swap3A_814], %dot_general3A_812 {strides = array<i32>} : memref<4096x128xf32, #tpu.memory_space<vmem>>, vector<128x32xf32>,
    %get3A_816 = arith.constant 0 : index
    %get3A_817 = arith.constant 13056 : index
    %get3A_818 = vector.load %arg1[%get3A_816, %get3A_817] : memref<32x16384xf32, #tpu.memory_space<vmem>>, vector<32x128xf32>
    %dot_general3A_819 = arith.constant dense<0.000000e+00> : vector<128x32xf32>
    %dot_general3A_820 = tpu.matmul %get3A_1, %get3A_818, %dot_general3A_819 {dimension_numbers = #tpu.dot_dimension_numbers<[1], [1], [0], [0], [0, 0, 1, 0], [], []>, transpose_lhs_hint = false} : vector<128x128xf32>, vector<32x128xf32>, vector<128x32xf32> -> vector<128x32xf32>
    %swap3A_821 = arith.constant 3200 : index
    %swap3A_822 = arith.constant 64 : index
    %swap3A_823 = vector.load %arg3[%swap3A_821, %swap3A_822] : memref<4096x128xf32, #tpu.memory_space<vmem>>, vector<128x32xf32>
    tpu.vector_store %arg3[%swap3A_821, %swap3A_822], %dot_general3A_820 {strides = array<i32>} : memref<4096x128xf32, #tpu.memory_space<vmem>>, vector<128x32xf32>,
    %get3A_824 = arith.constant 0 : index
    %get3A_825 = arith.constant 13184 : index
    %get3A_826 = vector.load %arg1[%get3A_824, %get3A_825] : memref<32x16384xf32, #tpu.memory_space<vmem>>, vector<32x128xf32>
    %dot_general3A_827 = arith.constant dense<0.000000e+00> : vector<128x32xf32>
    %dot_general3A_828 = tpu.matmul %get3A_1, %get3A_826, %dot_general3A_827 {dimension_numbers = #tpu.dot_dimension_numbers<[1], [1], [0], [0], [0, 0, 1, 0], [], []>, transpose_lhs_hint = false} : vector<128x128xf32>, vector<32x128xf32>, vector<128x32xf32> -> vector<128x32xf32>
    %swap3A_829 = arith.constant 3200 : index
    %swap3A_830 = arith.constant 96 : index
    %swap3A_831 = vector.load %arg3[%swap3A_829, %swap3A_830] : memref<4096x128xf32, #tpu.memory_space<vmem>>, vector<128x32xf32>
    tpu.vector_store %arg3[%swap3A_829, %swap3A_830], %dot_general3A_828 {strides = array<i32>} : memref<4096x128xf32, #tpu.memory_space<vmem>>, vector<128x32xf32>,
    %get3A_832 = arith.constant 0 : index
    %get3A_833 = arith.constant 13312 : index
    %get3A_834 = vector.load %arg1[%get3A_832, %get3A_833] : memref<32x16384xf32, #tpu.memory_space<vmem>>, vector<32x128xf32>
    %dot_general3A_835 = arith.constant dense<0.000000e+00> : vector<128x32xf32>
    %dot_general3A_836 = tpu.matmul %get3A_1, %get3A_834, %dot_general3A_835 {dimension_numbers = #tpu.dot_dimension_numbers<[1], [1], [0], [0], [0, 0, 1, 0], [], []>, transpose_lhs_hint = false} : vector<128x128xf32>, vector<32x128xf32>, vector<128x32xf32> -> vector<128x32xf32>
    %swap3A_837 = arith.constant 3328 : index
    %swap3A_838 = arith.constant 0 : index
    %swap3A_839 = vector.load %arg3[%swap3A_837, %swap3A_838] : memref<4096x128xf32, #tpu.memory_space<vmem>>, vector<128x32xf32>
    tpu.vector_store %arg3[%swap3A_837, %swap3A_838], %dot_general3A_836 {strides = array<i32>} : memref<4096x128xf32, #tpu.memory_space<vmem>>, vector<128x32xf32>,
    %get3A_840 = arith.constant 0 : index
    %get3A_841 = arith.constant 13440 : index
    %get3A_842 = vector.load %arg1[%get3A_840, %get3A_841] : memref<32x16384xf32, #tpu.memory_space<vmem>>, vector<32x128xf32>
    %dot_general3A_843 = arith.constant dense<0.000000e+00> : vector<128x32xf32>
    %dot_general3A_844 = tpu.matmul %get3A_1, %get3A_842, %dot_general3A_843 {dimension_numbers = #tpu.dot_dimension_numbers<[1], [1], [0], [0], [0, 0, 1, 0], [], []>, transpose_lhs_hint = false} : vector<128x128xf32>, vector<32x128xf32>, vector<128x32xf32> -> vector<128x32xf32>
    %swap3A_845 = arith.constant 3328 : index
    %swap3A_846 = arith.constant 32 : index
    %swap3A_847 = vector.load %arg3[%swap3A_845, %swap3A_846] : memref<4096x128xf32, #tpu.memory_space<vmem>>, vector<128x32xf32>
    tpu.vector_store %arg3[%swap3A_845, %swap3A_846], %dot_general3A_844 {strides = array<i32>} : memref<4096x128xf32, #tpu.memory_space<vmem>>, vector<128x32xf32>,
    %get3A_848 = arith.constant 0 : index
    %get3A_849 = arith.constant 13568 : index
    %get3A_850 = vector.load %arg1[%get3A_848, %get3A_849] : memref<32x16384xf32, #tpu.memory_space<vmem>>, vector<32x128xf32>
    %dot_general3A_851 = arith.constant dense<0.000000e+00> : vector<128x32xf32>
    %dot_general3A_852 = tpu.matmul %get3A_1, %get3A_850, %dot_general3A_851 {dimension_numbers = #tpu.dot_dimension_numbers<[1], [1], [0], [0], [0, 0, 1, 0], [], []>, transpose_lhs_hint = false} : vector<128x128xf32>, vector<32x128xf32>, vector<128x32xf32> -> vector<128x32xf32>
    %swap3A_853 = arith.constant 3328 : index
    %swap3A_854 = arith.constant 64 : index
    %swap3A_855 = vector.load %arg3[%swap3A_853, %swap3A_854] : memref<4096x128xf32, #tpu.memory_space<vmem>>, vector<128x32xf32>
    tpu.vector_store %arg3[%swap3A_853, %swap3A_854], %dot_general3A_852 {strides = array<i32>} : memref<4096x128xf32, #tpu.memory_space<vmem>>, vector<128x32xf32>,
    %get3A_856 = arith.constant 0 : index
    %get3A_857 = arith.constant 13696 : index
    %get3A_858 = vector.load %arg1[%get3A_856, %get3A_857] : memref<32x16384xf32, #tpu.memory_space<vmem>>, vector<32x128xf32>
    %dot_general3A_859 = arith.constant dense<0.000000e+00> : vector<128x32xf32>
    %dot_general3A_860 = tpu.matmul %get3A_1, %get3A_858, %dot_general3A_859 {dimension_numbers = #tpu.dot_dimension_numbers<[1], [1], [0], [0], [0, 0, 1, 0], [], []>, transpose_lhs_hint = false} : vector<128x128xf32>, vector<32x128xf32>, vector<128x32xf32> -> vector<128x32xf32>
    %swap3A_861 = arith.constant 3328 : index
    %swap3A_862 = arith.constant 96 : index
    %swap3A_863 = vector.load %arg3[%swap3A_861, %swap3A_862] : memref<4096x128xf32, #tpu.memory_space<vmem>>, vector<128x32xf32>
    tpu.vector_store %arg3[%swap3A_861, %swap3A_862], %dot_general3A_860 {strides = array<i32>} : memref<4096x128xf32, #tpu.memory_space<vmem>>, vector<128x32xf32>,
    %get3A_864 = arith.constant 0 : index
    %get3A_865 = arith.constant 13824 : index
    %get3A_866 = vector.load %arg1[%get3A_864, %get3A_865] : memref<32x16384xf32, #tpu.memory_space<vmem>>, vector<32x128xf32>
    %dot_general3A_867 = arith.constant dense<0.000000e+00> : vector<128x32xf32>
    %dot_general3A_868 = tpu.matmul %get3A_1, %get3A_866, %dot_general3A_867 {dimension_numbers = #tpu.dot_dimension_numbers<[1], [1], [0], [0], [0, 0, 1, 0], [], []>, transpose_lhs_hint = false} : vector<128x128xf32>, vector<32x128xf32>, vector<128x32xf32> -> vector<128x32xf32>
    %swap3A_869 = arith.constant 3456 : index
    %swap3A_870 = arith.constant 0 : index
    %swap3A_871 = vector.load %arg3[%swap3A_869, %swap3A_870] : memref<4096x128xf32, #tpu.memory_space<vmem>>, vector<128x32xf32>
    tpu.vector_store %arg3[%swap3A_869, %swap3A_870], %dot_general3A_868 {strides = array<i32>} : memref<4096x128xf32, #tpu.memory_space<vmem>>, vector<128x32xf32>,
    %get3A_872 = arith.constant 0 : index
    %get3A_873 = arith.constant 13952 : index
    %get3A_874 = vector.load %arg1[%get3A_872, %get3A_873] : memref<32x16384xf32, #tpu.memory_space<vmem>>, vector<32x128xf32>
    %dot_general3A_875 = arith.constant dense<0.000000e+00> : vector<128x32xf32>
    %dot_general3A_876 = tpu.matmul %get3A_1, %get3A_874, %dot_general3A_875 {dimension_numbers = #tpu.dot_dimension_numbers<[1], [1], [0], [0], [0, 0, 1, 0], [], []>, transpose_lhs_hint = false} : vector<128x128xf32>, vector<32x128xf32>, vector<128x32xf32> -> vector<128x32xf32>
    %swap3A_877 = arith.constant 3456 : index
    %swap3A_878 = arith.constant 32 : index
    %swap3A_879 = vector.load %arg3[%swap3A_877, %swap3A_878] : memref<4096x128xf32, #tpu.memory_space<vmem>>, vector<128x32xf32>
    tpu.vector_store %arg3[%swap3A_877, %swap3A_878], %dot_general3A_876 {strides = array<i32>} : memref<4096x128xf32, #tpu.memory_space<vmem>>, vector<128x32xf32>,
    %get3A_880 = arith.constant 0 : index
    %get3A_881 = arith.constant 14080 : index
    %get3A_882 = vector.load %arg1[%get3A_880, %get3A_881] : memref<32x16384xf32, #tpu.memory_space<vmem>>, vector<32x128xf32>
    %dot_general3A_883 = arith.constant dense<0.000000e+00> : vector<128x32xf32>
    %dot_general3A_884 = tpu.matmul %get3A_1, %get3A_882, %dot_general3A_883 {dimension_numbers = #tpu.dot_dimension_numbers<[1], [1], [0], [0], [0, 0, 1, 0], [], []>, transpose_lhs_hint = false} : vector<128x128xf32>, vector<32x128xf32>, vector<128x32xf32> -> vector<128x32xf32>
    %swap3A_885 = arith.constant 3456 : index
    %swap3A_886 = arith.constant 64 : index
    %swap3A_887 = vector.load %arg3[%swap3A_885, %swap3A_886] : memref<4096x128xf32, #tpu.memory_space<vmem>>, vector<128x32xf32>
    tpu.vector_store %arg3[%swap3A_885, %swap3A_886], %dot_general3A_884 {strides = array<i32>} : memref<4096x128xf32, #tpu.memory_space<vmem>>, vector<128x32xf32>,
    %get3A_888 = arith.constant 0 : index
    %get3A_889 = arith.constant 14208 : index
    %get3A_890 = vector.load %arg1[%get3A_888, %get3A_889] : memref<32x16384xf32, #tpu.memory_space<vmem>>, vector<32x128xf32>
    %dot_general3A_891 = arith.constant dense<0.000000e+00> : vector<128x32xf32>
    %dot_general3A_892 = tpu.matmul %get3A_1, %get3A_890, %dot_general3A_891 {dimension_numbers = #tpu.dot_dimension_numbers<[1], [1], [0], [0], [0, 0, 1, 0], [], []>, transpose_lhs_hint = false} : vector<128x128xf32>, vector<32x128xf32>, vector<128x32xf32> -> vector<128x32xf32>
    %swap3A_893 = arith.constant 3456 : index
    %swap3A_894 = arith.constant 96 : index
    %swap3A_895 = vector.load %arg3[%swap3A_893, %swap3A_894] : memref<4096x128xf32, #tpu.memory_space<vmem>>, vector<128x32xf32>
    tpu.vector_store %arg3[%swap3A_893, %swap3A_894], %dot_general3A_892 {strides = array<i32>} : memref<4096x128xf32, #tpu.memory_space<vmem>>, vector<128x32xf32>,
    %get3A_896 = arith.constant 0 : index
    %get3A_897 = arith.constant 14336 : index
    %get3A_898 = vector.load %arg1[%get3A_896, %get3A_897] : memref<32x16384xf32, #tpu.memory_space<vmem>>, vector<32x128xf32>
    %dot_general3A_899 = arith.constant dense<0.000000e+00> : vector<128x32xf32>
    %dot_general3A_900 = tpu.matmul %get3A_1, %get3A_898, %dot_general3A_899 {dimension_numbers = #tpu.dot_dimension_numbers<[1], [1], [0], [0], [0, 0, 1, 0], [], []>, transpose_lhs_hint = false} : vector<128x128xf32>, vector<32x128xf32>, vector<128x32xf32> -> vector<128x32xf32>
    %swap3A_901 = arith.constant 3584 : index
    %swap3A_902 = arith.constant 0 : index
    %swap3A_903 = vector.load %arg3[%swap3A_901, %swap3A_902] : memref<4096x128xf32, #tpu.memory_space<vmem>>, vector<128x32xf32>
    tpu.vector_store %arg3[%swap3A_901, %swap3A_902], %dot_general3A_900 {strides = array<i32>} : memref<4096x128xf32, #tpu.memory_space<vmem>>, vector<128x32xf32>,
    %get3A_904 = arith.constant 0 : index
    %get3A_905 = arith.constant 14464 : index
    %get3A_906 = vector.load %arg1[%get3A_904, %get3A_905] : memref<32x16384xf32, #tpu.memory_space<vmem>>, vector<32x128xf32>
    %dot_general3A_907 = arith.constant dense<0.000000e+00> : vector<128x32xf32>
    %dot_general3A_908 = tpu.matmul %get3A_1, %get3A_906, %dot_general3A_907 {dimension_numbers = #tpu.dot_dimension_numbers<[1], [1], [0], [0], [0, 0, 1, 0], [], []>, transpose_lhs_hint = false} : vector<128x128xf32>, vector<32x128xf32>, vector<128x32xf32> -> vector<128x32xf32>
    %swap3A_909 = arith.constant 3584 : index
    %swap3A_910 = arith.constant 32 : index
    %swap3A_911 = vector.load %arg3[%swap3A_909, %swap3A_910] : memref<4096x128xf32, #tpu.memory_space<vmem>>, vector<128x32xf32>
    tpu.vector_store %arg3[%swap3A_909, %swap3A_910], %dot_general3A_908 {strides = array<i32>} : memref<4096x128xf32, #tpu.memory_space<vmem>>, vector<128x32xf32>,
    %get3A_912 = arith.constant 0 : index
    %get3A_913 = arith.constant 14592 : index
    %get3A_914 = vector.load %arg1[%get3A_912, %get3A_913] : memref<32x16384xf32, #tpu.memory_space<vmem>>, vector<32x128xf32>
    %dot_general3A_915 = arith.constant dense<0.000000e+00> : vector<128x32xf32>
    %dot_general3A_916 = tpu.matmul %get3A_1, %get3A_914, %dot_general3A_915 {dimension_numbers = #tpu.dot_dimension_numbers<[1], [1], [0], [0], [0, 0, 1, 0], [], []>, transpose_lhs_hint = false} : vector<128x128xf32>, vector<32x128xf32>, vector<128x32xf32> -> vector<128x32xf32>
    %swap3A_917 = arith.constant 3584 : index
    %swap3A_918 = arith.constant 64 : index
    %swap3A_919 = vector.load %arg3[%swap3A_917, %swap3A_918] : memref<4096x128xf32, #tpu.memory_space<vmem>>, vector<128x32xf32>
    tpu.vector_store %arg3[%swap3A_917, %swap3A_918], %dot_general3A_916 {strides = array<i32>} : memref<4096x128xf32, #tpu.memory_space<vmem>>, vector<128x32xf32>,
    %get3A_920 = arith.constant 0 : index
    %get3A_921 = arith.constant 14720 : index
    %get3A_922 = vector.load %arg1[%get3A_920, %get3A_921] : memref<32x16384xf32, #tpu.memory_space<vmem>>, vector<32x128xf32>
    %dot_general3A_923 = arith.constant dense<0.000000e+00> : vector<128x32xf32>
    %dot_general3A_924 = tpu.matmul %get3A_1, %get3A_922, %dot_general3A_923 {dimension_numbers = #tpu.dot_dimension_numbers<[1], [1], [0], [0], [0, 0, 1, 0], [], []>, transpose_lhs_hint = false} : vector<128x128xf32>, vector<32x128xf32>, vector<128x32xf32> -> vector<128x32xf32>
    %swap3A_925 = arith.constant 3584 : index
    %swap3A_926 = arith.constant 96 : index
    %swap3A_927 = vector.load %arg3[%swap3A_925, %swap3A_926] : memref<4096x128xf32, #tpu.memory_space<vmem>>, vector<128x32xf32>
    tpu.vector_store %arg3[%swap3A_925, %swap3A_926], %dot_general3A_924 {strides = array<i32>} : memref<4096x128xf32, #tpu.memory_space<vmem>>, vector<128x32xf32>,
    %get3A_928 = arith.constant 0 : index
    %get3A_929 = arith.constant 14848 : index
    %get3A_930 = vector.load %arg1[%get3A_928, %get3A_929] : memref<32x16384xf32, #tpu.memory_space<vmem>>, vector<32x128xf32>
    %dot_general3A_931 = arith.constant dense<0.000000e+00> : vector<128x32xf32>
    %dot_general3A_932 = tpu.matmul %get3A_1, %get3A_930, %dot_general3A_931 {dimension_numbers = #tpu.dot_dimension_numbers<[1], [1], [0], [0], [0, 0, 1, 0], [], []>, transpose_lhs_hint = false} : vector<128x128xf32>, vector<32x128xf32>, vector<128x32xf32> -> vector<128x32xf32>
    %swap3A_933 = arith.constant 3712 : index
    %swap3A_934 = arith.constant 0 : index
    %swap3A_935 = vector.load %arg3[%swap3A_933, %swap3A_934] : memref<4096x128xf32, #tpu.memory_space<vmem>>, vector<128x32xf32>
    tpu.vector_store %arg3[%swap3A_933, %swap3A_934], %dot_general3A_932 {strides = array<i32>} : memref<4096x128xf32, #tpu.memory_space<vmem>>, vector<128x32xf32>,
    %get3A_936 = arith.constant 0 : index
    %get3A_937 = arith.constant 14976 : index
    %get3A_938 = vector.load %arg1[%get3A_936, %get3A_937] : memref<32x16384xf32, #tpu.memory_space<vmem>>, vector<32x128xf32>
    %dot_general3A_939 = arith.constant dense<0.000000e+00> : vector<128x32xf32>
    %dot_general3A_940 = tpu.matmul %get3A_1, %get3A_938, %dot_general3A_939 {dimension_numbers = #tpu.dot_dimension_numbers<[1], [1], [0], [0], [0, 0, 1, 0], [], []>, transpose_lhs_hint = false} : vector<128x128xf32>, vector<32x128xf32>, vector<128x32xf32> -> vector<128x32xf32>
    %swap3A_941 = arith.constant 3712 : index
    %swap3A_942 = arith.constant 32 : index
    %swap3A_943 = vector.load %arg3[%swap3A_941, %swap3A_942] : memref<4096x128xf32, #tpu.memory_space<vmem>>, vector<128x32xf32>
    tpu.vector_store %arg3[%swap3A_941, %swap3A_942], %dot_general3A_940 {strides = array<i32>} : memref<4096x128xf32, #tpu.memory_space<vmem>>, vector<128x32xf32>,
    %get3A_944 = arith.constant 0 : index
    %get3A_945 = arith.constant 15104 : index
    %get3A_946 = vector.load %arg1[%get3A_944, %get3A_945] : memref<32x16384xf32, #tpu.memory_space<vmem>>, vector<32x128xf32>
    %dot_general3A_947 = arith.constant dense<0.000000e+00> : vector<128x32xf32>
    %dot_general3A_948 = tpu.matmul %get3A_1, %get3A_946, %dot_general3A_947 {dimension_numbers = #tpu.dot_dimension_numbers<[1], [1], [0], [0], [0, 0, 1, 0], [], []>, transpose_lhs_hint = false} : vector<128x128xf32>, vector<32x128xf32>, vector<128x32xf32> -> vector<128x32xf32>
    %swap3A_949 = arith.constant 3712 : index
    %swap3A_950 = arith.constant 64 : index
    %swap3A_951 = vector.load %arg3[%swap3A_949, %swap3A_950] : memref<4096x128xf32, #tpu.memory_space<vmem>>, vector<128x32xf32>
    tpu.vector_store %arg3[%swap3A_949, %swap3A_950], %dot_general3A_948 {strides = array<i32>} : memref<4096x128xf32, #tpu.memory_space<vmem>>, vector<128x32xf32>,
    %get3A_952 = arith.constant 0 : index
    %get3A_953 = arith.constant 15232 : index
    %get3A_954 = vector.load %arg1[%get3A_952, %get3A_953] : memref<32x16384xf32, #tpu.memory_space<vmem>>, vector<32x128xf32>
    %dot_general3A_955 = arith.constant dense<0.000000e+00> : vector<128x32xf32>
    %dot_general3A_956 = tpu.matmul %get3A_1, %get3A_954, %dot_general3A_955 {dimension_numbers = #tpu.dot_dimension_numbers<[1], [1], [0], [0], [0, 0, 1, 0], [], []>, transpose_lhs_hint = false} : vector<128x128xf32>, vector<32x128xf32>, vector<128x32xf32> -> vector<128x32xf32>
    %swap3A_957 = arith.constant 3712 : index
    %swap3A_958 = arith.constant 96 : index
    %swap3A_959 = vector.load %arg3[%swap3A_957, %swap3A_958] : memref<4096x128xf32, #tpu.memory_space<vmem>>, vector<128x32xf32>
    tpu.vector_store %arg3[%swap3A_957, %swap3A_958], %dot_general3A_956 {strides = array<i32>} : memref<4096x128xf32, #tpu.memory_space<vmem>>, vector<128x32xf32>,
    %get3A_960 = arith.constant 0 : index
    %get3A_961 = arith.constant 15360 : index
    %get3A_962 = vector.load %arg1[%get3A_960, %get3A_961] : memref<32x16384xf32, #tpu.memory_space<vmem>>, vector<32x128xf32>
    %dot_general3A_963 = arith.constant dense<0.000000e+00> : vector<128x32xf32>
    %dot_general3A_964 = tpu.matmul %get3A_1, %get3A_962, %dot_general3A_963 {dimension_numbers = #tpu.dot_dimension_numbers<[1], [1], [0], [0], [0, 0, 1, 0], [], []>, transpose_lhs_hint = false} : vector<128x128xf32>, vector<32x128xf32>, vector<128x32xf32> -> vector<128x32xf32>
    %swap3A_965 = arith.constant 3840 : index
    %swap3A_966 = arith.constant 0 : index
    %swap3A_967 = vector.load %arg3[%swap3A_965, %swap3A_966] : memref<4096x128xf32, #tpu.memory_space<vmem>>, vector<128x32xf32>
    tpu.vector_store %arg3[%swap3A_965, %swap3A_966], %dot_general3A_964 {strides = array<i32>} : memref<4096x128xf32, #tpu.memory_space<vmem>>, vector<128x32xf32>,
    %get3A_968 = arith.constant 0 : index
    %get3A_969 = arith.constant 15488 : index
    %get3A_970 = vector.load %arg1[%get3A_968, %get3A_969] : memref<32x16384xf32, #tpu.memory_space<vmem>>, vector<32x128xf32>
    %dot_general3A_971 = arith.constant dense<0.000000e+00> : vector<128x32xf32>
    %dot_general3A_972 = tpu.matmul %get3A_1, %get3A_970, %dot_general3A_971 {dimension_numbers = #tpu.dot_dimension_numbers<[1], [1], [0], [0], [0, 0, 1, 0], [], []>, transpose_lhs_hint = false} : vector<128x128xf32>, vector<32x128xf32>, vector<128x32xf32> -> vector<128x32xf32>
    %swap3A_973 = arith.constant 3840 : index
    %swap3A_974 = arith.constant 32 : index
    %swap3A_975 = vector.load %arg3[%swap3A_973, %swap3A_974] : memref<4096x128xf32, #tpu.memory_space<vmem>>, vector<128x32xf32>
    tpu.vector_store %arg3[%swap3A_973, %swap3A_974], %dot_general3A_972 {strides = array<i32>} : memref<4096x128xf32, #tpu.memory_space<vmem>>, vector<128x32xf32>,
    %get3A_976 = arith.constant 0 : index
    %get3A_977 = arith.constant 15616 : index
    %get3A_978 = vector.load %arg1[%get3A_976, %get3A_977] : memref<32x16384xf32, #tpu.memory_space<vmem>>, vector<32x128xf32>
    %dot_general3A_979 = arith.constant dense<0.000000e+00> : vector<128x32xf32>
    %dot_general3A_980 = tpu.matmul %get3A_1, %get3A_978, %dot_general3A_979 {dimension_numbers = #tpu.dot_dimension_numbers<[1], [1], [0], [0], [0, 0, 1, 0], [], []>, transpose_lhs_hint = false} : vector<128x128xf32>, vector<32x128xf32>, vector<128x32xf32> -> vector<128x32xf32>
    %swap3A_981 = arith.constant 3840 : index
    %swap3A_982 = arith.constant 64 : index
    %swap3A_983 = vector.load %arg3[%swap3A_981, %swap3A_982] : memref<4096x128xf32, #tpu.memory_space<vmem>>, vector<128x32xf32>
    tpu.vector_store %arg3[%swap3A_981, %swap3A_982], %dot_general3A_980 {strides = array<i32>} : memref<4096x128xf32, #tpu.memory_space<vmem>>, vector<128x32xf32>,
    %get3A_984 = arith.constant 0 : index
    %get3A_985 = arith.constant 15744 : index
    %get3A_986 = vector.load %arg1[%get3A_984, %get3A_985] : memref<32x16384xf32, #tpu.memory_space<vmem>>, vector<32x128xf32>
    %dot_general3A_987 = arith.constant dense<0.000000e+00> : vector<128x32xf32>
    %dot_general3A_988 = tpu.matmul %get3A_1, %get3A_986, %dot_general3A_987 {dimension_numbers = #tpu.dot_dimension_numbers<[1], [1], [0], [0], [0, 0, 1, 0], [], []>, transpose_lhs_hint = false} : vector<128x128xf32>, vector<32x128xf32>, vector<128x32xf32> -> vector<128x32xf32>
    %swap3A_989 = arith.constant 3840 : index
    %swap3A_990 = arith.constant 96 : index
    %swap3A_991 = vector.load %arg3[%swap3A_989, %swap3A_990] : memref<4096x128xf32, #tpu.memory_space<vmem>>, vector<128x32xf32>
    tpu.vector_store %arg3[%swap3A_989, %swap3A_990], %dot_general3A_988 {strides = array<i32>} : memref<4096x128xf32, #tpu.memory_space<vmem>>, vector<128x32xf32>,
    %get3A_992 = arith.constant 0 : index
    %get3A_993 = arith.constant 15872 : index
    %get3A_994 = vector.load %arg1[%get3A_992, %get3A_993] : memref<32x16384xf32, #tpu.memory_space<vmem>>, vector<32x128xf32>
    %dot_general3A_995 = arith.constant dense<0.000000e+00> : vector<128x32xf32>
    %dot_general3A_996 = tpu.matmul %get3A_1, %get3A_994, %dot_general3A_995 {dimension_numbers = #tpu.dot_dimension_numbers<[1], [1], [0], [0], [0, 0, 1, 0], [], []>, transpose_lhs_hint = false} : vector<128x128xf32>, vector<32x128xf32>, vector<128x32xf32> -> vector<128x32xf32>
    %swap3A_997 = arith.constant 3968 : index
    %swap3A_998 = arith.constant 0 : index
    %swap3A_999 = vector.load %arg3[%swap3A_997, %swap3A_998] : memref<4096x128xf32, #tpu.memory_space<vmem>>, vector<128x32xf32>
    tpu.vector_store %arg3[%swap3A_997, %swap3A_998], %dot_general3A_996 {strides = array<i32>} : memref<4096x128xf32, #tpu.memory_space<vmem>>, vector<128x32xf32>,
    %get3A_1000 = arith.constant 0 : index
    %get3A_1001 = arith.constant 16000 : index
    %get3A_1002 = vector.load %arg1[%get3A_1000, %get3A_1001] : memref<32x16384xf32, #tpu.memory_space<vmem>>, vector<32x128xf32>
    %dot_general3A_1003 = arith.constant dense<0.000000e+00> : vector<128x32xf32>
    %dot_general3A_1004 = tpu.matmul %get3A_1, %get3A_1002, %dot_general3A_1003 {dimension_numbers = #tpu.dot_dimension_numbers<[1], [1], [0], [0], [0, 0, 1, 0], [], []>, transpose_lhs_hint = false} : vector<128x128xf32>, vector<32x128xf32>, vector<128x32xf32> -> vector<128x32xf32>
    %swap3A_1005 = arith.constant 3968 : index
    %swap3A_1006 = arith.constant 32 : index
    %swap3A_1007 = vector.load %arg3[%swap3A_1005, %swap3A_1006] : memref<4096x128xf32, #tpu.memory_space<vmem>>, vector<128x32xf32>
    tpu.vector_store %arg3[%swap3A_1005, %swap3A_1006], %dot_general3A_1004 {strides = array<i32>} : memref<4096x128xf32, #tpu.memory_space<vmem>>, vector<128x32xf32>,
    %get3A_1008 = arith.constant 0 : index
    %get3A_1009 = arith.constant 16128 : index
    %get3A_1010 = vector.load %arg1[%get3A_1008, %get3A_1009] : memref<32x16384xf32, #tpu.memory_space<vmem>>, vector<32x128xf32>
    %dot_general3A_1011 = arith.constant dense<0.000000e+00> : vector<128x32xf32>
    %dot_general3A_1012 = tpu.matmul %get3A_1, %get3A_1010, %dot_general3A_1011 {dimension_numbers = #tpu.dot_dimension_numbers<[1], [1], [0], [0], [0, 0, 1, 0], [], []>, transpose_lhs_hint = false} : vector<128x128xf32>, vector<32x128xf32>, vector<128x32xf32> -> vector<128x32xf32>
    %swap3A_1013 = arith.constant 3968 : index
    %swap3A_1014 = arith.constant 64 : index
    %swap3A_1015 = vector.load %arg3[%swap3A_1013, %swap3A_1014] : memref<4096x128xf32, #tpu.memory_space<vmem>>, vector<128x32xf32>
    tpu.vector_store %arg3[%swap3A_1013, %swap3A_1014], %dot_general3A_1012 {strides = array<i32>} : memref<4096x128xf32, #tpu.memory_space<vmem>>, vector<128x32xf32>,
    %get3A_1016 = arith.constant 0 : index
    %get3A_1017 = arith.constant 16256 : index
    %get3A_1018 = vector.load %arg1[%get3A_1016, %get3A_1017] : memref<32x16384xf32, #tpu.memory_space<vmem>>, vector<32x128xf32>
    %dot_general3A_1019 = arith.constant dense<0.000000e+00> : vector<128x32xf32>
    %dot_general3A_1020 = tpu.matmul %get3A_1, %get3A_1018, %dot_general3A_1019 {dimension_numbers = #tpu.dot_dimension_numbers<[1], [1], [0], [0], [0, 0, 1, 0], [], []>, transpose_lhs_hint = false} : vector<128x128xf32>, vector<32x128xf32>, vector<128x32xf32> -> vector<128x32xf32>
    %swap3A_1021 = arith.constant 3968 : index
    %swap3A_1022 = arith.constant 96 : index
    %swap3A_1023 = vector.load %arg3[%swap3A_1021, %swap3A_1022] : memref<4096x128xf32, #tpu.memory_space<vmem>>, vector<128x32xf32>
    tpu.vector_store %arg3[%swap3A_1021, %swap3A_1022], %dot_general3A_1020 {strides = array<i32>} : memref<4096x128xf32, #tpu.memory_space<vmem>>, vector<128x32xf32>,
    return
  }
  func.func @transform_0(%arg0: i32) -> (i32, i32) {
    %c0_i32 = arith.constant 0 : i32
    %c0_i32_0 = arith.constant 0 : i32
    return %c0_i32, %arg0 : i32, i32
  }
  func.func @transform_1(%arg0: i32) -> (i32, i32) {
    %c0_i32 = arith.constant 0 : i32
    %c0_i32_0 = arith.constant 0 : i32
    %c0_i32_1 = arith.constant 0 : i32
    return %c0_i32, %c0_i32_0 : i32, i32
  }
  func.func @transform_2(%arg0: i32) -> (i32, i32) {
    %c0_i32 = arith.constant 0 : i32
    %c0_i32_0 = arith.constant 0 : i32
    return %arg0, %c0_i32 : i32, i32
  }
}

module attributes {stable_mosaic.version = 14 : i64} {
  func.func @_mlp_body(%arg0: i32, %arg1: memref<1024x128xf32, #tpu.memory_space<vmem>>, %arg2: memref<128x512xf32, #tpu.memory_space<vmem>>, %arg3: memref<1x512xf32, #tpu.memory_space<vmem>>, %arg4: memref<512x256xf32, #tpu.memory_space<vmem>>, %arg5: memref<1x256xf32, #tpu.memory_space<vmem>>, %arg6: memref<256x128xf32, #tpu.memory_space<vmem>>, %arg7: memref<1x128xf32, #tpu.memory_space<vmem>>, %arg8: memref<1024x128xf32, #tpu.memory_space<vmem>>) attributes {dimension_semantics = [#tpu.dimension_semantics<arbitrary>], iteration_bounds = array<i64: 4>, scalar_prefetch = 0 : i64, scratch_operands = 0 : i64, tpu.core_type = #tpu.core_type<tc>, window_params = [{transform_indices = @transform_0, window_bounds = array<i64: 1024, 128>}, {pipeline_mode = #tpu.pipeline_mode<synchronous>, transform_indices = @transform_1, window_bounds = array<i64: 128, 512>}, {pipeline_mode = #tpu.pipeline_mode<synchronous>, transform_indices = @transform_2, window_bounds = array<i64: 1, 512>}, {pipeline_mode = #tpu.pipeline_mode<synchronous>, transform_indices = @transform_3, window_bounds = array<i64: 512, 256>}, {pipeline_mode = #tpu.pipeline_mode<synchronous>, transform_indices = @transform_4, window_bounds = array<i64: 1, 256>}, {pipeline_mode = #tpu.pipeline_mode<synchronous>, transform_indices = @transform_5, window_bounds = array<i64: 256, 128>}, {pipeline_mode = #tpu.pipeline_mode<synchronous>, transform_indices = @transform_6, window_bounds = array<i64: 1, 128>}, {transform_indices = @transform_7, window_bounds = array<i64: 1024, 128>}]} {
    %get3A = arith.constant 0 : index
    %get3A_0 = arith.constant 0 : index
    %get3A_1 = vector.load %arg1[%get3A, %get3A_0] : memref<1024x128xf32, #tpu.memory_space<vmem>>, vector<1024x128xf32>
    %get3A_2 = arith.constant 0 : index
    %get3A_3 = arith.constant 0 : index
    %get3A_4 = vector.load %arg2[%get3A_2, %get3A_3] : memref<128x512xf32, #tpu.memory_space<vmem>>, vector<128x512xf32>
    %dot_general3A = arith.constant dense<0.000000e+00> : vector<1024x512xf32>
    %dot_general3A_5 = tpu.matmul %get3A_1, %get3A_4, %dot_general3A {dimension_numbers = #tpu.dot_dimension_numbers<[1], [0], [0], [1], [0, 0, 1, 1], [], []>, transpose_lhs_hint = false} : vector<1024x128xf32>, vector<128x512xf32>, vector<1024x512xf32> -> vector<1024x512xf32>
    %get3A_6 = arith.constant 0 : index
    %get3A_7 = arith.constant 0 : index
    %get3A_8 = vector.load %arg3[%get3A_6, %get3A_7] : memref<1x512xf32, #tpu.memory_space<vmem>>, vector<1x512xf32>
    %add3A = vector.broadcast %get3A_8 : vector<1x512xf32> to vector<1024x512xf32>
    %add3A_9 = arith.addf %dot_general3A_5, %add3A : vector<1024x512xf32>
    %max3A = arith.constant 0.000000e+00 : f32
    %max3A_10 = vector.broadcast %max3A : f32 to vector<1024x512xf32>
    %max3A_11 = arith.maximumf %add3A_9, %max3A_10 : vector<1024x512xf32>
    %get3A_12 = arith.constant 0 : index
    %get3A_13 = arith.constant 0 : index
    %get3A_14 = vector.load %arg4[%get3A_12, %get3A_13] : memref<512x256xf32, #tpu.memory_space<vmem>>, vector<512x256xf32>
    %dot_general3A_15 = arith.constant dense<0.000000e+00> : vector<1024x256xf32>
    %dot_general3A_16 = tpu.matmul %max3A_11, %get3A_14, %dot_general3A_15 {dimension_numbers = #tpu.dot_dimension_numbers<[1], [0], [0], [1], [0, 0, 1, 1], [], []>, transpose_lhs_hint = false} : vector<1024x512xf32>, vector<512x256xf32>, vector<1024x256xf32> -> vector<1024x256xf32>
    %get3A_17 = arith.constant 0 : index
    %get3A_18 = arith.constant 0 : index
    %get3A_19 = vector.load %arg5[%get3A_17, %get3A_18] : memref<1x256xf32, #tpu.memory_space<vmem>>, vector<1x256xf32>
    %add3A_20 = vector.broadcast %get3A_19 : vector<1x256xf32> to vector<1024x256xf32>
    %add3A_21 = arith.addf %dot_general3A_16, %add3A_20 : vector<1024x256xf32>
    %max3A_22 = arith.constant 0.000000e+00 : f32
    %max3A_23 = vector.broadcast %max3A_22 : f32 to vector<1024x256xf32>
    %max3A_24 = arith.maximumf %add3A_21, %max3A_23 : vector<1024x256xf32>
    %get3A_25 = arith.constant 0 : index
    %get3A_26 = arith.constant 0 : index
    %get3A_27 = vector.load %arg6[%get3A_25, %get3A_26] : memref<256x128xf32, #tpu.memory_space<vmem>>, vector<256x128xf32>
    %dot_general3A_28 = arith.constant dense<0.000000e+00> : vector<1024x128xf32>
    %dot_general3A_29 = tpu.matmul %max3A_24, %get3A_27, %dot_general3A_28 {dimension_numbers = #tpu.dot_dimension_numbers<[1], [0], [0], [1], [0, 0, 1, 1], [], []>, transpose_lhs_hint = false} : vector<1024x256xf32>, vector<256x128xf32>, vector<1024x128xf32> -> vector<1024x128xf32>
    %get3A_30 = arith.constant 0 : index
    %get3A_31 = arith.constant 0 : index
    %get3A_32 = vector.load %arg7[%get3A_30, %get3A_31] : memref<1x128xf32, #tpu.memory_space<vmem>>, vector<1x128xf32>
    %add3A_33 = vector.broadcast %get3A_32 : vector<1x128xf32> to vector<1024x128xf32>
    %add3A_34 = arith.addf %dot_general3A_29, %add3A_33 : vector<1024x128xf32>
    %swap3A = arith.constant 0 : index
    %swap3A_35 = arith.constant 0 : index
    %swap3A_36 = vector.load %arg8[%swap3A, %swap3A_35] : memref<1024x128xf32, #tpu.memory_space<vmem>>, vector<1024x128xf32>
    tpu.vector_store %arg8[%swap3A, %swap3A_35], %add3A_34 {strides = array<i32>} : memref<1024x128xf32, #tpu.memory_space<vmem>>, vector<1024x128xf32>,
    return
  }
  func.func @transform_0(%arg0: i32) -> (i32, i32) {
    %c0_i32 = arith.constant 0 : i32
    %c0_i32_0 = arith.constant 0 : i32
    return %arg0, %c0_i32 : i32, i32
  }
  func.func @transform_1(%arg0: i32) -> (i32, i32) {
    %c0_i32 = arith.constant 0 : i32
    %c0_i32_0 = arith.constant 0 : i32
    %c0_i32_1 = arith.constant 0 : i32
    return %c0_i32, %c0_i32_0 : i32, i32
  }
  func.func @transform_2(%arg0: i32) -> (i32, i32) {
    %c0_i32 = arith.constant 0 : i32
    %c0_i32_0 = arith.constant 0 : i32
    %c0_i32_1 = arith.constant 0 : i32
    return %c0_i32, %c0_i32_0 : i32, i32
  }
  func.func @transform_3(%arg0: i32) -> (i32, i32) {
    %c0_i32 = arith.constant 0 : i32
    %c0_i32_0 = arith.constant 0 : i32
    %c0_i32_1 = arith.constant 0 : i32
    return %c0_i32, %c0_i32_0 : i32, i32
  }
  func.func @transform_4(%arg0: i32) -> (i32, i32) {
    %c0_i32 = arith.constant 0 : i32
    %c0_i32_0 = arith.constant 0 : i32
    %c0_i32_1 = arith.constant 0 : i32
    return %c0_i32, %c0_i32_0 : i32, i32
  }
  func.func @transform_5(%arg0: i32) -> (i32, i32) {
    %c0_i32 = arith.constant 0 : i32
    %c0_i32_0 = arith.constant 0 : i32
    %c0_i32_1 = arith.constant 0 : i32
    return %c0_i32, %c0_i32_0 : i32, i32
  }
  func.func @transform_6(%arg0: i32) -> (i32, i32) {
    %c0_i32 = arith.constant 0 : i32
    %c0_i32_0 = arith.constant 0 : i32
    %c0_i32_1 = arith.constant 0 : i32
    return %c0_i32, %c0_i32_0 : i32, i32
  }
  func.func @transform_7(%arg0: i32) -> (i32, i32) {
    %c0_i32 = arith.constant 0 : i32
    %c0_i32_0 = arith.constant 0 : i32
    return %arg0, %c0_i32 : i32, i32
  }
}

</mosaic_0001>

<sc_bundles>
// kernel: kernel.5.cloned.1.call-start
scs
__scs_entry_jumppad:
0x0: {  	(pc) =	sbr.rel $0x88, $3  }
0x1: {  	(tag) =	ssettag $0x0;
	lr =	simm.s32 $0x1  }
0x2: {  	[smem:$0x3F99] =	sst lr;
	_ =	strace $0xD0000000  }
0x3: {  	_ = 	snop  }
0x4: {  	_ = 	snop  }
0x5: {  	_ = 	snop  }
0x6: {  	_ = 	snop  }
0x7: {  	_ = 	snop  }
__scs_overlays_trampoline_lowered:
0x8: {  	[smem:$0x3FA8] =	sst s0  }
0x9: {  	[smem:$0x3FA9] =	sst s1  }
0xa: {  	[smem:$0x3FAA] =	sst s2  }
0xb: {  	[smem:$0x3FAB] =	sst s3  }
0xc: {  	[smem:$0x3FAC] =	sst s4  }
0xd: {  	[smem:$0x3FAD] =	sst s5  }
0xe: {  	[smem:$0x3FAE] =	sst s6  }
0xf: {  	[smem:$0x3FAF] =	sst s7  }
0x10: {  	[smem:$0x3FB0] =	sst s8  }
0x11: {  	[smem:$0x3FB1] =	sst s9;
	s0 =	simm.s32 @!p0 $0x0  }
0x12: {  	s1 =	sld [smem:$0x3F97];
	s0 =	simm.s32 @p0 $0x1  }
0x13: {  	[smem:$0x3FB2] =	sst s0;
	s0 =	simm.s32 @!p1 $0x0  }
0x14: {  	s2 =	sld [smem:$0x3F96];
	s0 =	simm.s32 @p1 $0x1  }
0x15: {  	[smem:$0x3FB3] =	sst s0;
	s0 =	simm.s32 @!p2 $0x0  }
0x16: {  	s3 =	sld [smem:$0x3FDB];
	s0 =	simm.s32 @p2 $0x1  }
0x17: {  	s4 =	simm.s32 $0x1BF5;
	[smem:$0x3FB5] =	sst s0  }
0x18: {  	s0 =	sld [smem:$0x3F98];
	_ =	swait.ge [sflag:s4], $0x0  }
0x19: {  	s7 =	sld [smem:$0x3F99]  }
0x1a: {  	s8 =	sadd.s32 $0xFFFFE003, lr  }
0x1b: {  	s9 =	sadd.s32 $0xFFFFFEF7, lr;
	s5 =	simm.s32 $0xFFFFFFFF;
	p2 =	slt.u32 s8, $0xFFFFF086  }
0x1c: {  	p1 =	slt.u32 s9, $0xF7A;
	s5 =	simm.s32 @!p2 $0x0  }
0x1d: {  	s5 =	simm.s32 @p1 $0x1;
	p0 =	seq.s32 s7, s2  }
0x1e: {  	s7 =	smul.u32 @!p0 $0xF7A, s2;
	p2 =	seq.s32 @!p0 s5, $0x0  }
0x1f: {  	s9 =	smul.u32 $0xF7A, s1;
	s8 =	simm.s32 @!p0 $0x1BF5;
	p2 =	por !p2, p0  }
0x20: {  	[sflag:s8] =	ssyncset.s32 @!p0 $0xFFFFF086;
	s6 =	sadd.s32 @!p0 s3, s7;
	s7 =	simm.s32 @!p0 $0x108  }
0x21: {  	s3 =	sadd.s32 s3, s9;
	s6 =	sadd.s32 @!p0 $0x88, s6;
	s7 =	simm.s32 @p2 $0x1082  }
0x22: {  	[simem:s7], [sflag:s8] =	dma.local @!p0 [hbm:s6], $0xF7A  }
0x23: {  	s9 =	sor.u32 $0xD0000000, s2;
	s6 =	simm.s32 $0x108;
	_ =	swait.ge @!p0 [sflag:s8], $0x0  }
0x24: {  	s3 =	sadd.s32 $0x88, s3;
	s6 =	simm.s32 @!p1 $0x1082;
	[sflag:s4] =	ssyncset.s32 $0xFFFFF086  }
0x25: {  	[simem:s6], [sflag:s4] =	dma.local [hbm:s3], $0xF7A  }
0x26: {  	[smem:$0x3F99] =	sst s1;
	(tag) =	ssettag s2;
	_ =	strace s9  }
0x27: {  	s1 =	sld [smem:$0x3FA9]  }
0x28: {  	s2 =	sld [smem:$0x3FAA]  }
0x29: {  	s4 =	sld [smem:$0x3FAC]  }
0x2a: {  	p0 =	seq.s32 s5, $0x0;
	s5 =	sld [smem:$0x3FAD]  }
0x2b: {  	s6 =	sld [smem:$0x3FAE]  }
0x2c: {  	s7 =	sld [smem:$0x3FAF]  }
0x2d: {  	s3 =	simm.s32 $0x108;
	s8 =	sld [smem:$0x3FB0]  }
0x2e: {  	s3 =	simm.s32 @!p0 $0x1082;
	s9 =	sld [smem:$0x3FB1]  }
0x2f: {  	lr =	sadd.s32 s0, s3;
	s0 =	sld [smem:$0x3FA8]  }
0x30: {  	s3 =	sld [smem:$0x3FAB]  }
0x31: {  	[smem:$0x3FB4] =	sst s10  }
0x32: {  	s10 =	sld [smem:$0x3FB2];
	_ =	sdelay $0x3  }
0x33: {  	p0 =	seq.s32 s10, $0x1;
	s10 =	sld [smem:$0x3FB4];
	_ =	sdelay $0x3  }
0x34: {  	[smem:$0x3FB4] =	sst s10  }
0x35: {  	s10 =	sld [smem:$0x3FB3];
	_ =	sdelay $0x3  }
0x36: {  	p1 =	seq.s32 s10, $0x1;
	s10 =	sld [smem:$0x3FB4];
	_ =	sdelay $0x3  }
0x37: {  	[smem:$0x3FB4] =	sst s10  }
0x38: {  	s10 =	sld [smem:$0x3FB5]  }
0x39: {  	_ = 	snop;
	(pc) =	sbr.ind lr, $3  }
0x3a: {  	_ = 	snop  }
0x3b: {  	_ = 	snop  }
0x3c: {  	p2 =	seq.s32 s10, $0x1;
	s10 =	sld [smem:$0x3FB4]  }
0x3d: {  	_ =	shalt  }
0x3e: {  	_ =	shalt  }
0x3f: {  	_ =	shalt  }
0x40: {  	_ =	shalt  }
0x41: {  	_ =	shalt  }
0x42: {  	_ =	shalt  }
0x43: {  	_ =	shalt  }
0x44: {  	_ =	shalt  }
0x45: {  	_ =	shalt  }
0x46: {  	_ =	shalt  }
0x47: {  	_ =	shalt  }
0x48: {  	_ =	shalt  }
0x49: {  	_ =	shalt  }
0x4a: {  	_ =	shalt  }
0x4b: {  	_ =	shalt  }
0x4c: {  	_ =	shalt  }
0x4d: {  	_ =	shalt  }
0x4e: {  	_ =	shalt  }
0x4f: {  	_ =	shalt  }
0x50: {  	_ =	shalt  }
0x51: {  	_ =	shalt  }
0x52: {  	_ =	shalt  }
0x53: {  	_ =	shalt  }
0x54: {  	_ =	shalt  }
0x55: {  	_ =	shalt  }
0x56: {  	_ =	shalt  }
0x57: {  	_ =	shalt  }
0x58: {  	_ =	shalt  }
0x59: {  	_ =	shalt  }
0x5a: {  	_ =	shalt  }
0x5b: {  	_ =	shalt  }
0x5c: {  	_ =	shalt  }
0x5d: {  	_ =	shalt  }
0x5e: {  	_ =	shalt  }
0x5f: {  	_ =	shalt  }
0x60: {  	_ =	shalt  }
0x61: {  	_ =	shalt  }
0x62: {  	_ =	shalt  }
0x63: {  	_ =	shalt  }
0x64: {  	_ =	shalt  }
0x65: {  	_ =	shalt  }
0x66: {  	_ =	shalt  }
0x67: {  	_ =	shalt  }
0x68: {  	_ =	shalt  }
0x69: {  	_ =	shalt  }
0x6a: {  	_ =	shalt  }
0x6b: {  	_ =	shalt  }
0x6c: {  	_ =	shalt  }
0x6d: {  	_ =	shalt  }
0x6e: {  	_ =	shalt  }
0x6f: {  	_ =	shalt  }
0x70: {  	_ =	shalt  }
0x71: {  	_ =	shalt  }
0x72: {  	_ =	shalt  }
0x73: {  	_ =	shalt  }
0x74: {  	_ =	shalt  }
0x75: {  	_ =	shalt  }
0x76: {  	_ =	shalt  }
0x77: {  	_ =	shalt  }
0x78: {  	_ =	shalt  }
0x79: {  	_ =	shalt  }
0x7a: {  	_ =	shalt  }
0x7b: {  	_ =	shalt  }
0x7c: {  	_ =	shalt  }
0x7d: {  	_ =	shalt  }
0x7e: {  	_ =	shalt  }
0x7f: {  	_ =	shalt  }
0x80: {  	_ =	shalt  }
0x81: {  	_ =	shalt  }
0x82: {  	_ =	shalt  }
0x83: {  	_ =	shalt  }
0x84: {  	_ =	shalt  }
0x85: {  	_ =	shalt  }
0x86: {  	_ =	shalt  }
0x87: {  	_ =	shalt  }
.Lfunc_end0:
.L_simem_size_0:
called_computation_lowered:
.L_overlay_start_0:
0x88: {  	s2 =	sld [smem:$0x3FD9]  }
0x89: {  	s3 =	sld [smem:$0x3FFE];
	_ =	sdelay $0x1  }
0x8a: {  	s1 =	srdreg.scid  }
0x8b: {  	s0 =	sand.u32 $0x1, s1  }
0x8c: {  	s17 =	sshll.u32 s0, $0xA;
	s2 =	sadd.s32 s3, s2  }
0x8d: {  	s2 =	sadd.s32 s2, s17  }
0x8e: {  	[smem:$0x3FC0] =	sst s2  }
0x8f: {  	_ = 	snop  }
0x90: {  	s2 =	sld [smem:$0x3FC9]  }
0x91: {  	s18 =	sld [smem:$0x3FD0];
	(tm) =	ssettm $0x1  }
0x92: {  	s4 =	sld [smem:$0x3FFB];
	_ =	sdelay $0x3  }
0x93: {  	_ =	strace s4  }
0x94: {  	s4 =	sld [smem:$0x3FFC];
	_ =	sdelay $0x3  }
0x95: {  	_ =	strace s4  }
0x96: {  	s4 =	sld [smem:$0x3FFD];
	_ =	sdelay $0x3  }
0x97: {  	_ =	strace s4  }
0x98: {  	_ =	strace $0x8FFFFFFF  }
0x99: {  	s19 =	sld [smem:$0x3FDB];
	_ =	sdelay $0x1  }
0x9a: {  	s5 =	simm.s32 $_scs_section_size  }
0x9b: {  	s6 =	simm.s32 $_size__tile_overlayer_lowered;
	s7 =	simm.s32 $_tile_overlayer_lowered  }
0x9c: {  	s22 =	simm.s32 $0x1BFF;
	s21 =	sshll.u32 s7, $0x1;
	s4 =	sadd.s32 s5, s19  }
0x9d: {  	s8 =	simm.s32 $0x0;
	s20 =	sshll.u32 s6, $0x1;
	s6 =	sadd.s32 s21, s4  }
0x9e: {  	[timem:s8], [sflag:s22] =	dma.local [hbm:s6], s20  }
0x9f: {  	_ =	swait.ge [sflag:s22], s20  }
0xa0: {  	s5 =	ssub.s32 $0x0, s20;
	[sflag:s22] =	ssyncset.done $0x0  }
0xa1: {  	[sflag:s22] =	ssyncadd.s32 s5;
	_ =	sdelay $0x1  }
0xa2: {  	s23 =	simm.s32 $0x1B8B  }
0xa3: {  	_ =	swait.ge [sflag:s23], $0x1  }
0xa4: {  	[sflag:s23] =	ssyncset.done $0x0  }
0xa5: {  	s25 =	simm.s32 $0x1B8E;
	s24 =	sld [smem:$0x3FFE];
	[sflag:s23] =	ssyncadd.s32 $0xFFFFFFFF  }
0xa6: {  	s26 =	simm.s32 $execute0_lowered;
	[smem:$0x3FD2] =	sst s25  }
0xa7: {  	s6 =	sshll.u32 s26, $0x1;
	_ =	strace $0x80000046;
	[dreg:$0x1] =	wrdreg $0xFFFFFFFF  }
0xa8: {  	s28 =	simm.s32 $_size_execute0_lowered;
	s4 =	sadd.s32 s4, s6;
	[dreg:$0x0] =	wrdreg $0x0  }
0xa9: {  	s6 =	sshll.u32 s28, $0x1;
	[dreg:$0x2] =	wrdreg s4  }
0xaa: {  	[dreg:$0x3] =	wrdreg s6  }
0xab: {  	[dreg:$0x4] =	wrdreg $0xC0  }
0xac: {  	_ =	task [dreg:s8], $0x5FFFF  }
0xad: {  	[dreg:$0x1] =	wrdreg $0xFFFFFFFF  }
0xae: {  	[dreg:$0x0] =	wrdreg $0x60  }
0xaf: {  	[dreg:$0x2] =	wrdreg s24  }
0xb0: {  	[dreg:$0x3] =	wrdreg s2  }
0xb1: {  	[dreg:$0x4] =	wrdreg s18  }
0xb2: {  	[dreg:$0x5] =	wrdreg $0x9  }
0xb3: {  	_ =	task.clear_ibuf [dreg:s8], $0x6FFFF;
	_ =	strace $0x90000046  }
0xb4: {  	s29 =	simm.s32 $0x9;
	_ =	strace $0x80000048  }
0xb5: {  	_ =	swait.ge [sflag:s29], $0x1  }
0xb6: {  	[sflag:s29] =	ssyncadd.s32 $0xFFFFFFFF  }
0xb7: {  	_ =	strace $0x90000048  }
0xb8: {  	_ =	sfence  }
0xb9: {  	s30 =	sld [smem:$0x0];
	_ =	sdelay $0x2  }
0xba: {  	s31 =	sshll.u32 s1, $0xD;
	s1 =	sshrl.u32 s1, $0x2  }
0xbb: {  	s3 =	sand.u32 $0x4000, s31;
	s1 =	sadd.s32 s1, s30  }
0xbc: {  	s0 =	sor.u32 s3, s0;
	s1 =	sshll.u32 s1, $0x11  }
0xbd: {  	s0 =	sor.u32 s1, s0  }
0xbe: {  	s0 =	sadd.s32 $0x8F2B, s0  }
0xbf: {  	[sflag:s0] =	ssyncadd.remote.s32 $0x1  }
0xc0: {  	_ =	sfence.sel $0xFFFF  }
0xc1: {  	[dreg:$0x0] =	wrdreg $0xFFFFFFFF;
	(pc) =	sbr.abs _section_cstart, $3  }
0xc2: {  	[dreg:$0x1] =	wrdreg $0xFFFFFFFF  }
0xc3: {  	_ =	task.clear_ibuf [dreg:s8], $0x2FFFF;
	_ =	strace $0x9FFFFFFF  }
0xc4: {  	(tm) =	ssettm $0x7FFFFFFF  }
0xc5: {  	_ =	shalt  }
tec
execute0_lowered:
.L_overlay_start_1:
0x0: {  	(tag) =	ssettag $0x1  }
0x1: {  	s3 =	rddreg [dreg:$0x0]  }
0x2: {  	s4 =	rddreg [dreg:$0x1]  }
0x3: {  	s5 =	rddreg [dreg:$0x2]  }
0x4: {  	s0 =	rddreg [dreg:$0x3]  }
0x5: {  	s2 =	simm.s32 $0x0;
	s6 =	srdreg.scid;
	s1 =	stileid.u32  }
0x6: {  	[smem:$0x7FF] =	sst s2;
	s6 =	sand.u32 $0x1, s6;
	s8 =	sshll.u32 s1, $0xA  }
0x7: {  	s3 =	sadd.s32 $0x1400, s3;
	s7 =	ssub.s32 $0x2, s6;
	s6 =	sshll.u32 s6, $0x9  }
0x8: {  	_ =	strace $0x80000047;
	s9 =	sshrl.u32 s7, $0x1;
	s6 =	sor.u32 s6, s8  }
0x9: {  	s7 =	ssub.s32 s7, s9;
	s8 =	sshrl.u32 s6, $0x3;
	s6 =	sshll.u32 s6, $0x2  }
0xa: {  	s9 =	simm.s32 $0x1;
	s4 =	sadd.s32 s4, s8;
	s5 =	sadd.s32 s5, s6  }
0xb: {  	s6 =	smax.u32 s7, $0x1;
	s7 =	simm.s32 $0x2;
	s8 =	simm.s32 $0x200  }
.LBB2_1:
0xc: {  	[tilespmem:s2], [sflag:$0x2] =	stream.linear.gather [hbm4b:s4+s2], $0x200, $0x38;
	[tilespmem:$0x4200] =	vst v63  }
0xd: {  	_ =	swait.ge [sflag:s7], $0x200  }
0xe: {  	[sflag:s7] =	ssyncset.done $0x0  }
0xf: {  	[sflag:s7] =	ssyncadd.s32 $0xFFFFFE00  }
0x10: {  	v0 =	vld [tilespmem:$0x0]  }
0x11: {  	v1 =	vld [tilespmem:$0x10]  }
0x12: {  	v2 =	vld [tilespmem:$0x20]  }
0x13: {  	v5 =	vld [tilespmem:$0x30]  }
0x14: {  	v6 =	vld [tilespmem:$0x40]  }
0x15: {  	v8 =	vld [tilespmem:$0x50]  }
0x16: {  	v51 =	vld [tilespmem:$0x60]  }
0x17: {  	v9 =	vld [tilespmem:$0x70];
	v3 =	vshll.u32 v0, $0x2  }
0x18: {  	v55 =	vld [tilespmem:$0x80];
	v4 =	vand.u32 $0xFFFFFE00, v0;
	v0 =	vshrl.u32 v0, $0x7;
	v43 =	vshll.u32 v1, $0x2  }
0x19: {  	v11 =	vld [tilespmem:$0x90];
	v44 =	vand.u32 $0xFFFFFE00, v1;
	v1 =	vshrl.u32 v1, $0x7;
	v45 =	vshll.u32 v2, $0x2  }
0x1a: {  	v12 =	vld [tilespmem:$0xA0];
	v7 =	vand.u32 $0xFFFFFE00, v2;
	v2 =	vshrl.u32 v2, $0x7;
	v47 =	vshll.u32 v5, $0x2  }
0x1b: {  	v62 =	vld [tilespmem:$0xB0];
	v48 =	vand.u32 $0xFFFFFE00, v5;
	v5 =	vshrl.u32 v5, $0x7;
	v50 =	vshll.u32 v6, $0x2  }
0x1c: {  	v14 =	vld [tilespmem:$0xC0];
	v52 =	vand.u32 $0xFFFFFE00, v6;
	v53 =	vshrl.u32 v6, $0x7;
	v54 =	vshll.u32 v8, $0x2  }
0x1d: {  	v22 =	vld [tilespmem:$0xE0];
	v10 =	vand.u32 $0xFFFFFE00, v8;
	v8 =	vshrl.u32 v8, $0x7;
	v56 =	vshll.u32 v51, $0x2  }
0x1e: {  	v30 =	vld [tilespmem:$0x110];
	v57 =	vand.u32 $0xFFFFFE00, v51;
	v58 =	vshll.u32 v9, $0x2;
	v59 =	vand.u32 $0xFFFFFE00, v9  }
0x1f: {  	v60 =	vshrl.u32 v9, $0x7;
	v61 =	vshll.u32 v55, $0x2;
	v13 =	vand.u32 $0xFFFFFE00, v55  }
0x20: {  	v15 =	vshll.u32 v11, $0x2;
	v16 =	vand.u32 $0xFFFFFE00, v11;
	v11 =	vshrl.u32 v11, $0x7  }
0x21: {  	v18 =	vshll.u32 v12, $0x2;
	v19 =	vand.u32 $0xFFFFFE00, v12;
	v20 =	vshrl.u32 v12, $0x7  }
0x22: {  	v21 =	vshll.u32 v62, $0x2;
	v23 =	vshll.u32 v14, $0x2;
	v24 =	vand.u32 $0xFFFFFE00, v14  }
0x23: {  	v14 =	vshrl.u32 v14, $0x7;
	v29 =	vshll.u32 v22, $0x2;
	v37 =	vshll.u32 v30, $0x2  }
0x24: {  	v3 =	vand.u32 $0x1FC, v3;
	v0 =	vand.u32 $0x3, v0;
	v1 =	vand.u32 $0x3, v1  }
0x25: {  	v46 =	vand.u32 $0x3, v2;
	v49 =	vand.u32 $0x3, v5;
	v5 =	vand.u32 $0x1FC, v50  }
0x26: {  	v6 =	vand.u32 $0x1FC, v54;
	v8 =	vand.u32 $0x3, v8;
	v9 =	vand.u32 $0x1FC, v61  }
0x27: {  	v17 =	vand.u32 $0x3, v11;
	v11 =	vand.u32 $0x1FC, v18;
	v12 =	vand.u32 $0x1FC, v21  }
0x28: {  	v25 =	vand.u32 $0x3, v14;
	v3 =	vor.u32 v4, v3;
	v4 =	vand.u32 $0x1FC, v43  }
0x29: {  	v6 =	vor.u32 v10, v6;
	v10 =	vshrl.u32 v55, $0x7;
	v9 =	vor.u32 v13, v9  }
0x2a: {  	v38 =	vld [tilespmem:$0x140];
	v13 =	vshrl.u32 v62, $0x7;
	v0 =	vor.u32 v0, v3;
	v3 =	vor.u32 v44, v4  }
0x2b: {  	v4 =	vand.u32 $0x1FC, v45;
	v10 =	vand.u32 $0x3, v10;
	v13 =	vand.u32 $0x3, v13  }
0x2c: {  	v4 =	vor.u32 v7, v4;
	v2 =	vor.u32 v1, v3;
	v3 =	vand.u32 $0x1FC, v47  }
0x2d: {  	v7 =	vshrl.u32 v51, $0x7;
	v63 =	vor.u32 v10, v9;
	v9 =	vand.u32 $0x1FC, v15  }
0x2e: {  	v10 =	vor.u32 v19, v11;
	v11 =	vand.u32 $0x3, v20;
	v19 =	vand.u32 $0xFFFFFE00, v22  }
0x2f: {  	v51 =	vand.u32 $0xFFFFFE00, v38;
	v1 =	vor.u32 v46, v4;
	v3 =	vor.u32 v48, v3  }
0x30: {  	v18 =	vld [tilespmem:$0x100];
	v4 =	vor.u32 v52, v5;
	v5 =	vand.u32 $0x3, v53;
	v7 =	vand.u32 $0x3, v7  }
0x31: {  	v21 =	vld [tilespmem:$0x130];
	v9 =	vor.u32 v16, v9;
	v16 =	vand.u32 $0xFFFFFE00, v62;
	v10 =	vor.u32 v11, v10  }
0x32: {  	v52 =	vshrl.u32 v38, $0x7;
	v3 =	vor.u32 v49, v3;
	v4 =	vor.u32 v5, v4  }
0x33: {  	v50 =	vld [tilespmem:$0x160];
	v5 =	vor.u32 v8, v6;
	v6 =	vand.u32 $0x1FC, v56;
	v8 =	vand.u32 $0x1FC, v58  }
0x34: {  	v9 =	vor.u32 v17, v9;
	v12 =	vor.u32 v16, v12;
	v16 =	vshrl.u32 v22, $0x7  }
0x35: {  	v34 =	vshll.u32 v18, $0x2;
	v35 =	vand.u32 $0xFFFFFE00, v18;
	v36 =	vshrl.u32 v18, $0x7  }
0x36: {  	v55 =	vld [tilespmem:$0x170];
	v22 =	vand.u32 $0xFFFFFE00, v30;
	v18 =	vand.u32 $0x1FC, v37;
	v43 =	vshll.u32 v21, $0x2  }
0x37: {  	v45 =	vand.u32 $0xFFFFFE00, v21;
	v48 =	vshrl.u32 v21, $0x7;
	v49 =	vshll.u32 v38, $0x2  }
0x38: {  	[tilespmem:$0x80] =	vst v63;
	v54 =	vand.u32 $0x3, v52;
	v62 =	vand.u32 $0xFFFFFE00, v50;
	v63 =	vshrl.u32 v50, $0x7  }
0x39: {  	v15 =	vld [tilespmem:$0xD0];
	v6 =	vor.u32 v57, v6;
	v11 =	vor.u32 v13, v12;
	v12 =	vand.u32 $0x1FC, v23  }
0x3a: {  	v20 =	vld [tilespmem:$0x120];
	v16 =	vand.u32 $0x3, v16;
	v18 =	vor.u32 v22, v18;
	v46 =	vand.u32 $0x1FC, v43  }
0x3b: {  	v53 =	vand.u32 $0x3, v48;
	v22 =	vand.u32 $0xFFFFFE00, v55;
	v6 =	vor.u32 v7, v6  }
0x3c: {  	v61 =	vld [tilespmem:$0x180];
	v7 =	vor.u32 v59, v8;
	v8 =	vand.u32 $0x3, v60;
	v12 =	vor.u32 v24, v12  }
0x3d: {  	v47 =	vor.u32 v45, v46;
	v60 =	vshll.u32 v50, $0x2;
	v7 =	vor.u32 v8, v7  }
0x3e: {  	v26 =	vshll.u32 v15, $0x2;
	v12 =	vor.u32 v25, v12;
	v27 =	vand.u32 $0xFFFFFE00, v15  }
0x3f: {  	[tilespmem:$0x10] =	vst v2;
	v28 =	vshrl.u32 v15, $0x7;
	v15 =	vand.u32 $0x1FC, v29;
	v40 =	vshll.u32 v20, $0x2  }
0x40: {  	v17 =	vld [tilespmem:$0xF0];
	[tilespmem:$0x50] =	vst v5;
	v41 =	vand.u32 $0xFFFFFE00, v20;
	v20 =	vshrl.u32 v20, $0x7;
	v2 =	vor.u32 v53, v47  }
0x41: {  	[tilespmem:$0x60] =	vst v6;
	v5 =	vand.u32 $0x1FC, v60;
	v6 =	vshrl.u32 v61, $0x7;
	v14 =	vand.u32 $0x1FC, v26  }
0x42: {  	v21 =	vld [tilespmem:$0x190];
	v15 =	vor.u32 v19, v15;
	v19 =	vshrl.u32 v30, $0x7;
	v42 =	vand.u32 $0x3, v20  }
0x43: {  	[tilespmem:$0x40] =	vst v4;
	v4 =	vor.u32 v62, v5;
	v20 =	vshll.u32 v55, $0x2;
	v5 =	vand.u32 $0x3, v63  }
0x44: {  	v6 =	vand.u32 $0x3, v6;
	v13 =	vor.u32 v27, v14;
	v14 =	vand.u32 $0x3, v28  }
0x45: {  	v31 =	vshll.u32 v17, $0x2;
	v32 =	vand.u32 $0xFFFFFE00, v17;
	v17 =	vshrl.u32 v17, $0x7  }
0x46: {  	v23 =	vld [tilespmem:$0x150];
	[tilespmem:$0x70] =	vst v7;
	v19 =	vand.u32 $0x3, v19;
	v7 =	vand.u32 $0x1FC, v20;
	v4 =	vor.u32 v5, v4  }
0x47: {  	v27 =	vshll.u32 v61, $0x2;
	v28 =	vand.u32 $0xFFFFFE00, v61;
	v29 =	vshll.u32 v21, $0x2  }
0x48: {  	v8 =	vshrl.u32 v21, $0x7;
	v13 =	vor.u32 v14, v13;
	v14 =	vor.u32 v16, v15  }
0x49: {  	v15 =	vand.u32 $0x1FC, v31;
	v33 =	vand.u32 $0x3, v17;
	v17 =	vand.u32 $0x1FC, v34  }
0x4a: {  	[tilespmem:$0x0] =	vst v0;
	v39 =	vor.u32 v19, v18;
	v18 =	vand.u32 $0x1FC, v40;
	v19 =	vand.u32 $0x1FC, v49  }
0x4b: {  	[tilespmem:$0x20] =	vst v1;
	v56 =	vshll.u32 v23, $0x2;
	v57 =	vand.u32 $0xFFFFFE00, v23;
	v58 =	vshrl.u32 v23, $0x7  }
0x4c: {  	[tilespmem:$0xA0] =	vst v10;
	v23 =	vshrl.u32 v55, $0x7;
	v7 =	vor.u32 v22, v7;
	v31 =	vand.u32 $0xFFFFFE00, v21  }
0x4d: {  	[tilespmem:$0x90] =	vst v9;
	v25 =	vld [tilespmem:$0x1A0];
	v9 =	vand.u32 $0x1FC, v29;
	v8 =	vand.u32 $0x3, v8;
	v15 =	vor.u32 v32, v15  }
0x4e: {  	[tilespmem:$0x30] =	vst v3;
	v16 =	vor.u32 v35, v17;
	v17 =	vand.u32 $0x3, v36;
	v18 =	vor.u32 v41, v18  }
0x4f: {  	[tilespmem:$0xB0] =	vst v11;
	v30 =	vld [tilespmem:$0x1B0];
	v1 =	vor.u32 v51, v19;
	v3 =	vand.u32 $0x1FC, v56;
	v59 =	vand.u32 $0x3, v58  }
0x50: {  	[tilespmem:$0xC0] =	vst v12;
	v24 =	vand.u32 $0x3, v23;
	v15 =	vor.u32 v33, v15;
	v16 =	vor.u32 v17, v16  }
0x51: {  	[tilespmem:$0x130] =	vst v2;
	v44 =	vor.u32 v42, v18;
	v1 =	vor.u32 v54, v1;
	v3 =	vor.u32 v57, v3  }
0x52: {  	[tilespmem:$0x160] =	vst v4;
	v26 =	vor.u32 v24, v7;
	v7 =	vand.u32 $0x1FC, v27;
	v32 =	vshll.u32 v25, $0x2  }
0x53: {  	v49 =	vld [tilespmem:$0x1F0];
	[tilespmem:$0xD0] =	vst v13;
	v34 =	vand.u32 $0xFFFFFE00, v25;
	v10 =	vshrl.u32 v25, $0x7;
	v3 =	vor.u32 v59, v3  }
0x54: {  	[tilespmem:$0xE0] =	vst v14;
	v35 =	vld [tilespmem:$0x1D0];
	v7 =	vor.u32 v28, v7;
	v10 =	vand.u32 $0x3, v10;
	v38 =	vshll.u32 v30, $0x2  }
0x55: {  	[tilespmem:$0x110] =	vst v39;
	v39 =	vand.u32 $0xFFFFFE00, v30;
	v40 =	vshrl.u32 v30, $0x7;
	v6 =	vor.u32 v6, v7  }
0x56: {  	v33 =	vld [tilespmem:$0x1C0];
	[tilespmem:$0xF0] =	vst v15;
	v7 =	vor.u32 v31, v9;
	v9 =	vand.u32 $0x1FC, v32;
	v42 =	vand.u32 $0x3, v40  }
0x57: {  	[tilespmem:$0x100] =	vst v16;
	v9 =	vor.u32 v34, v9;
	v36 =	vor.u32 v8, v7;
	v8 =	vand.u32 $0x1FC, v38  }
0x58: {  	[tilespmem:$0x120] =	vst v44;
	v60 =	vshll.u32 v49, $0x2;
	v61 =	vand.u32 $0xFFFFFE00, v49;
	v62 =	vshrl.u32 v49, $0x7  }
0x59: {  	[tilespmem:$0x140] =	vst v1;
	v44 =	vld [tilespmem:$0x1E0];
	v37 =	vor.u32 v10, v9;
	v41 =	vor.u32 v39, v8;
	v48 =	vshll.u32 v35, $0x2  }
0x5a: {  	[tilespmem:$0x170] =	vst v26;
	v50 =	vand.u32 $0xFFFFFE00, v35;
	v51 =	vshrl.u32 v35, $0x7;
	v63 =	vand.u32 $0x3, v62  }
0x5b: {  	[tilespmem:$0x150] =	vst v3;
	v43 =	vshll.u32 v33, $0x2;
	v1 =	vor.u32 v42, v41;
	v45 =	vand.u32 $0xFFFFFE00, v33  }
0x5c: {  	[tilespmem:$0x180] =	vst v6;
	v47 =	vshrl.u32 v33, $0x7;
	v4 =	vand.u32 $0x1FC, v48;
	v52 =	vand.u32 $0x3, v51  }
0x5d: {  	[tilespmem:$0x190] =	vst v36;
	v46 =	vand.u32 $0x1FC, v43;
	v4 =	vor.u32 v50, v4;
	v3 =	vand.u32 $0x3, v47  }
0x5e: {  	[tilespmem:$0x1A0] =	vst v37;
	v55 =	vshll.u32 v44, $0x2;
	v56 =	vand.u32 $0xFFFFFE00, v44;
	v57 =	vshrl.u32 v44, $0x7  }
0x5f: {  	[tilespmem:$0x1B0] =	vst v1;
	v2 =	vor.u32 v45, v46;
	v54 =	vor.u32 v52, v4;
	v4 =	vand.u32 $0x1FC, v60  }
0x60: {  	v53 =	vor.u32 v3, v2;
	v3 =	vand.u32 $0x1FC, v55;
	[tilespmem:$0x1D0] =	vst v54;
	v0 =	vor.u32 v61, v4  }
0x61: {  	v59 =	vand.u32 $0x3, v57;
	v58 =	vor.u32 v56, v3;
	[tilespmem:$0x1C0] =	vst v53;
	v0 =	vor.u32 v63, v0  }
0x62: {  	v1 =	vor.u32 v59, v58;
	[tilespmem:$0x1F0] =	vst v0  }
0x63: {  	[tilespmem:$0x1E0] =	vst v1  }
0x64: {  	[tilespmem:s8], [sflag:$0x1] =	stream.indirect.gather [hbm4b:s3+s8], $0x20, s2, s8, $0xb8;
	[tilespmem:$0x4200] =	vst v63  }
0x65: {  	_ =	swait.ge [sflag:s9], $0x4000  }
0x66: {  	p0 =	sne.s32 s6, $0x1;
	[sflag:s9] =	ssyncset.done $0x0  }
.Ltmp0:
0x67: {  	[sflag:s9] =	ssyncadd.s32 $0xFFFFC000;
	(pc) =	sbr.rel @p0 .LBB2_1-.Ltmp0, $4  }
0x68: {  	[hbm4b:s5+s2] =	stream.linear.scatter [tilespmem:s8], [sflag:$0x2], $0x4000, $0x38;
	[tilespmem:$0x4200] =	vst v63  }
0x69: {  	_ =	swait.ge [sflag:s7], $0x4000  }
0x6a: {  	[sflag:s7] =	ssyncset.done $0x0  }
0x6b: {  	s6 =	sadd.s32 $0xFFFFFFFF, s6;
	[sflag:s7] =	ssyncadd.s32 $0xFFFFC000  }
0x6c: {  	_ =	sfence.sel $0x180000  }
0x6d: {  	[bflag:$0x0] =	sbarrier.arrive $0xFFFF  }
0x6e: {  	p0 =	sne.s32 s1, $0x0;
	_ =	strace $0x90000047  }
0x6f: {  	s0 =	sadd.s32 @!p0 $0x100000, s0;
	[bflag:$0x2] =	sbarrier.arrive $0xFFFF  }
0x70: {  	[sflag:s0] =	ssyncadd.tile.s32 @!p0 $0x1;
	_ =	shalt  }
.Lfunc_end2:
_tile_overlayer_lowered:
.L_overlay_start_2:
0x71: {  	(tag) =	ssettag $0x2  }
0x72: {  	s0 =	rddreg [dreg:$0x0];
	s2 =	stileid.u32  }
0x73: {  	s1 =	rddreg [dreg:$0x1];
	p0 =	sne.s32 s2, $0x0  }
0x74: {  	s3 =	rddreg [dreg:$0x2];
	[bflag:$0x3] =	sbarrier.arrive $0xFFFF;
	s2 =	simm.s32 @!p0 $0x1C02  }
0x75: {  	[timem:s3], [sflag:s2] =	dma.local @!p0 [hbm:s0], s1  }
0x76: {  	s0 =	simm.s32 @!p0 $0x2  }
0x77: {  	_ =	swait.ge @!p0 [sflag:s0], s1  }
0x78: {  	s1 =	ssub.s32 @!p0 $0x0, s1;
	[sflag:s0] =	ssyncset.done @!p0 $0x0  }
0x79: {  	[sflag:s0] =	ssyncadd.s32 @!p0 s1  }
0x7a: {  	[bflag:$0x3] =	sbarrier.arrive $0xFFFF  }
0x7b: {  	_ =	shalt  }

</sc_bundles>
